<compile_context>
chip_gen: v7x
topology: tpu7x:2x2x1
jax: 0.10.2.dev20260603
libtpu: 0.0.44.dev20260713+nightly
codegen_flags: <defaults>
</compile_context>

<pallas_src>
import functools

import jax
import jax.numpy as jnp
from jax import lax
from jax.experimental import pallas as pl
from jax.experimental.pallas import tpu as pltpu
from jax.experimental.pallas import tpu_sc as plsc

N = 10000
E = 320000
F = 128
H = 128
G = 128

CHUNK = 128
NCH = 160
NCH0 = 40
EPAD = 16 * NCH * CHUNK
NPAD = 10112
STRIPE = NPAD // 16


def _mm_t(a, b):
    return lax.dot_general(a, b, (((1,), (1,)), ((), ())),
                           precision=lax.Precision.HIGHEST,
                           preferred_element_type=jnp.float32)



def _in_mlp_body(x_ref, w_ref, b_ref, o_ref):
    o_ref[...] = jnp.maximum(_mm_t(x_ref[...], w_ref[...]) + b_ref[...], 0.0)


def _layer_body(h_ref, a_ref, w1_ref, b1_ref, g_ref, be_ref, w2_ref, b2_ref,
                o_ref):
    u = h_ref[...] + a_ref[0, :N] + a_ref[1, :N]
    z = _mm_t(u, w1_ref[...]) + b1_ref[...]
    mean = jnp.mean(z, axis=0, keepdims=True)
    var = jnp.mean(z * z, axis=0, keepdims=True) - mean * mean
    zn = (z - mean) * (lax.rsqrt(var + 1e-5) * g_ref[...]) + be_ref[...]
    zn = jnp.maximum(zn, 0.0)
    o_ref[...] = _mm_t(zn, w2_ref[...]) + b2_ref[...]


def _final_body(h_ref, w_ref, b_ref, batch_ref, o_ref):
    y = _mm_t(h_ref[...], w_ref[...]) + b_ref[...]
    seg = batch_ref[0, :]
    onehot = (seg[None, :] == lax.broadcasted_iota(jnp.int32, (G, N), 0))
    onehot = onehot.astype(jnp.float32)
    o_ref[...] = lax.dot_general(onehot, y, (((1,), (0,)), ((), ())),
                                 precision=lax.Precision.HIGHEST,
                                 preferred_element_type=jnp.float32)


def _full(shape):
    return pl.BlockSpec(shape, lambda: tuple(0 for _ in shape))


def _in_mlp(x, w, b):
    return pl.pallas_call(
        _in_mlp_body,
        in_specs=[_full((N, F)), _full((H, F)), _full((1, H))],
        out_specs=_full((N, H)),
        out_shape=jax.ShapeDtypeStruct((N, H), jnp.float32),
    )(x, w, b)


def _layer_tc(h, aggs, w1, b1, gamma, beta, w2, b2):
    return pl.pallas_call(
        _layer_body,
        in_specs=[_full((N, H)), _full((2, NPAD, H)), _full((H, H)),
                  _full((1, H)), _full((1, H)), _full((1, H)), _full((H, H)),
                  _full((1, H))],
        out_specs=_full((N, H)),
        out_shape=jax.ShapeDtypeStruct((N, H), jnp.float32),
    )(h, aggs, w1, b1, gamma, beta, w2, b2)


def _final(h, w, b, batch2):
    return pl.pallas_call(
        _final_body,
        in_specs=[_full((N, H)), _full((H, H)), _full((1, H)),
                  _full((1, N))],
        out_specs=_full((G, H)),
        out_shape=jax.ShapeDtypeStruct((G, H), jnp.float32),
    )(h, w, b, batch2)



def _sc_agg(h, src3, dst3, zeros):
    mesh = plsc.VectorSubcoreMesh(core_axis_name="c", subcore_axis_name="s")

    @functools.partial(
        pl.kernel,
        mesh=mesh,
        out_type=jax.ShapeDtypeStruct((2, NPAD, H), jnp.float32),
        scratch_types=[
            pltpu.VMEM((64, CHUNK), jnp.int32),
            pltpu.VMEM((64, CHUNK), jnp.int32),
            pltpu.VMEM((CHUNK, H), jnp.float32),
            pltpu.VMEM((CHUNK, H), jnp.float32),
            pltpu.VMEM_SHARED((NPAD, H), jnp.float32),
            pltpu.SemaphoreType.DMA,
            pltpu.SemaphoreType.DMA,
            pltpu.SemaphoreType.DMA,
        ],
    )
    def body(h_hbm, src_hbm, dst_hbm, zeros_hbm, out_hbm,
             sidx, didx, rows0, rows1, agg, sem0, sem1, semz):
        c = lax.axis_index("c")
        s = lax.axis_index("s")

        def stage(off, cnt):
            pltpu.sync_copy(src_hbm.at[s, pl.ds(off, cnt)],
                            sidx.at[pl.ds(0, cnt)])
            pltpu.sync_copy(dst_hbm.at[s, pl.ds(off, cnt)],
                            didx.at[pl.ds(0, cnt)])

        def run(cnt):
            npair = cnt // 2
            pltpu.async_copy(h_hbm.at[sidx.at[0]], rows0, sem0)

            def pair(jj, c2):
                j0 = 2 * jj
                j1 = j0 + 1
                pltpu.async_copy(h_hbm.at[sidx.at[j1]], rows1, sem1)
                pltpu.make_async_copy(h_hbm.at[sidx.at[j0]], rows0,
                                      sem0).wait()
                pltpu.sync_copy(rows0, agg.at[didx.at[j0]], add=True)

                @pl.when(jj + 1 < npair)
                def _():
                    pltpu.async_copy(h_hbm.at[sidx.at[j0 + 2]], rows0, sem0)

                pltpu.make_async_copy(h_hbm.at[sidx.at[j1]], rows1,
                                      sem1).wait()
                pltpu.sync_copy(rows1, agg.at[didx.at[j1]], add=True)
                return c2

            lax.fori_loop(0, npair, pair, 0)

        def work(phases):
            stripe = pl.ds(s * STRIPE, STRIPE)
            pltpu.async_copy(zeros_hbm.at[stripe], agg.at[stripe], semz)
            stage(*phases[0])
            pltpu.make_async_copy(zeros_hbm.at[stripe], agg.at[stripe],
                                  semz).wait()
            plsc.subcore_barrier()
            run(phases[0][1])
            for ph in phases[1:]:
                stage(*ph)
                run(ph[1])

        @pl.when(c == 0)
        def _():
            work(((0, NCH0),))

        @pl.when(c == 1)
        def _():
            work(((NCH0, 56), (96, 64)))

        plsc.subcore_barrier()
        pltpu.sync_copy(agg.at[pl.ds(s * STRIPE, STRIPE)],
                        out_hbm.at[c, pl.ds(s * STRIPE, STRIPE)])

    return body(h, src3, dst3, zeros)



def kernel(x, edge_index, batch, reconstruct, t1_W, t1_b, t2_W, t2_b,
           W1s, b1s, gammas, betas, W2s, b2s):
    del reconstruct
    pad = EPAD - E
    src = jnp.concatenate([edge_index[0], jnp.zeros((pad,), jnp.int32)])
    dst = jnp.concatenate([edge_index[1], jnp.full((pad,), N, jnp.int32)])
    src3 = src.reshape(16, NCH, CHUNK)
    dst3 = dst.reshape(16, NCH, CHUNK)
    zeros = jnp.zeros((NPAD, H), jnp.float32)
    batch2 = batch.reshape(1, N)

    h = _in_mlp(x, t1_W, t1_b.reshape(1, H))
    for i in range(W1s.shape[0]):
        aggs = _sc_agg(h, src3, dst3, zeros)
        h = _layer_tc(h, aggs, W1s[i], b1s[i].reshape(1, H),
                      gammas[i].reshape(1, H), betas[i].reshape(1, H),
                      W2s[i], b2s[i].reshape(1, H))
    return _final(h, t2_W, t2_b.reshape(1, H), batch2)

# --- scband reference (transcript-rebuilt; emitter-appended) ---
"""Pipeline reference for scband-gin-14078902796336 (READ-ONLY COPY).

The authoritative reference and input builder live on the scoring server;
editing this copy changes nothing except your own understanding.
"""

import jax, jax.numpy as jnp
import numpy as np

N = 10000
E = 320000
F = 128
H = 128
L = 3
G = 128

def setup_inputs(seed: int = 0) -> dict:
    key = jax.random.key(seed)
    ks = jax.random.split(key, 12)
    x = jax.random.normal(ks[0], (N, F), dtype=jnp.float32)
    edge_index = jax.random.randint(ks[1], (2, E), 0, N, dtype=jnp.int32)
    batch = jnp.sort(jax.random.randint(ks[2], (N,), 0, G, dtype=jnp.int32))
    sx = float(np.sqrt(2.0 / (F + H)))
    sh = float(np.sqrt(2.0 / (H + H)))
    t1_W = jax.random.normal(ks[3], (H, F), dtype=jnp.float32) * sx
    t1_b = jnp.zeros((H,), dtype=jnp.float32)
    t2_W = jax.random.normal(ks[4], (H, H), dtype=jnp.float32) * sh
    t2_b = jnp.zeros((H,), dtype=jnp.float32)
    W1s = jax.random.normal(ks[5], (L, H, H), dtype=jnp.float32) * sh
    b1s = jnp.zeros((L, H), dtype=jnp.float32)
    gammas = jnp.ones((L, H), dtype=jnp.float32)
    betas = jnp.zeros((L, H), dtype=jnp.float32)
    W2s = jax.random.normal(ks[6], (L, H, H), dtype=jnp.float32) * sh
    b2s = jnp.zeros((L, H), dtype=jnp.float32)
    return {"x": x, "edge_index": edge_index, "batch": batch, "reconstruct": 0,
            "t1_W": t1_W, "t1_b": t1_b, "t2_W": t2_W, "t2_b": t2_b,
            "W1s": W1s, "b1s": b1s, "gammas": gammas, "betas": betas,
            "W2s": W2s, "b2s": b2s}

def reference(x, edge_index, batch, reconstruct, t1_W, t1_b, t2_W, t2_b, W1s, b1s, gammas, betas, W2s, b2s):
    # dropout p=0.0 -> identity
    h = jnp.maximum(x @ t1_W.T + t1_b, 0.0)
    src = edge_index[0]
    dst = edge_index[1]
    for i in range(L):
        # GINConv: nn((1 + eps) * x + sum_{j in N(i)} x_j), eps = 0
        agg = jnp.zeros_like(h).at[dst].add(h[src])
        z = h + agg
        z = z @ W1s[i].T + b1s[i]
        mean = jnp.mean(z, axis=0)
        var = jnp.var(z, axis=0)
        z = (z - mean) / jnp.sqrt(var + 1e-5) * gammas[i] + betas[i]
        z = jnp.maximum(z, 0.0)
        h = z @ W2s[i].T + b2s[i]
    h = h @ t2_W.T + t2_b
    graph_emb = jax.ops.segment_sum(h, batch, num_segments=G)
    graph_emb = graph_emb + jnp.asarray(reconstruct, jnp.float32) * 0.0
    return graph_emb

if __name__ == "__main__":
    import jax
    _d = setup_inputs()
    print(jax.jit(kernel)(*tuple(_d.values())))

</pallas_src>

<mosaic_0001>
#map = affine_map<(d0, d1) -> (0, 0)>
#map1 = affine_map<(d0, d1) -> (0, 0, 0)>
module attributes {stable_mosaic.version = 14 : i64} {
  func.func @body(%arg0: i32, %arg1: i32, %arg2: memref<10000x128xf32, #tpu.memory_space<hbm>>, %arg3: memref<16x160x128xi32, #tpu.memory_space<hbm>>, %arg4: memref<16x160x128xi32, #tpu.memory_space<hbm>>, %arg5: memref<10112x128xf32, #tpu.memory_space<hbm>>, %arg6: memref<2x10112x128xf32, #tpu.memory_space<hbm>>, %arg7: memref<64x128xi32, #tpu.memory_space<vmem>>, %arg8: memref<64x128xi32, #tpu.memory_space<vmem>>, %arg9: memref<128x128xf32, #tpu.memory_space<vmem>>, %arg10: memref<128x128xf32, #tpu.memory_space<vmem>>, %arg11: memref<10112x128xf32, #tpu.memory_space<vmem_shared>>, %arg12: memref<!tpu.dma_semaphore, #tpu.memory_space<semaphore_mem>>, %arg13: memref<!tpu.dma_semaphore, #tpu.memory_space<semaphore_mem>>, %arg14: memref<!tpu.dma_semaphore, #tpu.memory_space<semaphore_mem>>) attributes {dimension_semantics = [#tpu.dimension_semantics<core_parallel>, #tpu.dimension_semantics<subcore_parallel>], iteration_bounds = array<i64: 2, 16>, scalar_prefetch = 0 : i64, scratch_operands = 8 : i64, tpu.core_type = #tpu.core_type<sc_vector_subcore>, window_params = [{transform_indices = #map}, {transform_indices = #map1}, {transform_indices = #map1}, {transform_indices = #map}, {transform_indices = #map1}]} {
    %eq3A = arith.constant 0 : i32
    %eq3A_0 = arith.cmpi eq, %arg0, %eq3A : i32
    %convert_element_type3A = arith.extui %eq3A_0 : i1 to i32
    %cond3A = arith.constant 0 : i32
    %cond3A_1 = arith.cmpi ne, %convert_element_type3A, %cond3A : i32
    scf.if %cond3A_1 {
      %mul3A_10 = arith.constant 632 : i32
      %mul3A_11 = arith.muli %arg1, %mul3A_10 : i32
      %dma_start3A = arith.constant 0 : i32
      %dma_start3A_12 = tpu.memref_slice %arg11[%mul3A_11, %dma_start3A] : memref<10112x128xf32, #tpu.memory_space<vmem_shared>> -> memref<632x128xf32, #tpu.memory_space<vmem_shared>>
      %dma_start3A_13 = arith.constant 0 : i32
      %dma_start3A_14 = tpu.memref_slice %arg5[%mul3A_11, %dma_start3A_13] : memref<10112x128xf32, #tpu.memory_space<hbm>> -> memref<632x128xf32, #tpu.memory_space<hbm>>
      tpu.enqueue_dma source(%dma_start3A_14 : memref<632x128xf32, #tpu.memory_space<hbm>>) target(%dma_start3A_12 : memref<632x128xf32, #tpu.memory_space<vmem_shared>>) target_semaphore(%arg14 : memref<!tpu.dma_semaphore, #tpu.memory_space<semaphore_mem>>)
      "tpu.region"() ({
        %run_scoped3A = tpu.sem_alloc : memref<!tpu.dma_semaphore, #tpu.memory_space<semaphore_mem>>
        %dma_start3A_31 = arith.constant 0 : i32
        %dma_start3A_32 = arith.constant 0 : i32
        %dma_start3A_33 = tpu.memref_slice %arg7[%dma_start3A_31, %dma_start3A_32] : memref<64x128xi32, #tpu.memory_space<vmem>> -> memref<40x128xi32, #tpu.memory_space<vmem>>
        %dma_start3A_34 = arith.constant 0 : i32
        %dma_start3A_35 = arith.constant 0 : i32
        %dma_start3A_36 = tpu.memref_slice %arg3[%arg1, %dma_start3A_34, %dma_start3A_35] : memref<16x160x128xi32, #tpu.memory_space<hbm>> -> memref<1x40x128xi32, #tpu.memory_space<hbm>>
        %dma_start3A_37 = tpu.memref_squeeze %dma_start3A_36 : memref<1x40x128xi32, #tpu.memory_space<hbm>> -> memref<40x128xi32, #tpu.memory_space<hbm>>
        %dma_start3A_38 = arith.constant 0 : i32
        %dma_start3A_39 = arith.constant 0 : i32
        %dma_start3A_40 = tpu.memref_slice %arg7[%dma_start3A_38, %dma_start3A_39] : memref<64x128xi32, #tpu.memory_space<vmem>> -> memref<40x128xi32, #tpu.memory_space<vmem>>
        %dma_start3A_41 = arith.constant 0 : i32
        %dma_start3A_42 = arith.constant 0 : i32
        %dma_start3A_43 = tpu.memref_slice %arg3[%arg1, %dma_start3A_41, %dma_start3A_42] : memref<16x160x128xi32, #tpu.memory_space<hbm>> -> memref<1x40x128xi32, #tpu.memory_space<hbm>>
        %dma_start3A_44 = tpu.memref_squeeze %dma_start3A_43 : memref<1x40x128xi32, #tpu.memory_space<hbm>> -> memref<40x128xi32, #tpu.memory_space<hbm>>
        tpu.enqueue_dma source(%dma_start3A_44 : memref<40x128xi32, #tpu.memory_space<hbm>>) target(%dma_start3A_40 : memref<40x128xi32, #tpu.memory_space<vmem>>) target_semaphore(%run_scoped3A : memref<!tpu.dma_semaphore, #tpu.memory_space<semaphore_mem>>)
        %dma_wait3A_45 = arith.constant 0 : i32
        %dma_wait3A_46 = arith.constant 0 : i32
        %dma_wait3A_47 = tpu.memref_slice %arg7[%dma_wait3A_45, %dma_wait3A_46] : memref<64x128xi32, #tpu.memory_space<vmem>> -> memref<40x128xi32, #tpu.memory_space<vmem>>
        %dma_wait3A_48 = arith.constant 0 : i32
        %dma_wait3A_49 = arith.constant 0 : i32
        %dma_wait3A_50 = tpu.memref_slice %arg3[%arg1, %dma_wait3A_48, %dma_wait3A_49] : memref<16x160x128xi32, #tpu.memory_space<hbm>> -> memref<1x40x128xi32, #tpu.memory_space<hbm>>
        %dma_wait3A_51 = tpu.memref_squeeze %dma_wait3A_50 : memref<1x40x128xi32, #tpu.memory_space<hbm>> -> memref<40x128xi32, #tpu.memory_space<hbm>>
        %dma_wait3A_52 = arith.constant 0 : i32
        %dma_wait3A_53 = arith.constant 0 : i32
        %dma_wait3A_54 = tpu.memref_slice %arg7[%dma_wait3A_52, %dma_wait3A_53] : memref<64x128xi32, #tpu.memory_space<vmem>> -> memref<40x128xi32, #tpu.memory_space<vmem>>
        %dma_wait3A_55 = arith.constant 0 : i32
        %dma_wait3A_56 = arith.constant 0 : i32
        %dma_wait3A_57 = tpu.memref_slice %arg3[%arg1, %dma_wait3A_55, %dma_wait3A_56] : memref<16x160x128xi32, #tpu.memory_space<hbm>> -> memref<1x40x128xi32, #tpu.memory_space<hbm>>
        %dma_wait3A_58 = tpu.memref_squeeze %dma_wait3A_57 : memref<1x40x128xi32, #tpu.memory_space<hbm>> -> memref<40x128xi32, #tpu.memory_space<hbm>>
        tpu.wait_dma2 semaphore(%run_scoped3A : memref<!tpu.dma_semaphore, #tpu.memory_space<semaphore_mem>>) src(%dma_wait3A_58 : memref<40x128xi32, #tpu.memory_space<hbm>>) dst(%dma_wait3A_54 : memref<40x128xi32, #tpu.memory_space<vmem>>)
        tpu.yield
      }) : () -> ()
      "tpu.region"() ({
        %run_scoped3A = tpu.sem_alloc : memref<!tpu.dma_semaphore, #tpu.memory_space<semaphore_mem>>
        %dma_start3A_31 = arith.constant 0 : i32
        %dma_start3A_32 = arith.constant 0 : i32
        %dma_start3A_33 = tpu.memref_slice %arg8[%dma_start3A_31, %dma_start3A_32] : memref<64x128xi32, #tpu.memory_space<vmem>> -> memref<40x128xi32, #tpu.memory_space<vmem>>
        %dma_start3A_34 = arith.constant 0 : i32
        %dma_start3A_35 = arith.constant 0 : i32
        %dma_start3A_36 = tpu.memref_slice %arg4[%arg1, %dma_start3A_34, %dma_start3A_35] : memref<16x160x128xi32, #tpu.memory_space<hbm>> -> memref<1x40x128xi32, #tpu.memory_space<hbm>>
        %dma_start3A_37 = tpu.memref_squeeze %dma_start3A_36 : memref<1x40x128xi32, #tpu.memory_space<hbm>> -> memref<40x128xi32, #tpu.memory_space<hbm>>
        %dma_start3A_38 = arith.constant 0 : i32
        %dma_start3A_39 = arith.constant 0 : i32
        %dma_start3A_40 = tpu.memref_slice %arg8[%dma_start3A_38, %dma_start3A_39] : memref<64x128xi32, #tpu.memory_space<vmem>> -> memref<40x128xi32, #tpu.memory_space<vmem>>
        %dma_start3A_41 = arith.constant 0 : i32
        %dma_start3A_42 = arith.constant 0 : i32
        %dma_start3A_43 = tpu.memref_slice %arg4[%arg1, %dma_start3A_41, %dma_start3A_42] : memref<16x160x128xi32, #tpu.memory_space<hbm>> -> memref<1x40x128xi32, #tpu.memory_space<hbm>>
        %dma_start3A_44 = tpu.memref_squeeze %dma_start3A_43 : memref<1x40x128xi32, #tpu.memory_space<hbm>> -> memref<40x128xi32, #tpu.memory_space<hbm>>
        tpu.enqueue_dma source(%dma_start3A_44 : memref<40x128xi32, #tpu.memory_space<hbm>>) target(%dma_start3A_40 : memref<40x128xi32, #tpu.memory_space<vmem>>) target_semaphore(%run_scoped3A : memref<!tpu.dma_semaphore, #tpu.memory_space<semaphore_mem>>)
        %dma_wait3A_45 = arith.constant 0 : i32
        %dma_wait3A_46 = arith.constant 0 : i32
        %dma_wait3A_47 = tpu.memref_slice %arg8[%dma_wait3A_45, %dma_wait3A_46] : memref<64x128xi32, #tpu.memory_space<vmem>> -> memref<40x128xi32, #tpu.memory_space<vmem>>
        %dma_wait3A_48 = arith.constant 0 : i32
        %dma_wait3A_49 = arith.constant 0 : i32
        %dma_wait3A_50 = tpu.memref_slice %arg4[%arg1, %dma_wait3A_48, %dma_wait3A_49] : memref<16x160x128xi32, #tpu.memory_space<hbm>> -> memref<1x40x128xi32, #tpu.memory_space<hbm>>
        %dma_wait3A_51 = tpu.memref_squeeze %dma_wait3A_50 : memref<1x40x128xi32, #tpu.memory_space<hbm>> -> memref<40x128xi32, #tpu.memory_space<hbm>>
        %dma_wait3A_52 = arith.constant 0 : i32
        %dma_wait3A_53 = arith.constant 0 : i32
        %dma_wait3A_54 = tpu.memref_slice %arg8[%dma_wait3A_52, %dma_wait3A_53] : memref<64x128xi32, #tpu.memory_space<vmem>> -> memref<40x128xi32, #tpu.memory_space<vmem>>
        %dma_wait3A_55 = arith.constant 0 : i32
        %dma_wait3A_56 = arith.constant 0 : i32
        %dma_wait3A_57 = tpu.memref_slice %arg4[%arg1, %dma_wait3A_55, %dma_wait3A_56] : memref<16x160x128xi32, #tpu.memory_space<hbm>> -> memref<1x40x128xi32, #tpu.memory_space<hbm>>
        %dma_wait3A_58 = tpu.memref_squeeze %dma_wait3A_57 : memref<1x40x128xi32, #tpu.memory_space<hbm>> -> memref<40x128xi32, #tpu.memory_space<hbm>>
        tpu.wait_dma2 semaphore(%run_scoped3A : memref<!tpu.dma_semaphore, #tpu.memory_space<semaphore_mem>>) src(%dma_wait3A_58 : memref<40x128xi32, #tpu.memory_space<hbm>>) dst(%dma_wait3A_54 : memref<40x128xi32, #tpu.memory_space<vmem>>)
        tpu.yield
      }) : () -> ()
      %dma_wait3A = arith.constant 0 : i32
      %dma_wait3A_15 = tpu.memref_slice %arg11[%mul3A_11, %dma_wait3A] : memref<10112x128xf32, #tpu.memory_space<vmem_shared>> -> memref<632x128xf32, #tpu.memory_space<vmem_shared>>
      %dma_wait3A_16 = arith.constant 0 : i32
      %dma_wait3A_17 = tpu.memref_slice %arg5[%mul3A_11, %dma_wait3A_16] : memref<10112x128xf32, #tpu.memory_space<hbm>> -> memref<632x128xf32, #tpu.memory_space<hbm>>
      tpu.wait_dma2 semaphore(%arg14 : memref<!tpu.dma_semaphore, #tpu.memory_space<semaphore_mem>>) src(%dma_wait3A_17 : memref<632x128xf32, #tpu.memory_space<hbm>>) dst(%dma_wait3A_15 : memref<632x128xf32, #tpu.memory_space<vmem_shared>>)
      %barrier3A_18 = arith.constant 0 : index
      tpu.barrier barrier_id(%barrier3A_18)
      %dma_start3A_19 = arith.constant 0 : i32
      %dma_start3A_20 = arith.constant 0 : i32
      %dma_start3A_21 = tpu.memref_slice %arg7[%dma_start3A_19, %dma_start3A_20] : memref<64x128xi32, #tpu.memory_space<vmem>> -> memref<1x128xi32, #tpu.memory_space<vmem>>
      %dma_start3A_22 = tpu.memref_squeeze %dma_start3A_21 : memref<1x128xi32, #tpu.memory_space<vmem>> -> memref<128xi32, #tpu.memory_space<vmem>>
      %dma_start3A_23 = arith.constant 0 : i32
      %dma_start3A_24 = arith.constant 0 : i32
      %dma_start3A_25 = tpu.memref_slice %arg2[%dma_start3A_23, %dma_start3A_24] : memref<10000x128xf32, #tpu.memory_space<hbm>> -> memref<10000x128xf32, #tpu.memory_space<hbm>>
      tpu.enqueue_indirect_dma source(%dma_start3A_25 : memref<10000x128xf32, #tpu.memory_space<hbm>>) target(%arg9 : memref<128x128xf32, #tpu.memory_space<vmem>>) offsets(%dma_start3A_22 : memref<128xi32, #tpu.memory_space<vmem>>) semaphore(%arg12 : memref<!tpu.dma_semaphore, #tpu.memory_space<semaphore_mem>>)
      %scan3A = arith.constant 0 : i32
      %scan3A_26 = arith.constant 0 : i32
      %scan3A_27 = arith.constant 20 : i32
      %scan3A_28 = arith.addi %scan3A_26, %scan3A_27 : i32
      %scan3A_29 = arith.constant 1 : i32
      scf.for %scan3A_31 = %scan3A_26 to %scan3A_28 step %scan3A_29  : i32 {
        %mul3A_32 = arith.constant 2 : i32
        %mul3A_33 = arith.muli %mul3A_32, %scan3A_31 : i32
        %add3A = arith.constant 1 : i32
        %add3A_34 = arith.addi %mul3A_33, %add3A : i32
        %dma_start3A_35 = arith.constant 0 : i32
        %dma_start3A_36 = tpu.memref_slice %arg7[%add3A_34, %dma_start3A_35] : memref<64x128xi32, #tpu.memory_space<vmem>> -> memref<1x128xi32, #tpu.memory_space<vmem>>
        %dma_start3A_37 = tpu.memref_squeeze %dma_start3A_36 : memref<1x128xi32, #tpu.memory_space<vmem>> -> memref<128xi32, #tpu.memory_space<vmem>>
        %dma_start3A_38 = arith.constant 0 : i32
        %dma_start3A_39 = arith.constant 0 : i32
        %dma_start3A_40 = tpu.memref_slice %arg2[%dma_start3A_38, %dma_start3A_39] : memref<10000x128xf32, #tpu.memory_space<hbm>> -> memref<10000x128xf32, #tpu.memory_space<hbm>>
        tpu.enqueue_indirect_dma source(%dma_start3A_40 : memref<10000x128xf32, #tpu.memory_space<hbm>>) target(%arg10 : memref<128x128xf32, #tpu.memory_space<vmem>>) offsets(%dma_start3A_37 : memref<128xi32, #tpu.memory_space<vmem>>) semaphore(%arg13 : memref<!tpu.dma_semaphore, #tpu.memory_space<semaphore_mem>>)
        %dma_wait3A_41 = arith.constant 0 : i32
        %dma_wait3A_42 = tpu.memref_slice %arg7[%mul3A_33, %dma_wait3A_41] : memref<64x128xi32, #tpu.memory_space<vmem>> -> memref<1x128xi32, #tpu.memory_space<vmem>>
        %dma_wait3A_43 = tpu.memref_squeeze %dma_wait3A_42 : memref<1x128xi32, #tpu.memory_space<vmem>> -> memref<128xi32, #tpu.memory_space<vmem>>
        %dma_wait3A_44 = arith.constant 0 : i32
        %dma_wait3A_45 = arith.constant 0 : i32
        %dma_wait3A_46 = tpu.memref_slice %arg2[%dma_wait3A_44, %dma_wait3A_45] : memref<10000x128xf32, #tpu.memory_space<hbm>> -> memref<10000x128xf32, #tpu.memory_space<hbm>>
        tpu.wait_indirect_dma semaphore(%arg12 : memref<!tpu.dma_semaphore, #tpu.memory_space<semaphore_mem>>) src(%dma_wait3A_46 : memref<10000x128xf32, #tpu.memory_space<hbm>>) dst(%arg9 : memref<128x128xf32, #tpu.memory_space<vmem>>)
        "tpu.region"() ({
          %run_scoped3A = tpu.sem_alloc : memref<!tpu.dma_semaphore, #tpu.memory_space<semaphore_mem>>
          %dma_start3A_59 = arith.constant 0 : i32
          %dma_start3A_60 = tpu.memref_slice %arg8[%mul3A_33, %dma_start3A_59] : memref<64x128xi32, #tpu.memory_space<vmem>> -> memref<1x128xi32, #tpu.memory_space<vmem>>
          %dma_start3A_61 = tpu.memref_squeeze %dma_start3A_60 : memref<1x128xi32, #tpu.memory_space<vmem>> -> memref<128xi32, #tpu.memory_space<vmem>>
          %dma_start3A_62 = arith.constant 0 : i32
          %dma_start3A_63 = arith.constant 0 : i32
          %dma_start3A_64 = tpu.memref_slice %arg11[%dma_start3A_62, %dma_start3A_63] : memref<10112x128xf32, #tpu.memory_space<vmem_shared>> -> memref<10112x128xf32, #tpu.memory_space<vmem_shared>>
          tpu.enqueue_indirect_dma source(%arg9 : memref<128x128xf32, #tpu.memory_space<vmem>>) target(%dma_start3A_64 : memref<10112x128xf32, #tpu.memory_space<vmem_shared>>) offsets(%dma_start3A_61 : memref<128xi32, #tpu.memory_space<vmem>>) semaphore(%run_scoped3A : memref<!tpu.dma_semaphore, #tpu.memory_space<semaphore_mem>>) {add = true}
          %dma_wait3A_65 = arith.constant 0 : i32
          %dma_wait3A_66 = tpu.memref_slice %arg8[%mul3A_33, %dma_wait3A_65] : memref<64x128xi32, #tpu.memory_space<vmem>> -> memref<1x128xi32, #tpu.memory_space<vmem>>
          %dma_wait3A_67 = tpu.memref_squeeze %dma_wait3A_66 : memref<1x128xi32, #tpu.memory_space<vmem>> -> memref<128xi32, #tpu.memory_space<vmem>>
          %dma_wait3A_68 = arith.constant 0 : i32
          %dma_wait3A_69 = arith.constant 0 : i32
          %dma_wait3A_70 = tpu.memref_slice %arg11[%dma_wait3A_68, %dma_wait3A_69] : memref<10112x128xf32, #tpu.memory_space<vmem_shared>> -> memref<10112x128xf32, #tpu.memory_space<vmem_shared>>
          tpu.wait_indirect_dma semaphore(%run_scoped3A : memref<!tpu.dma_semaphore, #tpu.memory_space<semaphore_mem>>) src(%arg9 : memref<128x128xf32, #tpu.memory_space<vmem>>) dst(%dma_wait3A_70 : memref<10112x128xf32, #tpu.memory_space<vmem_shared>>)
          tpu.yield
        }) : () -> ()
        %add3A_47 = arith.constant 1 : i32
        %add3A_48 = arith.addi %scan3A_31, %add3A_47 : i32
        %lt3A = arith.constant 20 : i32
        %lt3A_49 = arith.cmpi slt, %add3A_48, %lt3A : i32
        %convert_element_type3A_50 = arith.extui %lt3A_49 : i1 to i32
        %cond3A_51 = arith.constant 0 : i32
        %cond3A_52 = arith.cmpi ne, %convert_element_type3A_50, %cond3A_51 : i32
        scf.if %cond3A_52 {
          %add3A_59 = arith.constant 2 : i32
          %add3A_60 = arith.addi %mul3A_33, %add3A_59 : i32
          %dma_start3A_61 = arith.constant 0 : i32
          %dma_start3A_62 = tpu.memref_slice %arg7[%add3A_60, %dma_start3A_61] : memref<64x128xi32, #tpu.memory_space<vmem>> -> memref<1x128xi32, #tpu.memory_space<vmem>>
          %dma_start3A_63 = tpu.memref_squeeze %dma_start3A_62 : memref<1x128xi32, #tpu.memory_space<vmem>> -> memref<128xi32, #tpu.memory_space<vmem>>
          %dma_start3A_64 = arith.constant 0 : i32
          %dma_start3A_65 = arith.constant 0 : i32
          %dma_start3A_66 = tpu.memref_slice %arg2[%dma_start3A_64, %dma_start3A_65] : memref<10000x128xf32, #tpu.memory_space<hbm>> -> memref<10000x128xf32, #tpu.memory_space<hbm>>
          tpu.enqueue_indirect_dma source(%dma_start3A_66 : memref<10000x128xf32, #tpu.memory_space<hbm>>) target(%arg9 : memref<128x128xf32, #tpu.memory_space<vmem>>) offsets(%dma_start3A_63 : memref<128xi32, #tpu.memory_space<vmem>>) semaphore(%arg12 : memref<!tpu.dma_semaphore, #tpu.memory_space<semaphore_mem>>)
        } else {
        }
        %dma_wait3A_53 = arith.constant 0 : i32
        %dma_wait3A_54 = tpu.memref_slice %arg7[%add3A_34, %dma_wait3A_53] : memref<64x128xi32, #tpu.memory_space<vmem>> -> memref<1x128xi32, #tpu.memory_space<vmem>>
        %dma_wait3A_55 = tpu.memref_squeeze %dma_wait3A_54 : memref<1x128xi32, #tpu.memory_space<vmem>> -> memref<128xi32, #tpu.memory_space<vmem>>
        %dma_wait3A_56 = arith.constant 0 : i32
        %dma_wait3A_57 = arith.constant 0 : i32
        %dma_wait3A_58 = tpu.memref_slice %arg2[%dma_wait3A_56, %dma_wait3A_57] : memref<10000x128xf32, #tpu.memory_space<hbm>> -> memref<10000x128xf32, #tpu.memory_space<hbm>>
        tpu.wait_indirect_dma semaphore(%arg13 : memref<!tpu.dma_semaphore, #tpu.memory_space<semaphore_mem>>) src(%dma_wait3A_58 : memref<10000x128xf32, #tpu.memory_space<hbm>>) dst(%arg10 : memref<128x128xf32, #tpu.memory_space<vmem>>)
        "tpu.region"() ({
          %run_scoped3A = tpu.sem_alloc : memref<!tpu.dma_semaphore, #tpu.memory_space<semaphore_mem>>
          %dma_start3A_59 = arith.constant 0 : i32
          %dma_start3A_60 = tpu.memref_slice %arg8[%add3A_34, %dma_start3A_59] : memref<64x128xi32, #tpu.memory_space<vmem>> -> memref<1x128xi32, #tpu.memory_space<vmem>>
          %dma_start3A_61 = tpu.memref_squeeze %dma_start3A_60 : memref<1x128xi32, #tpu.memory_space<vmem>> -> memref<128xi32, #tpu.memory_space<vmem>>
          %dma_start3A_62 = arith.constant 0 : i32
          %dma_start3A_63 = arith.constant 0 : i32
          %dma_start3A_64 = tpu.memref_slice %arg11[%dma_start3A_62, %dma_start3A_63] : memref<10112x128xf32, #tpu.memory_space<vmem_shared>> -> memref<10112x128xf32, #tpu.memory_space<vmem_shared>>
          tpu.enqueue_indirect_dma source(%arg10 : memref<128x128xf32, #tpu.memory_space<vmem>>) target(%dma_start3A_64 : memref<10112x128xf32, #tpu.memory_space<vmem_shared>>) offsets(%dma_start3A_61 : memref<128xi32, #tpu.memory_space<vmem>>) semaphore(%run_scoped3A : memref<!tpu.dma_semaphore, #tpu.memory_space<semaphore_mem>>) {add = true}
          %dma_wait3A_65 = arith.constant 0 : i32
          %dma_wait3A_66 = tpu.memref_slice %arg8[%add3A_34, %dma_wait3A_65] : memref<64x128xi32, #tpu.memory_space<vmem>> -> memref<1x128xi32, #tpu.memory_space<vmem>>
          %dma_wait3A_67 = tpu.memref_squeeze %dma_wait3A_66 : memref<1x128xi32, #tpu.memory_space<vmem>> -> memref<128xi32, #tpu.memory_space<vmem>>
          %dma_wait3A_68 = arith.constant 0 : i32
          %dma_wait3A_69 = arith.constant 0 : i32
          %dma_wait3A_70 = tpu.memref_slice %arg11[%dma_wait3A_68, %dma_wait3A_69] : memref<10112x128xf32, #tpu.memory_space<vmem_shared>> -> memref<10112x128xf32, #tpu.memory_space<vmem_shared>>
          tpu.wait_indirect_dma semaphore(%run_scoped3A : memref<!tpu.dma_semaphore, #tpu.memory_space<semaphore_mem>>) src(%arg10 : memref<128x128xf32, #tpu.memory_space<vmem>>) dst(%dma_wait3A_70 : memref<10112x128xf32, #tpu.memory_space<vmem_shared>>)
          tpu.yield
        }) : () -> ()
      }
      %scan3A_30 = arith.constant 20 : i32
    } else {
    }
    %eq3A_2 = arith.constant 1 : i32
    %eq3A_3 = arith.cmpi eq, %arg0, %eq3A_2 : i32
    %convert_element_type3A_4 = arith.extui %eq3A_3 : i1 to i32
    %cond3A_5 = arith.constant 0 : i32
    %cond3A_6 = arith.cmpi ne, %convert_element_type3A_4, %cond3A_5 : i32
    scf.if %cond3A_6 {
      %mul3A_10 = arith.constant 632 : i32
      %mul3A_11 = arith.muli %arg1, %mul3A_10 : i32
      %dma_start3A = arith.constant 0 : i32
      %dma_start3A_12 = tpu.memref_slice %arg11[%mul3A_11, %dma_start3A] : memref<10112x128xf32, #tpu.memory_space<vmem_shared>> -> memref<632x128xf32, #tpu.memory_space<vmem_shared>>
      %dma_start3A_13 = arith.constant 0 : i32
      %dma_start3A_14 = tpu.memref_slice %arg5[%mul3A_11, %dma_start3A_13] : memref<10112x128xf32, #tpu.memory_space<hbm>> -> memref<632x128xf32, #tpu.memory_space<hbm>>
      tpu.enqueue_dma source(%dma_start3A_14 : memref<632x128xf32, #tpu.memory_space<hbm>>) target(%dma_start3A_12 : memref<632x128xf32, #tpu.memory_space<vmem_shared>>) target_semaphore(%arg14 : memref<!tpu.dma_semaphore, #tpu.memory_space<semaphore_mem>>)
      "tpu.region"() ({
        %run_scoped3A = tpu.sem_alloc : memref<!tpu.dma_semaphore, #tpu.memory_space<semaphore_mem>>
        %dma_start3A_44 = arith.constant 0 : i32
        %dma_start3A_45 = arith.constant 0 : i32
        %dma_start3A_46 = tpu.memref_slice %arg7[%dma_start3A_44, %dma_start3A_45] : memref<64x128xi32, #tpu.memory_space<vmem>> -> memref<56x128xi32, #tpu.memory_space<vmem>>
        %dma_start3A_47 = arith.constant 40 : i32
        %dma_start3A_48 = arith.constant 0 : i32
        %dma_start3A_49 = tpu.memref_slice %arg3[%arg1, %dma_start3A_47, %dma_start3A_48] : memref<16x160x128xi32, #tpu.memory_space<hbm>> -> memref<1x56x128xi32, #tpu.memory_space<hbm>>
        %dma_start3A_50 = tpu.memref_squeeze %dma_start3A_49 : memref<1x56x128xi32, #tpu.memory_space<hbm>> -> memref<56x128xi32, #tpu.memory_space<hbm>>
        %dma_start3A_51 = arith.constant 0 : i32
        %dma_start3A_52 = arith.constant 0 : i32
        %dma_start3A_53 = tpu.memref_slice %arg7[%dma_start3A_51, %dma_start3A_52] : memref<64x128xi32, #tpu.memory_space<vmem>> -> memref<56x128xi32, #tpu.memory_space<vmem>>
        %dma_start3A_54 = arith.constant 40 : i32
        %dma_start3A_55 = arith.constant 0 : i32
        %dma_start3A_56 = tpu.memref_slice %arg3[%arg1, %dma_start3A_54, %dma_start3A_55] : memref<16x160x128xi32, #tpu.memory_space<hbm>> -> memref<1x56x128xi32, #tpu.memory_space<hbm>>
        %dma_start3A_57 = tpu.memref_squeeze %dma_start3A_56 : memref<1x56x128xi32, #tpu.memory_space<hbm>> -> memref<56x128xi32, #tpu.memory_space<hbm>>
        tpu.enqueue_dma source(%dma_start3A_57 : memref<56x128xi32, #tpu.memory_space<hbm>>) target(%dma_start3A_53 : memref<56x128xi32, #tpu.memory_space<vmem>>) target_semaphore(%run_scoped3A : memref<!tpu.dma_semaphore, #tpu.memory_space<semaphore_mem>>)
        %dma_wait3A_58 = arith.constant 0 : i32
        %dma_wait3A_59 = arith.constant 0 : i32
        %dma_wait3A_60 = tpu.memref_slice %arg7[%dma_wait3A_58, %dma_wait3A_59] : memref<64x128xi32, #tpu.memory_space<vmem>> -> memref<56x128xi32, #tpu.memory_space<vmem>>
        %dma_wait3A_61 = arith.constant 40 : i32
        %dma_wait3A_62 = arith.constant 0 : i32
        %dma_wait3A_63 = tpu.memref_slice %arg3[%arg1, %dma_wait3A_61, %dma_wait3A_62] : memref<16x160x128xi32, #tpu.memory_space<hbm>> -> memref<1x56x128xi32, #tpu.memory_space<hbm>>
        %dma_wait3A_64 = tpu.memref_squeeze %dma_wait3A_63 : memref<1x56x128xi32, #tpu.memory_space<hbm>> -> memref<56x128xi32, #tpu.memory_space<hbm>>
        %dma_wait3A_65 = arith.constant 0 : i32
        %dma_wait3A_66 = arith.constant 0 : i32
        %dma_wait3A_67 = tpu.memref_slice %arg7[%dma_wait3A_65, %dma_wait3A_66] : memref<64x128xi32, #tpu.memory_space<vmem>> -> memref<56x128xi32, #tpu.memory_space<vmem>>
        %dma_wait3A_68 = arith.constant 40 : i32
        %dma_wait3A_69 = arith.constant 0 : i32
        %dma_wait3A_70 = tpu.memref_slice %arg3[%arg1, %dma_wait3A_68, %dma_wait3A_69] : memref<16x160x128xi32, #tpu.memory_space<hbm>> -> memref<1x56x128xi32, #tpu.memory_space<hbm>>
        %dma_wait3A_71 = tpu.memref_squeeze %dma_wait3A_70 : memref<1x56x128xi32, #tpu.memory_space<hbm>> -> memref<56x128xi32, #tpu.memory_space<hbm>>
        tpu.wait_dma2 semaphore(%run_scoped3A : memref<!tpu.dma_semaphore, #tpu.memory_space<semaphore_mem>>) src(%dma_wait3A_71 : memref<56x128xi32, #tpu.memory_space<hbm>>) dst(%dma_wait3A_67 : memref<56x128xi32, #tpu.memory_space<vmem>>)
        tpu.yield
      }) : () -> ()
      "tpu.region"() ({
        %run_scoped3A = tpu.sem_alloc : memref<!tpu.dma_semaphore, #tpu.memory_space<semaphore_mem>>
        %dma_start3A_44 = arith.constant 0 : i32
        %dma_start3A_45 = arith.constant 0 : i32
        %dma_start3A_46 = tpu.memref_slice %arg8[%dma_start3A_44, %dma_start3A_45] : memref<64x128xi32, #tpu.memory_space<vmem>> -> memref<56x128xi32, #tpu.memory_space<vmem>>
        %dma_start3A_47 = arith.constant 40 : i32
        %dma_start3A_48 = arith.constant 0 : i32
        %dma_start3A_49 = tpu.memref_slice %arg4[%arg1, %dma_start3A_47, %dma_start3A_48] : memref<16x160x128xi32, #tpu.memory_space<hbm>> -> memref<1x56x128xi32, #tpu.memory_space<hbm>>
        %dma_start3A_50 = tpu.memref_squeeze %dma_start3A_49 : memref<1x56x128xi32, #tpu.memory_space<hbm>> -> memref<56x128xi32, #tpu.memory_space<hbm>>
        %dma_start3A_51 = arith.constant 0 : i32
        %dma_start3A_52 = arith.constant 0 : i32
        %dma_start3A_53 = tpu.memref_slice %arg8[%dma_start3A_51, %dma_start3A_52] : memref<64x128xi32, #tpu.memory_space<vmem>> -> memref<56x128xi32, #tpu.memory_space<vmem>>
        %dma_start3A_54 = arith.constant 40 : i32
        %dma_start3A_55 = arith.constant 0 : i32
        %dma_start3A_56 = tpu.memref_slice %arg4[%arg1, %dma_start3A_54, %dma_start3A_55] : memref<16x160x128xi32, #tpu.memory_space<hbm>> -> memref<1x56x128xi32, #tpu.memory_space<hbm>>
        %dma_start3A_57 = tpu.memref_squeeze %dma_start3A_56 : memref<1x56x128xi32, #tpu.memory_space<hbm>> -> memref<56x128xi32, #tpu.memory_space<hbm>>
        tpu.enqueue_dma source(%dma_start3A_57 : memref<56x128xi32, #tpu.memory_space<hbm>>) target(%dma_start3A_53 : memref<56x128xi32, #tpu.memory_space<vmem>>) target_semaphore(%run_scoped3A : memref<!tpu.dma_semaphore, #tpu.memory_space<semaphore_mem>>)
        %dma_wait3A_58 = arith.constant 0 : i32
        %dma_wait3A_59 = arith.constant 0 : i32
        %dma_wait3A_60 = tpu.memref_slice %arg8[%dma_wait3A_58, %dma_wait3A_59] : memref<64x128xi32, #tpu.memory_space<vmem>> -> memref<56x128xi32, #tpu.memory_space<vmem>>
        %dma_wait3A_61 = arith.constant 40 : i32
        %dma_wait3A_62 = arith.constant 0 : i32
        %dma_wait3A_63 = tpu.memref_slice %arg4[%arg1, %dma_wait3A_61, %dma_wait3A_62] : memref<16x160x128xi32, #tpu.memory_space<hbm>> -> memref<1x56x128xi32, #tpu.memory_space<hbm>>
        %dma_wait3A_64 = tpu.memref_squeeze %dma_wait3A_63 : memref<1x56x128xi32, #tpu.memory_space<hbm>> -> memref<56x128xi32, #tpu.memory_space<hbm>>
        %dma_wait3A_65 = arith.constant 0 : i32
        %dma_wait3A_66 = arith.constant 0 : i32
        %dma_wait3A_67 = tpu.memref_slice %arg8[%dma_wait3A_65, %dma_wait3A_66] : memref<64x128xi32, #tpu.memory_space<vmem>> -> memref<56x128xi32, #tpu.memory_space<vmem>>
        %dma_wait3A_68 = arith.constant 40 : i32
        %dma_wait3A_69 = arith.constant 0 : i32
        %dma_wait3A_70 = tpu.memref_slice %arg4[%arg1, %dma_wait3A_68, %dma_wait3A_69] : memref<16x160x128xi32, #tpu.memory_space<hbm>> -> memref<1x56x128xi32, #tpu.memory_space<hbm>>
        %dma_wait3A_71 = tpu.memref_squeeze %dma_wait3A_70 : memref<1x56x128xi32, #tpu.memory_space<hbm>> -> memref<56x128xi32, #tpu.memory_space<hbm>>
        tpu.wait_dma2 semaphore(%run_scoped3A : memref<!tpu.dma_semaphore, #tpu.memory_space<semaphore_mem>>) src(%dma_wait3A_71 : memref<56x128xi32, #tpu.memory_space<hbm>>) dst(%dma_wait3A_67 : memref<56x128xi32, #tpu.memory_space<vmem>>)
        tpu.yield
      }) : () -> ()
      %dma_wait3A = arith.constant 0 : i32
      %dma_wait3A_15 = tpu.memref_slice %arg11[%mul3A_11, %dma_wait3A] : memref<10112x128xf32, #tpu.memory_space<vmem_shared>> -> memref<632x128xf32, #tpu.memory_space<vmem_shared>>
      %dma_wait3A_16 = arith.constant 0 : i32
      %dma_wait3A_17 = tpu.memref_slice %arg5[%mul3A_11, %dma_wait3A_16] : memref<10112x128xf32, #tpu.memory_space<hbm>> -> memref<632x128xf32, #tpu.memory_space<hbm>>
      tpu.wait_dma2 semaphore(%arg14 : memref<!tpu.dma_semaphore, #tpu.memory_space<semaphore_mem>>) src(%dma_wait3A_17 : memref<632x128xf32, #tpu.memory_space<hbm>>) dst(%dma_wait3A_15 : memref<632x128xf32, #tpu.memory_space<vmem_shared>>)
      %barrier3A_18 = arith.constant 0 : index
      tpu.barrier barrier_id(%barrier3A_18)
      %dma_start3A_19 = arith.constant 0 : i32
      %dma_start3A_20 = arith.constant 0 : i32
      %dma_start3A_21 = tpu.memref_slice %arg7[%dma_start3A_19, %dma_start3A_20] : memref<64x128xi32, #tpu.memory_space<vmem>> -> memref<1x128xi32, #tpu.memory_space<vmem>>
      %dma_start3A_22 = tpu.memref_squeeze %dma_start3A_21 : memref<1x128xi32, #tpu.memory_space<vmem>> -> memref<128xi32, #tpu.memory_space<vmem>>
      %dma_start3A_23 = arith.constant 0 : i32
      %dma_start3A_24 = arith.constant 0 : i32
      %dma_start3A_25 = tpu.memref_slice %arg2[%dma_start3A_23, %dma_start3A_24] : memref<10000x128xf32, #tpu.memory_space<hbm>> -> memref<10000x128xf32, #tpu.memory_space<hbm>>
      tpu.enqueue_indirect_dma source(%dma_start3A_25 : memref<10000x128xf32, #tpu.memory_space<hbm>>) target(%arg9 : memref<128x128xf32, #tpu.memory_space<vmem>>) offsets(%dma_start3A_22 : memref<128xi32, #tpu.memory_space<vmem>>) semaphore(%arg12 : memref<!tpu.dma_semaphore, #tpu.memory_space<semaphore_mem>>)
      %scan3A = arith.constant 0 : i32
      %scan3A_26 = arith.constant 0 : i32
      %scan3A_27 = arith.constant 28 : i32
      %scan3A_28 = arith.addi %scan3A_26, %scan3A_27 : i32
      %scan3A_29 = arith.constant 1 : i32
      scf.for %scan3A_44 = %scan3A_26 to %scan3A_28 step %scan3A_29  : i32 {
        %mul3A_45 = arith.constant 2 : i32
        %mul3A_46 = arith.muli %mul3A_45, %scan3A_44 : i32
        %add3A = arith.constant 1 : i32
        %add3A_47 = arith.addi %mul3A_46, %add3A : i32
        %dma_start3A_48 = arith.constant 0 : i32
        %dma_start3A_49 = tpu.memref_slice %arg7[%add3A_47, %dma_start3A_48] : memref<64x128xi32, #tpu.memory_space<vmem>> -> memref<1x128xi32, #tpu.memory_space<vmem>>
        %dma_start3A_50 = tpu.memref_squeeze %dma_start3A_49 : memref<1x128xi32, #tpu.memory_space<vmem>> -> memref<128xi32, #tpu.memory_space<vmem>>
        %dma_start3A_51 = arith.constant 0 : i32
        %dma_start3A_52 = arith.constant 0 : i32
        %dma_start3A_53 = tpu.memref_slice %arg2[%dma_start3A_51, %dma_start3A_52] : memref<10000x128xf32, #tpu.memory_space<hbm>> -> memref<10000x128xf32, #tpu.memory_space<hbm>>
        tpu.enqueue_indirect_dma source(%dma_start3A_53 : memref<10000x128xf32, #tpu.memory_space<hbm>>) target(%arg10 : memref<128x128xf32, #tpu.memory_space<vmem>>) offsets(%dma_start3A_50 : memref<128xi32, #tpu.memory_space<vmem>>) semaphore(%arg13 : memref<!tpu.dma_semaphore, #tpu.memory_space<semaphore_mem>>)
        %dma_wait3A_54 = arith.constant 0 : i32
        %dma_wait3A_55 = tpu.memref_slice %arg7[%mul3A_46, %dma_wait3A_54] : memref<64x128xi32, #tpu.memory_space<vmem>> -> memref<1x128xi32, #tpu.memory_space<vmem>>
        %dma_wait3A_56 = tpu.memref_squeeze %dma_wait3A_55 : memref<1x128xi32, #tpu.memory_space<vmem>> -> memref<128xi32, #tpu.memory_space<vmem>>
        %dma_wait3A_57 = arith.constant 0 : i32
        %dma_wait3A_58 = arith.constant 0 : i32
        %dma_wait3A_59 = tpu.memref_slice %arg2[%dma_wait3A_57, %dma_wait3A_58] : memref<10000x128xf32, #tpu.memory_space<hbm>> -> memref<10000x128xf32, #tpu.memory_space<hbm>>
        tpu.wait_indirect_dma semaphore(%arg12 : memref<!tpu.dma_semaphore, #tpu.memory_space<semaphore_mem>>) src(%dma_wait3A_59 : memref<10000x128xf32, #tpu.memory_space<hbm>>) dst(%arg9 : memref<128x128xf32, #tpu.memory_space<vmem>>)
        "tpu.region"() ({
          %run_scoped3A = tpu.sem_alloc : memref<!tpu.dma_semaphore, #tpu.memory_space<semaphore_mem>>
          %dma_start3A_72 = arith.constant 0 : i32
          %dma_start3A_73 = tpu.memref_slice %arg8[%mul3A_46, %dma_start3A_72] : memref<64x128xi32, #tpu.memory_space<vmem>> -> memref<1x128xi32, #tpu.memory_space<vmem>>
          %dma_start3A_74 = tpu.memref_squeeze %dma_start3A_73 : memref<1x128xi32, #tpu.memory_space<vmem>> -> memref<128xi32, #tpu.memory_space<vmem>>
          %dma_start3A_75 = arith.constant 0 : i32
          %dma_start3A_76 = arith.constant 0 : i32
          %dma_start3A_77 = tpu.memref_slice %arg11[%dma_start3A_75, %dma_start3A_76] : memref<10112x128xf32, #tpu.memory_space<vmem_shared>> -> memref<10112x128xf32, #tpu.memory_space<vmem_shared>>
          tpu.enqueue_indirect_dma source(%arg9 : memref<128x128xf32, #tpu.memory_space<vmem>>) target(%dma_start3A_77 : memref<10112x128xf32, #tpu.memory_space<vmem_shared>>) offsets(%dma_start3A_74 : memref<128xi32, #tpu.memory_space<vmem>>) semaphore(%run_scoped3A : memref<!tpu.dma_semaphore, #tpu.memory_space<semaphore_mem>>) {add = true}
          %dma_wait3A_78 = arith.constant 0 : i32
          %dma_wait3A_79 = tpu.memref_slice %arg8[%mul3A_46, %dma_wait3A_78] : memref<64x128xi32, #tpu.memory_space<vmem>> -> memref<1x128xi32, #tpu.memory_space<vmem>>
          %dma_wait3A_80 = tpu.memref_squeeze %dma_wait3A_79 : memref<1x128xi32, #tpu.memory_space<vmem>> -> memref<128xi32, #tpu.memory_space<vmem>>
          %dma_wait3A_81 = arith.constant 0 : i32
          %dma_wait3A_82 = arith.constant 0 : i32
          %dma_wait3A_83 = tpu.memref_slice %arg11[%dma_wait3A_81, %dma_wait3A_82] : memref<10112x128xf32, #tpu.memory_space<vmem_shared>> -> memref<10112x128xf32, #tpu.memory_space<vmem_shared>>
          tpu.wait_indirect_dma semaphore(%run_scoped3A : memref<!tpu.dma_semaphore, #tpu.memory_space<semaphore_mem>>) src(%arg9 : memref<128x128xf32, #tpu.memory_space<vmem>>) dst(%dma_wait3A_83 : memref<10112x128xf32, #tpu.memory_space<vmem_shared>>)
          tpu.yield
        }) : () -> ()
        %add3A_60 = arith.constant 1 : i32
        %add3A_61 = arith.addi %scan3A_44, %add3A_60 : i32
        %lt3A = arith.constant 28 : i32
        %lt3A_62 = arith.cmpi slt, %add3A_61, %lt3A : i32
        %convert_element_type3A_63 = arith.extui %lt3A_62 : i1 to i32
        %cond3A_64 = arith.constant 0 : i32
        %cond3A_65 = arith.cmpi ne, %convert_element_type3A_63, %cond3A_64 : i32
        scf.if %cond3A_65 {
          %add3A_72 = arith.constant 2 : i32
          %add3A_73 = arith.addi %mul3A_46, %add3A_72 : i32
          %dma_start3A_74 = arith.constant 0 : i32
          %dma_start3A_75 = tpu.memref_slice %arg7[%add3A_73, %dma_start3A_74] : memref<64x128xi32, #tpu.memory_space<vmem>> -> memref<1x128xi32, #tpu.memory_space<vmem>>
          %dma_start3A_76 = tpu.memref_squeeze %dma_start3A_75 : memref<1x128xi32, #tpu.memory_space<vmem>> -> memref<128xi32, #tpu.memory_space<vmem>>
          %dma_start3A_77 = arith.constant 0 : i32
          %dma_start3A_78 = arith.constant 0 : i32
          %dma_start3A_79 = tpu.memref_slice %arg2[%dma_start3A_77, %dma_start3A_78] : memref<10000x128xf32, #tpu.memory_space<hbm>> -> memref<10000x128xf32, #tpu.memory_space<hbm>>
          tpu.enqueue_indirect_dma source(%dma_start3A_79 : memref<10000x128xf32, #tpu.memory_space<hbm>>) target(%arg9 : memref<128x128xf32, #tpu.memory_space<vmem>>) offsets(%dma_start3A_76 : memref<128xi32, #tpu.memory_space<vmem>>) semaphore(%arg12 : memref<!tpu.dma_semaphore, #tpu.memory_space<semaphore_mem>>)
        } else {
        }
        %dma_wait3A_66 = arith.constant 0 : i32
        %dma_wait3A_67 = tpu.memref_slice %arg7[%add3A_47, %dma_wait3A_66] : memref<64x128xi32, #tpu.memory_space<vmem>> -> memref<1x128xi32, #tpu.memory_space<vmem>>
        %dma_wait3A_68 = tpu.memref_squeeze %dma_wait3A_67 : memref<1x128xi32, #tpu.memory_space<vmem>> -> memref<128xi32, #tpu.memory_space<vmem>>
        %dma_wait3A_69 = arith.constant 0 : i32
        %dma_wait3A_70 = arith.constant 0 : i32
        %dma_wait3A_71 = tpu.memref_slice %arg2[%dma_wait3A_69, %dma_wait3A_70] : memref<10000x128xf32, #tpu.memory_space<hbm>> -> memref<10000x128xf32, #tpu.memory_space<hbm>>
        tpu.wait_indirect_dma semaphore(%arg13 : memref<!tpu.dma_semaphore, #tpu.memory_space<semaphore_mem>>) src(%dma_wait3A_71 : memref<10000x128xf32, #tpu.memory_space<hbm>>) dst(%arg10 : memref<128x128xf32, #tpu.memory_space<vmem>>)
        "tpu.region"() ({
          %run_scoped3A = tpu.sem_alloc : memref<!tpu.dma_semaphore, #tpu.memory_space<semaphore_mem>>
          %dma_start3A_72 = arith.constant 0 : i32
          %dma_start3A_73 = tpu.memref_slice %arg8[%add3A_47, %dma_start3A_72] : memref<64x128xi32, #tpu.memory_space<vmem>> -> memref<1x128xi32, #tpu.memory_space<vmem>>
          %dma_start3A_74 = tpu.memref_squeeze %dma_start3A_73 : memref<1x128xi32, #tpu.memory_space<vmem>> -> memref<128xi32, #tpu.memory_space<vmem>>
          %dma_start3A_75 = arith.constant 0 : i32
          %dma_start3A_76 = arith.constant 0 : i32
          %dma_start3A_77 = tpu.memref_slice %arg11[%dma_start3A_75, %dma_start3A_76] : memref<10112x128xf32, #tpu.memory_space<vmem_shared>> -> memref<10112x128xf32, #tpu.memory_space<vmem_shared>>
          tpu.enqueue_indirect_dma source(%arg10 : memref<128x128xf32, #tpu.memory_space<vmem>>) target(%dma_start3A_77 : memref<10112x128xf32, #tpu.memory_space<vmem_shared>>) offsets(%dma_start3A_74 : memref<128xi32, #tpu.memory_space<vmem>>) semaphore(%run_scoped3A : memref<!tpu.dma_semaphore, #tpu.memory_space<semaphore_mem>>) {add = true}
          %dma_wait3A_78 = arith.constant 0 : i32
          %dma_wait3A_79 = tpu.memref_slice %arg8[%add3A_47, %dma_wait3A_78] : memref<64x128xi32, #tpu.memory_space<vmem>> -> memref<1x128xi32, #tpu.memory_space<vmem>>
          %dma_wait3A_80 = tpu.memref_squeeze %dma_wait3A_79 : memref<1x128xi32, #tpu.memory_space<vmem>> -> memref<128xi32, #tpu.memory_space<vmem>>
          %dma_wait3A_81 = arith.constant 0 : i32
          %dma_wait3A_82 = arith.constant 0 : i32
          %dma_wait3A_83 = tpu.memref_slice %arg11[%dma_wait3A_81, %dma_wait3A_82] : memref<10112x128xf32, #tpu.memory_space<vmem_shared>> -> memref<10112x128xf32, #tpu.memory_space<vmem_shared>>
          tpu.wait_indirect_dma semaphore(%run_scoped3A : memref<!tpu.dma_semaphore, #tpu.memory_space<semaphore_mem>>) src(%arg10 : memref<128x128xf32, #tpu.memory_space<vmem>>) dst(%dma_wait3A_83 : memref<10112x128xf32, #tpu.memory_space<vmem_shared>>)
          tpu.yield
        }) : () -> ()
      }
      %scan3A_30 = arith.constant 28 : i32
      "tpu.region"() ({
        %run_scoped3A = tpu.sem_alloc : memref<!tpu.dma_semaphore, #tpu.memory_space<semaphore_mem>>
        %dma_start3A_44 = arith.constant 0 : i32
        %dma_start3A_45 = arith.constant 0 : i32
        %dma_start3A_46 = tpu.memref_slice %arg7[%dma_start3A_44, %dma_start3A_45] : memref<64x128xi32, #tpu.memory_space<vmem>> -> memref<64x128xi32, #tpu.memory_space<vmem>>
        %dma_start3A_47 = arith.constant 96 : i32
        %dma_start3A_48 = arith.constant 0 : i32
        %dma_start3A_49 = tpu.memref_slice %arg3[%arg1, %dma_start3A_47, %dma_start3A_48] : memref<16x160x128xi32, #tpu.memory_space<hbm>> -> memref<1x64x128xi32, #tpu.memory_space<hbm>>
        %dma_start3A_50 = tpu.memref_squeeze %dma_start3A_49 : memref<1x64x128xi32, #tpu.memory_space<hbm>> -> memref<64x128xi32, #tpu.memory_space<hbm>>
        %dma_start3A_51 = arith.constant 0 : i32
        %dma_start3A_52 = arith.constant 0 : i32
        %dma_start3A_53 = tpu.memref_slice %arg7[%dma_start3A_51, %dma_start3A_52] : memref<64x128xi32, #tpu.memory_space<vmem>> -> memref<64x128xi32, #tpu.memory_space<vmem>>
        %dma_start3A_54 = arith.constant 96 : i32
        %dma_start3A_55 = arith.constant 0 : i32
        %dma_start3A_56 = tpu.memref_slice %arg3[%arg1, %dma_start3A_54, %dma_start3A_55] : memref<16x160x128xi32, #tpu.memory_space<hbm>> -> memref<1x64x128xi32, #tpu.memory_space<hbm>>
        %dma_start3A_57 = tpu.memref_squeeze %dma_start3A_56 : memref<1x64x128xi32, #tpu.memory_space<hbm>> -> memref<64x128xi32, #tpu.memory_space<hbm>>
        tpu.enqueue_dma source(%dma_start3A_57 : memref<64x128xi32, #tpu.memory_space<hbm>>) target(%dma_start3A_53 : memref<64x128xi32, #tpu.memory_space<vmem>>) target_semaphore(%run_scoped3A : memref<!tpu.dma_semaphore, #tpu.memory_space<semaphore_mem>>)
        %dma_wait3A_58 = arith.constant 0 : i32
        %dma_wait3A_59 = arith.constant 0 : i32
        %dma_wait3A_60 = tpu.memref_slice %arg7[%dma_wait3A_58, %dma_wait3A_59] : memref<64x128xi32, #tpu.memory_space<vmem>> -> memref<64x128xi32, #tpu.memory_space<vmem>>
        %dma_wait3A_61 = arith.constant 96 : i32
        %dma_wait3A_62 = arith.constant 0 : i32
        %dma_wait3A_63 = tpu.memref_slice %arg3[%arg1, %dma_wait3A_61, %dma_wait3A_62] : memref<16x160x128xi32, #tpu.memory_space<hbm>> -> memref<1x64x128xi32, #tpu.memory_space<hbm>>
        %dma_wait3A_64 = tpu.memref_squeeze %dma_wait3A_63 : memref<1x64x128xi32, #tpu.memory_space<hbm>> -> memref<64x128xi32, #tpu.memory_space<hbm>>
        %dma_wait3A_65 = arith.constant 0 : i32
        %dma_wait3A_66 = arith.constant 0 : i32
        %dma_wait3A_67 = tpu.memref_slice %arg7[%dma_wait3A_65, %dma_wait3A_66] : memref<64x128xi32, #tpu.memory_space<vmem>> -> memref<64x128xi32, #tpu.memory_space<vmem>>
        %dma_wait3A_68 = arith.constant 96 : i32
        %dma_wait3A_69 = arith.constant 0 : i32
        %dma_wait3A_70 = tpu.memref_slice %arg3[%arg1, %dma_wait3A_68, %dma_wait3A_69] : memref<16x160x128xi32, #tpu.memory_space<hbm>> -> memref<1x64x128xi32, #tpu.memory_space<hbm>>
        %dma_wait3A_71 = tpu.memref_squeeze %dma_wait3A_70 : memref<1x64x128xi32, #tpu.memory_space<hbm>> -> memref<64x128xi32, #tpu.memory_space<hbm>>
        tpu.wait_dma2 semaphore(%run_scoped3A : memref<!tpu.dma_semaphore, #tpu.memory_space<semaphore_mem>>) src(%dma_wait3A_71 : memref<64x128xi32, #tpu.memory_space<hbm>>) dst(%dma_wait3A_67 : memref<64x128xi32, #tpu.memory_space<vmem>>)
        tpu.yield
      }) : () -> ()
      "tpu.region"() ({
        %run_scoped3A = tpu.sem_alloc : memref<!tpu.dma_semaphore, #tpu.memory_space<semaphore_mem>>
        %dma_start3A_44 = arith.constant 0 : i32
        %dma_start3A_45 = arith.constant 0 : i32
        %dma_start3A_46 = tpu.memref_slice %arg8[%dma_start3A_44, %dma_start3A_45] : memref<64x128xi32, #tpu.memory_space<vmem>> -> memref<64x128xi32, #tpu.memory_space<vmem>>
        %dma_start3A_47 = arith.constant 96 : i32
        %dma_start3A_48 = arith.constant 0 : i32
        %dma_start3A_49 = tpu.memref_slice %arg4[%arg1, %dma_start3A_47, %dma_start3A_48] : memref<16x160x128xi32, #tpu.memory_space<hbm>> -> memref<1x64x128xi32, #tpu.memory_space<hbm>>
        %dma_start3A_50 = tpu.memref_squeeze %dma_start3A_49 : memref<1x64x128xi32, #tpu.memory_space<hbm>> -> memref<64x128xi32, #tpu.memory_space<hbm>>
        %dma_start3A_51 = arith.constant 0 : i32
        %dma_start3A_52 = arith.constant 0 : i32
        %dma_start3A_53 = tpu.memref_slice %arg8[%dma_start3A_51, %dma_start3A_52] : memref<64x128xi32, #tpu.memory_space<vmem>> -> memref<64x128xi32, #tpu.memory_space<vmem>>
        %dma_start3A_54 = arith.constant 96 : i32
        %dma_start3A_55 = arith.constant 0 : i32
        %dma_start3A_56 = tpu.memref_slice %arg4[%arg1, %dma_start3A_54, %dma_start3A_55] : memref<16x160x128xi32, #tpu.memory_space<hbm>> -> memref<1x64x128xi32, #tpu.memory_space<hbm>>
        %dma_start3A_57 = tpu.memref_squeeze %dma_start3A_56 : memref<1x64x128xi32, #tpu.memory_space<hbm>> -> memref<64x128xi32, #tpu.memory_space<hbm>>
        tpu.enqueue_dma source(%dma_start3A_57 : memref<64x128xi32, #tpu.memory_space<hbm>>) target(%dma_start3A_53 : memref<64x128xi32, #tpu.memory_space<vmem>>) target_semaphore(%run_scoped3A : memref<!tpu.dma_semaphore, #tpu.memory_space<semaphore_mem>>)
        %dma_wait3A_58 = arith.constant 0 : i32
        %dma_wait3A_59 = arith.constant 0 : i32
        %dma_wait3A_60 = tpu.memref_slice %arg8[%dma_wait3A_58, %dma_wait3A_59] : memref<64x128xi32, #tpu.memory_space<vmem>> -> memref<64x128xi32, #tpu.memory_space<vmem>>
        %dma_wait3A_61 = arith.constant 96 : i32
        %dma_wait3A_62 = arith.constant 0 : i32
        %dma_wait3A_63 = tpu.memref_slice %arg4[%arg1, %dma_wait3A_61, %dma_wait3A_62] : memref<16x160x128xi32, #tpu.memory_space<hbm>> -> memref<1x64x128xi32, #tpu.memory_space<hbm>>
        %dma_wait3A_64 = tpu.memref_squeeze %dma_wait3A_63 : memref<1x64x128xi32, #tpu.memory_space<hbm>> -> memref<64x128xi32, #tpu.memory_space<hbm>>
        %dma_wait3A_65 = arith.constant 0 : i32
        %dma_wait3A_66 = arith.constant 0 : i32
        %dma_wait3A_67 = tpu.memref_slice %arg8[%dma_wait3A_65, %dma_wait3A_66] : memref<64x128xi32, #tpu.memory_space<vmem>> -> memref<64x128xi32, #tpu.memory_space<vmem>>
        %dma_wait3A_68 = arith.constant 96 : i32
        %dma_wait3A_69 = arith.constant 0 : i32
        %dma_wait3A_70 = tpu.memref_slice %arg4[%arg1, %dma_wait3A_68, %dma_wait3A_69] : memref<16x160x128xi32, #tpu.memory_space<hbm>> -> memref<1x64x128xi32, #tpu.memory_space<hbm>>
        %dma_wait3A_71 = tpu.memref_squeeze %dma_wait3A_70 : memref<1x64x128xi32, #tpu.memory_space<hbm>> -> memref<64x128xi32, #tpu.memory_space<hbm>>
        tpu.wait_dma2 semaphore(%run_scoped3A : memref<!tpu.dma_semaphore, #tpu.memory_space<semaphore_mem>>) src(%dma_wait3A_71 : memref<64x128xi32, #tpu.memory_space<hbm>>) dst(%dma_wait3A_67 : memref<64x128xi32, #tpu.memory_space<vmem>>)
        tpu.yield
      }) : () -> ()
      %dma_start3A_31 = arith.constant 0 : i32
      %dma_start3A_32 = arith.constant 0 : i32
      %dma_start3A_33 = tpu.memref_slice %arg7[%dma_start3A_31, %dma_start3A_32] : memref<64x128xi32, #tpu.memory_space<vmem>> -> memref<1x128xi32, #tpu.memory_space<vmem>>
      %dma_start3A_34 = tpu.memref_squeeze %dma_start3A_33 : memref<1x128xi32, #tpu.memory_space<vmem>> -> memref<128xi32, #tpu.memory_space<vmem>>
      %dma_start3A_35 = arith.constant 0 : i32
      %dma_start3A_36 = arith.constant 0 : i32
      %dma_start3A_37 = tpu.memref_slice %arg2[%dma_start3A_35, %dma_start3A_36] : memref<10000x128xf32, #tpu.memory_space<hbm>> -> memref<10000x128xf32, #tpu.memory_space<hbm>>
      tpu.enqueue_indirect_dma source(%dma_start3A_37 : memref<10000x128xf32, #tpu.memory_space<hbm>>) target(%arg9 : memref<128x128xf32, #tpu.memory_space<vmem>>) offsets(%dma_start3A_34 : memref<128xi32, #tpu.memory_space<vmem>>) semaphore(%arg12 : memref<!tpu.dma_semaphore, #tpu.memory_space<semaphore_mem>>)
      %scan3A_38 = arith.constant 0 : i32
      %scan3A_39 = arith.constant 0 : i32
      %scan3A_40 = arith.constant 32 : i32
      %scan3A_41 = arith.addi %scan3A_39, %scan3A_40 : i32
      %scan3A_42 = arith.constant 1 : i32
      scf.for %scan3A_44 = %scan3A_39 to %scan3A_41 step %scan3A_42  : i32 {
        %mul3A_45 = arith.constant 2 : i32
        %mul3A_46 = arith.muli %mul3A_45, %scan3A_44 : i32
        %add3A = arith.constant 1 : i32
        %add3A_47 = arith.addi %mul3A_46, %add3A : i32
        %dma_start3A_48 = arith.constant 0 : i32
        %dma_start3A_49 = tpu.memref_slice %arg7[%add3A_47, %dma_start3A_48] : memref<64x128xi32, #tpu.memory_space<vmem>> -> memref<1x128xi32, #tpu.memory_space<vmem>>
        %dma_start3A_50 = tpu.memref_squeeze %dma_start3A_49 : memref<1x128xi32, #tpu.memory_space<vmem>> -> memref<128xi32, #tpu.memory_space<vmem>>
        %dma_start3A_51 = arith.constant 0 : i32
        %dma_start3A_52 = arith.constant 0 : i32
        %dma_start3A_53 = tpu.memref_slice %arg2[%dma_start3A_51, %dma_start3A_52] : memref<10000x128xf32, #tpu.memory_space<hbm>> -> memref<10000x128xf32, #tpu.memory_space<hbm>>
        tpu.enqueue_indirect_dma source(%dma_start3A_53 : memref<10000x128xf32, #tpu.memory_space<hbm>>) target(%arg10 : memref<128x128xf32, #tpu.memory_space<vmem>>) offsets(%dma_start3A_50 : memref<128xi32, #tpu.memory_space<vmem>>) semaphore(%arg13 : memref<!tpu.dma_semaphore, #tpu.memory_space<semaphore_mem>>)
        %dma_wait3A_54 = arith.constant 0 : i32
        %dma_wait3A_55 = tpu.memref_slice %arg7[%mul3A_46, %dma_wait3A_54] : memref<64x128xi32, #tpu.memory_space<vmem>> -> memref<1x128xi32, #tpu.memory_space<vmem>>
        %dma_wait3A_56 = tpu.memref_squeeze %dma_wait3A_55 : memref<1x128xi32, #tpu.memory_space<vmem>> -> memref<128xi32, #tpu.memory_space<vmem>>
        %dma_wait3A_57 = arith.constant 0 : i32
        %dma_wait3A_58 = arith.constant 0 : i32
        %dma_wait3A_59 = tpu.memref_slice %arg2[%dma_wait3A_57, %dma_wait3A_58] : memref<10000x128xf32, #tpu.memory_space<hbm>> -> memref<10000x128xf32, #tpu.memory_space<hbm>>
        tpu.wait_indirect_dma semaphore(%arg12 : memref<!tpu.dma_semaphore, #tpu.memory_space<semaphore_mem>>) src(%dma_wait3A_59 : memref<10000x128xf32, #tpu.memory_space<hbm>>) dst(%arg9 : memref<128x128xf32, #tpu.memory_space<vmem>>)
        "tpu.region"() ({
          %run_scoped3A = tpu.sem_alloc : memref<!tpu.dma_semaphore, #tpu.memory_space<semaphore_mem>>
          %dma_start3A_72 = arith.constant 0 : i32
          %dma_start3A_73 = tpu.memref_slice %arg8[%mul3A_46, %dma_start3A_72] : memref<64x128xi32, #tpu.memory_space<vmem>> -> memref<1x128xi32, #tpu.memory_space<vmem>>
          %dma_start3A_74 = tpu.memref_squeeze %dma_start3A_73 : memref<1x128xi32, #tpu.memory_space<vmem>> -> memref<128xi32, #tpu.memory_space<vmem>>
          %dma_start3A_75 = arith.constant 0 : i32
          %dma_start3A_76 = arith.constant 0 : i32
          %dma_start3A_77 = tpu.memref_slice %arg11[%dma_start3A_75, %dma_start3A_76] : memref<10112x128xf32, #tpu.memory_space<vmem_shared>> -> memref<10112x128xf32, #tpu.memory_space<vmem_shared>>
          tpu.enqueue_indirect_dma source(%arg9 : memref<128x128xf32, #tpu.memory_space<vmem>>) target(%dma_start3A_77 : memref<10112x128xf32, #tpu.memory_space<vmem_shared>>) offsets(%dma_start3A_74 : memref<128xi32, #tpu.memory_space<vmem>>) semaphore(%run_scoped3A : memref<!tpu.dma_semaphore, #tpu.memory_space<semaphore_mem>>) {add = true}
          %dma_wait3A_78 = arith.constant 0 : i32
          %dma_wait3A_79 = tpu.memref_slice %arg8[%mul3A_46, %dma_wait3A_78] : memref<64x128xi32, #tpu.memory_space<vmem>> -> memref<1x128xi32, #tpu.memory_space<vmem>>
          %dma_wait3A_80 = tpu.memref_squeeze %dma_wait3A_79 : memref<1x128xi32, #tpu.memory_space<vmem>> -> memref<128xi32, #tpu.memory_space<vmem>>
          %dma_wait3A_81 = arith.constant 0 : i32
          %dma_wait3A_82 = arith.constant 0 : i32
          %dma_wait3A_83 = tpu.memref_slice %arg11[%dma_wait3A_81, %dma_wait3A_82] : memref<10112x128xf32, #tpu.memory_space<vmem_shared>> -> memref<10112x128xf32, #tpu.memory_space<vmem_shared>>
          tpu.wait_indirect_dma semaphore(%run_scoped3A : memref<!tpu.dma_semaphore, #tpu.memory_space<semaphore_mem>>) src(%arg9 : memref<128x128xf32, #tpu.memory_space<vmem>>) dst(%dma_wait3A_83 : memref<10112x128xf32, #tpu.memory_space<vmem_shared>>)
          tpu.yield
        }) : () -> ()
        %add3A_60 = arith.constant 1 : i32
        %add3A_61 = arith.addi %scan3A_44, %add3A_60 : i32
        %lt3A = arith.constant 32 : i32
        %lt3A_62 = arith.cmpi slt, %add3A_61, %lt3A : i32
        %convert_element_type3A_63 = arith.extui %lt3A_62 : i1 to i32
        %cond3A_64 = arith.constant 0 : i32
        %cond3A_65 = arith.cmpi ne, %convert_element_type3A_63, %cond3A_64 : i32
        scf.if %cond3A_65 {
          %add3A_72 = arith.constant 2 : i32
          %add3A_73 = arith.addi %mul3A_46, %add3A_72 : i32
          %dma_start3A_74 = arith.constant 0 : i32
          %dma_start3A_75 = tpu.memref_slice %arg7[%add3A_73, %dma_start3A_74] : memref<64x128xi32, #tpu.memory_space<vmem>> -> memref<1x128xi32, #tpu.memory_space<vmem>>
          %dma_start3A_76 = tpu.memref_squeeze %dma_start3A_75 : memref<1x128xi32, #tpu.memory_space<vmem>> -> memref<128xi32, #tpu.memory_space<vmem>>
          %dma_start3A_77 = arith.constant 0 : i32
          %dma_start3A_78 = arith.constant 0 : i32
          %dma_start3A_79 = tpu.memref_slice %arg2[%dma_start3A_77, %dma_start3A_78] : memref<10000x128xf32, #tpu.memory_space<hbm>> -> memref<10000x128xf32, #tpu.memory_space<hbm>>
          tpu.enqueue_indirect_dma source(%dma_start3A_79 : memref<10000x128xf32, #tpu.memory_space<hbm>>) target(%arg9 : memref<128x128xf32, #tpu.memory_space<vmem>>) offsets(%dma_start3A_76 : memref<128xi32, #tpu.memory_space<vmem>>) semaphore(%arg12 : memref<!tpu.dma_semaphore, #tpu.memory_space<semaphore_mem>>)
        } else {
        }
        %dma_wait3A_66 = arith.constant 0 : i32
        %dma_wait3A_67 = tpu.memref_slice %arg7[%add3A_47, %dma_wait3A_66] : memref<64x128xi32, #tpu.memory_space<vmem>> -> memref<1x128xi32, #tpu.memory_space<vmem>>
        %dma_wait3A_68 = tpu.memref_squeeze %dma_wait3A_67 : memref<1x128xi32, #tpu.memory_space<vmem>> -> memref<128xi32, #tpu.memory_space<vmem>>
        %dma_wait3A_69 = arith.constant 0 : i32
        %dma_wait3A_70 = arith.constant 0 : i32
        %dma_wait3A_71 = tpu.memref_slice %arg2[%dma_wait3A_69, %dma_wait3A_70] : memref<10000x128xf32, #tpu.memory_space<hbm>> -> memref<10000x128xf32, #tpu.memory_space<hbm>>
        tpu.wait_indirect_dma semaphore(%arg13 : memref<!tpu.dma_semaphore, #tpu.memory_space<semaphore_mem>>) src(%dma_wait3A_71 : memref<10000x128xf32, #tpu.memory_space<hbm>>) dst(%arg10 : memref<128x128xf32, #tpu.memory_space<vmem>>)
        "tpu.region"() ({
          %run_scoped3A = tpu.sem_alloc : memref<!tpu.dma_semaphore, #tpu.memory_space<semaphore_mem>>
          %dma_start3A_72 = arith.constant 0 : i32
          %dma_start3A_73 = tpu.memref_slice %arg8[%add3A_47, %dma_start3A_72] : memref<64x128xi32, #tpu.memory_space<vmem>> -> memref<1x128xi32, #tpu.memory_space<vmem>>
          %dma_start3A_74 = tpu.memref_squeeze %dma_start3A_73 : memref<1x128xi32, #tpu.memory_space<vmem>> -> memref<128xi32, #tpu.memory_space<vmem>>
          %dma_start3A_75 = arith.constant 0 : i32
          %dma_start3A_76 = arith.constant 0 : i32
          %dma_start3A_77 = tpu.memref_slice %arg11[%dma_start3A_75, %dma_start3A_76] : memref<10112x128xf32, #tpu.memory_space<vmem_shared>> -> memref<10112x128xf32, #tpu.memory_space<vmem_shared>>
          tpu.enqueue_indirect_dma source(%arg10 : memref<128x128xf32, #tpu.memory_space<vmem>>) target(%dma_start3A_77 : memref<10112x128xf32, #tpu.memory_space<vmem_shared>>) offsets(%dma_start3A_74 : memref<128xi32, #tpu.memory_space<vmem>>) semaphore(%run_scoped3A : memref<!tpu.dma_semaphore, #tpu.memory_space<semaphore_mem>>) {add = true}
          %dma_wait3A_78 = arith.constant 0 : i32
          %dma_wait3A_79 = tpu.memref_slice %arg8[%add3A_47, %dma_wait3A_78] : memref<64x128xi32, #tpu.memory_space<vmem>> -> memref<1x128xi32, #tpu.memory_space<vmem>>
          %dma_wait3A_80 = tpu.memref_squeeze %dma_wait3A_79 : memref<1x128xi32, #tpu.memory_space<vmem>> -> memref<128xi32, #tpu.memory_space<vmem>>
          %dma_wait3A_81 = arith.constant 0 : i32
          %dma_wait3A_82 = arith.constant 0 : i32
          %dma_wait3A_83 = tpu.memref_slice %arg11[%dma_wait3A_81, %dma_wait3A_82] : memref<10112x128xf32, #tpu.memory_space<vmem_shared>> -> memref<10112x128xf32, #tpu.memory_space<vmem_shared>>
          tpu.wait_indirect_dma semaphore(%run_scoped3A : memref<!tpu.dma_semaphore, #tpu.memory_space<semaphore_mem>>) src(%arg10 : memref<128x128xf32, #tpu.memory_space<vmem>>) dst(%dma_wait3A_83 : memref<10112x128xf32, #tpu.memory_space<vmem_shared>>)
          tpu.yield
        }) : () -> ()
      }
      %scan3A_43 = arith.constant 32 : i32
    } else {
    }
    %barrier3A = arith.constant 0 : index
    tpu.barrier barrier_id(%barrier3A)
    %mul3A = arith.constant 632 : i32
    %mul3A_7 = arith.muli %arg1, %mul3A : i32
    %mul3A_8 = arith.constant 632 : i32
    %mul3A_9 = arith.muli %arg1, %mul3A_8 : i32
    "tpu.region"() ({
      %run_scoped3A = tpu.sem_alloc : memref<!tpu.dma_semaphore, #tpu.memory_space<semaphore_mem>>
      %dma_start3A = arith.constant 0 : i32
      %dma_start3A_10 = tpu.memref_slice %arg6[%arg0, %mul3A_9, %dma_start3A] : memref<2x10112x128xf32, #tpu.memory_space<hbm>> -> memref<1x632x128xf32, #tpu.memory_space<hbm>>
      %dma_start3A_11 = tpu.memref_squeeze %dma_start3A_10 : memref<1x632x128xf32, #tpu.memory_space<hbm>> -> memref<632x128xf32, #tpu.memory_space<hbm>>
      %dma_start3A_12 = arith.constant 0 : i32
      %dma_start3A_13 = tpu.memref_slice %arg11[%mul3A_7, %dma_start3A_12] : memref<10112x128xf32, #tpu.memory_space<vmem_shared>> -> memref<632x128xf32, #tpu.memory_space<vmem_shared>>
      tpu.enqueue_dma source(%dma_start3A_13 : memref<632x128xf32, #tpu.memory_space<vmem_shared>>) target(%dma_start3A_11 : memref<632x128xf32, #tpu.memory_space<hbm>>) target_semaphore(%run_scoped3A : memref<!tpu.dma_semaphore, #tpu.memory_space<semaphore_mem>>)
      %dma_wait3A = arith.constant 0 : i32
      %dma_wait3A_14 = tpu.memref_slice %arg6[%arg0, %mul3A_9, %dma_wait3A] : memref<2x10112x128xf32, #tpu.memory_space<hbm>> -> memref<1x632x128xf32, #tpu.memory_space<hbm>>
      %dma_wait3A_15 = tpu.memref_squeeze %dma_wait3A_14 : memref<1x632x128xf32, #tpu.memory_space<hbm>> -> memref<632x128xf32, #tpu.memory_space<hbm>>
      %dma_wait3A_16 = arith.constant 0 : i32
      %dma_wait3A_17 = tpu.memref_slice %arg11[%mul3A_7, %dma_wait3A_16] : memref<10112x128xf32, #tpu.memory_space<vmem_shared>> -> memref<632x128xf32, #tpu.memory_space<vmem_shared>>
      tpu.wait_dma2 semaphore(%run_scoped3A : memref<!tpu.dma_semaphore, #tpu.memory_space<semaphore_mem>>) src(%dma_wait3A_17 : memref<632x128xf32, #tpu.memory_space<vmem_shared>>) dst(%dma_wait3A_15 : memref<632x128xf32, #tpu.memory_space<hbm>>)
      tpu.yield
    }) : () -> ()
    return
  }
}

#map = affine_map<(d0, d1) -> (0, 0)>
#map1 = affine_map<(d0, d1) -> (0, 0, 0)>
module attributes {stable_mosaic.version = 14 : i64} {
  func.func @body(%arg0: i32, %arg1: i32, %arg2: memref<10000x128xf32, #tpu.memory_space<hbm>>, %arg3: memref<16x160x128xi32, #tpu.memory_space<hbm>>, %arg4: memref<16x160x128xi32, #tpu.memory_space<hbm>>, %arg5: memref<10112x128xf32, #tpu.memory_space<hbm>>, %arg6: memref<2x10112x128xf32, #tpu.memory_space<hbm>>, %arg7: memref<64x128xi32, #tpu.memory_space<vmem>>, %arg8: memref<64x128xi32, #tpu.memory_space<vmem>>, %arg9: memref<128x128xf32, #tpu.memory_space<vmem>>, %arg10: memref<128x128xf32, #tpu.memory_space<vmem>>, %arg11: memref<10112x128xf32, #tpu.memory_space<vmem_shared>>, %arg12: memref<!tpu.dma_semaphore, #tpu.memory_space<semaphore_mem>>, %arg13: memref<!tpu.dma_semaphore, #tpu.memory_space<semaphore_mem>>, %arg14: memref<!tpu.dma_semaphore, #tpu.memory_space<semaphore_mem>>) attributes {dimension_semantics = [#tpu.dimension_semantics<core_parallel>, #tpu.dimension_semantics<subcore_parallel>], iteration_bounds = array<i64: 2, 16>, scalar_prefetch = 0 : i64, scratch_operands = 8 : i64, tpu.core_type = #tpu.core_type<sc_vector_subcore>, window_params = [{transform_indices = #map}, {transform_indices = #map1}, {transform_indices = #map1}, {transform_indices = #map}, {transform_indices = #map1}]} {
    %eq3A = arith.constant 0 : i32
    %eq3A_0 = arith.cmpi eq, %arg0, %eq3A : i32
    %convert_element_type3A = arith.extui %eq3A_0 : i1 to i32
    %cond3A = arith.constant 0 : i32
    %cond3A_1 = arith.cmpi ne, %convert_element_type3A, %cond3A : i32
    scf.if %cond3A_1 {
      %mul3A_10 = arith.constant 632 : i32
      %mul3A_11 = arith.muli %arg1, %mul3A_10 : i32
      %dma_start3A = arith.constant 0 : i32
      %dma_start3A_12 = tpu.memref_slice %arg11[%mul3A_11, %dma_start3A] : memref<10112x128xf32, #tpu.memory_space<vmem_shared>> -> memref<632x128xf32, #tpu.memory_space<vmem_shared>>
      %dma_start3A_13 = arith.constant 0 : i32
      %dma_start3A_14 = tpu.memref_slice %arg5[%mul3A_11, %dma_start3A_13] : memref<10112x128xf32, #tpu.memory_space<hbm>> -> memref<632x128xf32, #tpu.memory_space<hbm>>
      tpu.enqueue_dma source(%dma_start3A_14 : memref<632x128xf32, #tpu.memory_space<hbm>>) target(%dma_start3A_12 : memref<632x128xf32, #tpu.memory_space<vmem_shared>>) target_semaphore(%arg14 : memref<!tpu.dma_semaphore, #tpu.memory_space<semaphore_mem>>)
      "tpu.region"() ({
        %run_scoped3A = tpu.sem_alloc : memref<!tpu.dma_semaphore, #tpu.memory_space<semaphore_mem>>
        %dma_start3A_31 = arith.constant 0 : i32
        %dma_start3A_32 = arith.constant 0 : i32
        %dma_start3A_33 = tpu.memref_slice %arg7[%dma_start3A_31, %dma_start3A_32] : memref<64x128xi32, #tpu.memory_space<vmem>> -> memref<40x128xi32, #tpu.memory_space<vmem>>
        %dma_start3A_34 = arith.constant 0 : i32
        %dma_start3A_35 = arith.constant 0 : i32
        %dma_start3A_36 = tpu.memref_slice %arg3[%arg1, %dma_start3A_34, %dma_start3A_35] : memref<16x160x128xi32, #tpu.memory_space<hbm>> -> memref<1x40x128xi32, #tpu.memory_space<hbm>>
        %dma_start3A_37 = tpu.memref_squeeze %dma_start3A_36 : memref<1x40x128xi32, #tpu.memory_space<hbm>> -> memref<40x128xi32, #tpu.memory_space<hbm>>
        %dma_start3A_38 = arith.constant 0 : i32
        %dma_start3A_39 = arith.constant 0 : i32
        %dma_start3A_40 = tpu.memref_slice %arg7[%dma_start3A_38, %dma_start3A_39] : memref<64x128xi32, #tpu.memory_space<vmem>> -> memref<40x128xi32, #tpu.memory_space<vmem>>
        %dma_start3A_41 = arith.constant 0 : i32
        %dma_start3A_42 = arith.constant 0 : i32
        %dma_start3A_43 = tpu.memref_slice %arg3[%arg1, %dma_start3A_41, %dma_start3A_42] : memref<16x160x128xi32, #tpu.memory_space<hbm>> -> memref<1x40x128xi32, #tpu.memory_space<hbm>>
        %dma_start3A_44 = tpu.memref_squeeze %dma_start3A_43 : memref<1x40x128xi32, #tpu.memory_space<hbm>> -> memref<40x128xi32, #tpu.memory_space<hbm>>
        tpu.enqueue_dma source(%dma_start3A_44 : memref<40x128xi32, #tpu.memory_space<hbm>>) target(%dma_start3A_40 : memref<40x128xi32, #tpu.memory_space<vmem>>) target_semaphore(%run_scoped3A : memref<!tpu.dma_semaphore, #tpu.memory_space<semaphore_mem>>)
        %dma_wait3A_45 = arith.constant 0 : i32
        %dma_wait3A_46 = arith.constant 0 : i32
        %dma_wait3A_47 = tpu.memref_slice %arg7[%dma_wait3A_45, %dma_wait3A_46] : memref<64x128xi32, #tpu.memory_space<vmem>> -> memref<40x128xi32, #tpu.memory_space<vmem>>
        %dma_wait3A_48 = arith.constant 0 : i32
        %dma_wait3A_49 = arith.constant 0 : i32
        %dma_wait3A_50 = tpu.memref_slice %arg3[%arg1, %dma_wait3A_48, %dma_wait3A_49] : memref<16x160x128xi32, #tpu.memory_space<hbm>> -> memref<1x40x128xi32, #tpu.memory_space<hbm>>
        %dma_wait3A_51 = tpu.memref_squeeze %dma_wait3A_50 : memref<1x40x128xi32, #tpu.memory_space<hbm>> -> memref<40x128xi32, #tpu.memory_space<hbm>>
        %dma_wait3A_52 = arith.constant 0 : i32
        %dma_wait3A_53 = arith.constant 0 : i32
        %dma_wait3A_54 = tpu.memref_slice %arg7[%dma_wait3A_52, %dma_wait3A_53] : memref<64x128xi32, #tpu.memory_space<vmem>> -> memref<40x128xi32, #tpu.memory_space<vmem>>
        %dma_wait3A_55 = arith.constant 0 : i32
        %dma_wait3A_56 = arith.constant 0 : i32
        %dma_wait3A_57 = tpu.memref_slice %arg3[%arg1, %dma_wait3A_55, %dma_wait3A_56] : memref<16x160x128xi32, #tpu.memory_space<hbm>> -> memref<1x40x128xi32, #tpu.memory_space<hbm>>
        %dma_wait3A_58 = tpu.memref_squeeze %dma_wait3A_57 : memref<1x40x128xi32, #tpu.memory_space<hbm>> -> memref<40x128xi32, #tpu.memory_space<hbm>>
        tpu.wait_dma2 semaphore(%run_scoped3A : memref<!tpu.dma_semaphore, #tpu.memory_space<semaphore_mem>>) src(%dma_wait3A_58 : memref<40x128xi32, #tpu.memory_space<hbm>>) dst(%dma_wait3A_54 : memref<40x128xi32, #tpu.memory_space<vmem>>)
        tpu.yield
      }) : () -> ()
      "tpu.region"() ({
        %run_scoped3A = tpu.sem_alloc : memref<!tpu.dma_semaphore, #tpu.memory_space<semaphore_mem>>
        %dma_start3A_31 = arith.constant 0 : i32
        %dma_start3A_32 = arith.constant 0 : i32
        %dma_start3A_33 = tpu.memref_slice %arg8[%dma_start3A_31, %dma_start3A_32] : memref<64x128xi32, #tpu.memory_space<vmem>> -> memref<40x128xi32, #tpu.memory_space<vmem>>
        %dma_start3A_34 = arith.constant 0 : i32
        %dma_start3A_35 = arith.constant 0 : i32
        %dma_start3A_36 = tpu.memref_slice %arg4[%arg1, %dma_start3A_34, %dma_start3A_35] : memref<16x160x128xi32, #tpu.memory_space<hbm>> -> memref<1x40x128xi32, #tpu.memory_space<hbm>>
        %dma_start3A_37 = tpu.memref_squeeze %dma_start3A_36 : memref<1x40x128xi32, #tpu.memory_space<hbm>> -> memref<40x128xi32, #tpu.memory_space<hbm>>
        %dma_start3A_38 = arith.constant 0 : i32
        %dma_start3A_39 = arith.constant 0 : i32
        %dma_start3A_40 = tpu.memref_slice %arg8[%dma_start3A_38, %dma_start3A_39] : memref<64x128xi32, #tpu.memory_space<vmem>> -> memref<40x128xi32, #tpu.memory_space<vmem>>
        %dma_start3A_41 = arith.constant 0 : i32
        %dma_start3A_42 = arith.constant 0 : i32
        %dma_start3A_43 = tpu.memref_slice %arg4[%arg1, %dma_start3A_41, %dma_start3A_42] : memref<16x160x128xi32, #tpu.memory_space<hbm>> -> memref<1x40x128xi32, #tpu.memory_space<hbm>>
        %dma_start3A_44 = tpu.memref_squeeze %dma_start3A_43 : memref<1x40x128xi32, #tpu.memory_space<hbm>> -> memref<40x128xi32, #tpu.memory_space<hbm>>
        tpu.enqueue_dma source(%dma_start3A_44 : memref<40x128xi32, #tpu.memory_space<hbm>>) target(%dma_start3A_40 : memref<40x128xi32, #tpu.memory_space<vmem>>) target_semaphore(%run_scoped3A : memref<!tpu.dma_semaphore, #tpu.memory_space<semaphore_mem>>)
        %dma_wait3A_45 = arith.constant 0 : i32
        %dma_wait3A_46 = arith.constant 0 : i32
        %dma_wait3A_47 = tpu.memref_slice %arg8[%dma_wait3A_45, %dma_wait3A_46] : memref<64x128xi32, #tpu.memory_space<vmem>> -> memref<40x128xi32, #tpu.memory_space<vmem>>
        %dma_wait3A_48 = arith.constant 0 : i32
        %dma_wait3A_49 = arith.constant 0 : i32
        %dma_wait3A_50 = tpu.memref_slice %arg4[%arg1, %dma_wait3A_48, %dma_wait3A_49] : memref<16x160x128xi32, #tpu.memory_space<hbm>> -> memref<1x40x128xi32, #tpu.memory_space<hbm>>
        %dma_wait3A_51 = tpu.memref_squeeze %dma_wait3A_50 : memref<1x40x128xi32, #tpu.memory_space<hbm>> -> memref<40x128xi32, #tpu.memory_space<hbm>>
        %dma_wait3A_52 = arith.constant 0 : i32
        %dma_wait3A_53 = arith.constant 0 : i32
        %dma_wait3A_54 = tpu.memref_slice %arg8[%dma_wait3A_52, %dma_wait3A_53] : memref<64x128xi32, #tpu.memory_space<vmem>> -> memref<40x128xi32, #tpu.memory_space<vmem>>
        %dma_wait3A_55 = arith.constant 0 : i32
        %dma_wait3A_56 = arith.constant 0 : i32
        %dma_wait3A_57 = tpu.memref_slice %arg4[%arg1, %dma_wait3A_55, %dma_wait3A_56] : memref<16x160x128xi32, #tpu.memory_space<hbm>> -> memref<1x40x128xi32, #tpu.memory_space<hbm>>
        %dma_wait3A_58 = tpu.memref_squeeze %dma_wait3A_57 : memref<1x40x128xi32, #tpu.memory_space<hbm>> -> memref<40x128xi32, #tpu.memory_space<hbm>>
        tpu.wait_dma2 semaphore(%run_scoped3A : memref<!tpu.dma_semaphore, #tpu.memory_space<semaphore_mem>>) src(%dma_wait3A_58 : memref<40x128xi32, #tpu.memory_space<hbm>>) dst(%dma_wait3A_54 : memref<40x128xi32, #tpu.memory_space<vmem>>)
        tpu.yield
      }) : () -> ()
      %dma_wait3A = arith.constant 0 : i32
      %dma_wait3A_15 = tpu.memref_slice %arg11[%mul3A_11, %dma_wait3A] : memref<10112x128xf32, #tpu.memory_space<vmem_shared>> -> memref<632x128xf32, #tpu.memory_space<vmem_shared>>
      %dma_wait3A_16 = arith.constant 0 : i32
      %dma_wait3A_17 = tpu.memref_slice %arg5[%mul3A_11, %dma_wait3A_16] : memref<10112x128xf32, #tpu.memory_space<hbm>> -> memref<632x128xf32, #tpu.memory_space<hbm>>
      tpu.wait_dma2 semaphore(%arg14 : memref<!tpu.dma_semaphore, #tpu.memory_space<semaphore_mem>>) src(%dma_wait3A_17 : memref<632x128xf32, #tpu.memory_space<hbm>>) dst(%dma_wait3A_15 : memref<632x128xf32, #tpu.memory_space<vmem_shared>>)
      %barrier3A_18 = arith.constant 0 : index
      tpu.barrier barrier_id(%barrier3A_18)
      %dma_start3A_19 = arith.constant 0 : i32
      %dma_start3A_20 = arith.constant 0 : i32
      %dma_start3A_21 = tpu.memref_slice %arg7[%dma_start3A_19, %dma_start3A_20] : memref<64x128xi32, #tpu.memory_space<vmem>> -> memref<1x128xi32, #tpu.memory_space<vmem>>
      %dma_start3A_22 = tpu.memref_squeeze %dma_start3A_21 : memref<1x128xi32, #tpu.memory_space<vmem>> -> memref<128xi32, #tpu.memory_space<vmem>>
      %dma_start3A_23 = arith.constant 0 : i32
      %dma_start3A_24 = arith.constant 0 : i32
      %dma_start3A_25 = tpu.memref_slice %arg2[%dma_start3A_23, %dma_start3A_24] : memref<10000x128xf32, #tpu.memory_space<hbm>> -> memref<10000x128xf32, #tpu.memory_space<hbm>>
      tpu.enqueue_indirect_dma source(%dma_start3A_25 : memref<10000x128xf32, #tpu.memory_space<hbm>>) target(%arg9 : memref<128x128xf32, #tpu.memory_space<vmem>>) offsets(%dma_start3A_22 : memref<128xi32, #tpu.memory_space<vmem>>) semaphore(%arg12 : memref<!tpu.dma_semaphore, #tpu.memory_space<semaphore_mem>>)
      %scan3A = arith.constant 0 : i32
      %scan3A_26 = arith.constant 0 : i32
      %scan3A_27 = arith.constant 20 : i32
      %scan3A_28 = arith.addi %scan3A_26, %scan3A_27 : i32
      %scan3A_29 = arith.constant 1 : i32
      scf.for %scan3A_31 = %scan3A_26 to %scan3A_28 step %scan3A_29  : i32 {
        %mul3A_32 = arith.constant 2 : i32
        %mul3A_33 = arith.muli %mul3A_32, %scan3A_31 : i32
        %add3A = arith.constant 1 : i32
        %add3A_34 = arith.addi %mul3A_33, %add3A : i32
        %dma_start3A_35 = arith.constant 0 : i32
        %dma_start3A_36 = tpu.memref_slice %arg7[%add3A_34, %dma_start3A_35] : memref<64x128xi32, #tpu.memory_space<vmem>> -> memref<1x128xi32, #tpu.memory_space<vmem>>
        %dma_start3A_37 = tpu.memref_squeeze %dma_start3A_36 : memref<1x128xi32, #tpu.memory_space<vmem>> -> memref<128xi32, #tpu.memory_space<vmem>>
        %dma_start3A_38 = arith.constant 0 : i32
        %dma_start3A_39 = arith.constant 0 : i32
        %dma_start3A_40 = tpu.memref_slice %arg2[%dma_start3A_38, %dma_start3A_39] : memref<10000x128xf32, #tpu.memory_space<hbm>> -> memref<10000x128xf32, #tpu.memory_space<hbm>>
        tpu.enqueue_indirect_dma source(%dma_start3A_40 : memref<10000x128xf32, #tpu.memory_space<hbm>>) target(%arg10 : memref<128x128xf32, #tpu.memory_space<vmem>>) offsets(%dma_start3A_37 : memref<128xi32, #tpu.memory_space<vmem>>) semaphore(%arg13 : memref<!tpu.dma_semaphore, #tpu.memory_space<semaphore_mem>>)
        %dma_wait3A_41 = arith.constant 0 : i32
        %dma_wait3A_42 = tpu.memref_slice %arg7[%mul3A_33, %dma_wait3A_41] : memref<64x128xi32, #tpu.memory_space<vmem>> -> memref<1x128xi32, #tpu.memory_space<vmem>>
        %dma_wait3A_43 = tpu.memref_squeeze %dma_wait3A_42 : memref<1x128xi32, #tpu.memory_space<vmem>> -> memref<128xi32, #tpu.memory_space<vmem>>
        %dma_wait3A_44 = arith.constant 0 : i32
        %dma_wait3A_45 = arith.constant 0 : i32
        %dma_wait3A_46 = tpu.memref_slice %arg2[%dma_wait3A_44, %dma_wait3A_45] : memref<10000x128xf32, #tpu.memory_space<hbm>> -> memref<10000x128xf32, #tpu.memory_space<hbm>>
        tpu.wait_indirect_dma semaphore(%arg12 : memref<!tpu.dma_semaphore, #tpu.memory_space<semaphore_mem>>) src(%dma_wait3A_46 : memref<10000x128xf32, #tpu.memory_space<hbm>>) dst(%arg9 : memref<128x128xf32, #tpu.memory_space<vmem>>)
        "tpu.region"() ({
          %run_scoped3A = tpu.sem_alloc : memref<!tpu.dma_semaphore, #tpu.memory_space<semaphore_mem>>
          %dma_start3A_59 = arith.constant 0 : i32
          %dma_start3A_60 = tpu.memref_slice %arg8[%mul3A_33, %dma_start3A_59] : memref<64x128xi32, #tpu.memory_space<vmem>> -> memref<1x128xi32, #tpu.memory_space<vmem>>
          %dma_start3A_61 = tpu.memref_squeeze %dma_start3A_60 : memref<1x128xi32, #tpu.memory_space<vmem>> -> memref<128xi32, #tpu.memory_space<vmem>>
          %dma_start3A_62 = arith.constant 0 : i32
          %dma_start3A_63 = arith.constant 0 : i32
          %dma_start3A_64 = tpu.memref_slice %arg11[%dma_start3A_62, %dma_start3A_63] : memref<10112x128xf32, #tpu.memory_space<vmem_shared>> -> memref<10112x128xf32, #tpu.memory_space<vmem_shared>>
          tpu.enqueue_indirect_dma source(%arg9 : memref<128x128xf32, #tpu.memory_space<vmem>>) target(%dma_start3A_64 : memref<10112x128xf32, #tpu.memory_space<vmem_shared>>) offsets(%dma_start3A_61 : memref<128xi32, #tpu.memory_space<vmem>>) semaphore(%run_scoped3A : memref<!tpu.dma_semaphore, #tpu.memory_space<semaphore_mem>>) {add = true}
          %dma_wait3A_65 = arith.constant 0 : i32
          %dma_wait3A_66 = tpu.memref_slice %arg8[%mul3A_33, %dma_wait3A_65] : memref<64x128xi32, #tpu.memory_space<vmem>> -> memref<1x128xi32, #tpu.memory_space<vmem>>
          %dma_wait3A_67 = tpu.memref_squeeze %dma_wait3A_66 : memref<1x128xi32, #tpu.memory_space<vmem>> -> memref<128xi32, #tpu.memory_space<vmem>>
          %dma_wait3A_68 = arith.constant 0 : i32
          %dma_wait3A_69 = arith.constant 0 : i32
          %dma_wait3A_70 = tpu.memref_slice %arg11[%dma_wait3A_68, %dma_wait3A_69] : memref<10112x128xf32, #tpu.memory_space<vmem_shared>> -> memref<10112x128xf32, #tpu.memory_space<vmem_shared>>
          tpu.wait_indirect_dma semaphore(%run_scoped3A : memref<!tpu.dma_semaphore, #tpu.memory_space<semaphore_mem>>) src(%arg9 : memref<128x128xf32, #tpu.memory_space<vmem>>) dst(%dma_wait3A_70 : memref<10112x128xf32, #tpu.memory_space<vmem_shared>>)
          tpu.yield
        }) : () -> ()
        %add3A_47 = arith.constant 1 : i32
        %add3A_48 = arith.addi %scan3A_31, %add3A_47 : i32
        %lt3A = arith.constant 20 : i32
        %lt3A_49 = arith.cmpi slt, %add3A_48, %lt3A : i32
        %convert_element_type3A_50 = arith.extui %lt3A_49 : i1 to i32
        %cond3A_51 = arith.constant 0 : i32
        %cond3A_52 = arith.cmpi ne, %convert_element_type3A_50, %cond3A_51 : i32
        scf.if %cond3A_52 {
          %add3A_59 = arith.constant 2 : i32
          %add3A_60 = arith.addi %mul3A_33, %add3A_59 : i32
          %dma_start3A_61 = arith.constant 0 : i32
          %dma_start3A_62 = tpu.memref_slice %arg7[%add3A_60, %dma_start3A_61] : memref<64x128xi32, #tpu.memory_space<vmem>> -> memref<1x128xi32, #tpu.memory_space<vmem>>
          %dma_start3A_63 = tpu.memref_squeeze %dma_start3A_62 : memref<1x128xi32, #tpu.memory_space<vmem>> -> memref<128xi32, #tpu.memory_space<vmem>>
          %dma_start3A_64 = arith.constant 0 : i32
          %dma_start3A_65 = arith.constant 0 : i32
          %dma_start3A_66 = tpu.memref_slice %arg2[%dma_start3A_64, %dma_start3A_65] : memref<10000x128xf32, #tpu.memory_space<hbm>> -> memref<10000x128xf32, #tpu.memory_space<hbm>>
          tpu.enqueue_indirect_dma source(%dma_start3A_66 : memref<10000x128xf32, #tpu.memory_space<hbm>>) target(%arg9 : memref<128x128xf32, #tpu.memory_space<vmem>>) offsets(%dma_start3A_63 : memref<128xi32, #tpu.memory_space<vmem>>) semaphore(%arg12 : memref<!tpu.dma_semaphore, #tpu.memory_space<semaphore_mem>>)
        } else {
        }
        %dma_wait3A_53 = arith.constant 0 : i32
        %dma_wait3A_54 = tpu.memref_slice %arg7[%add3A_34, %dma_wait3A_53] : memref<64x128xi32, #tpu.memory_space<vmem>> -> memref<1x128xi32, #tpu.memory_space<vmem>>
        %dma_wait3A_55 = tpu.memref_squeeze %dma_wait3A_54 : memref<1x128xi32, #tpu.memory_space<vmem>> -> memref<128xi32, #tpu.memory_space<vmem>>
        %dma_wait3A_56 = arith.constant 0 : i32
        %dma_wait3A_57 = arith.constant 0 : i32
        %dma_wait3A_58 = tpu.memref_slice %arg2[%dma_wait3A_56, %dma_wait3A_57] : memref<10000x128xf32, #tpu.memory_space<hbm>> -> memref<10000x128xf32, #tpu.memory_space<hbm>>
        tpu.wait_indirect_dma semaphore(%arg13 : memref<!tpu.dma_semaphore, #tpu.memory_space<semaphore_mem>>) src(%dma_wait3A_58 : memref<10000x128xf32, #tpu.memory_space<hbm>>) dst(%arg10 : memref<128x128xf32, #tpu.memory_space<vmem>>)
        "tpu.region"() ({
          %run_scoped3A = tpu.sem_alloc : memref<!tpu.dma_semaphore, #tpu.memory_space<semaphore_mem>>
          %dma_start3A_59 = arith.constant 0 : i32
          %dma_start3A_60 = tpu.memref_slice %arg8[%add3A_34, %dma_start3A_59] : memref<64x128xi32, #tpu.memory_space<vmem>> -> memref<1x128xi32, #tpu.memory_space<vmem>>
          %dma_start3A_61 = tpu.memref_squeeze %dma_start3A_60 : memref<1x128xi32, #tpu.memory_space<vmem>> -> memref<128xi32, #tpu.memory_space<vmem>>
          %dma_start3A_62 = arith.constant 0 : i32
          %dma_start3A_63 = arith.constant 0 : i32
          %dma_start3A_64 = tpu.memref_slice %arg11[%dma_start3A_62, %dma_start3A_63] : memref<10112x128xf32, #tpu.memory_space<vmem_shared>> -> memref<10112x128xf32, #tpu.memory_space<vmem_shared>>
          tpu.enqueue_indirect_dma source(%arg10 : memref<128x128xf32, #tpu.memory_space<vmem>>) target(%dma_start3A_64 : memref<10112x128xf32, #tpu.memory_space<vmem_shared>>) offsets(%dma_start3A_61 : memref<128xi32, #tpu.memory_space<vmem>>) semaphore(%run_scoped3A : memref<!tpu.dma_semaphore, #tpu.memory_space<semaphore_mem>>) {add = true}
          %dma_wait3A_65 = arith.constant 0 : i32
          %dma_wait3A_66 = tpu.memref_slice %arg8[%add3A_34, %dma_wait3A_65] : memref<64x128xi32, #tpu.memory_space<vmem>> -> memref<1x128xi32, #tpu.memory_space<vmem>>
          %dma_wait3A_67 = tpu.memref_squeeze %dma_wait3A_66 : memref<1x128xi32, #tpu.memory_space<vmem>> -> memref<128xi32, #tpu.memory_space<vmem>>
          %dma_wait3A_68 = arith.constant 0 : i32
          %dma_wait3A_69 = arith.constant 0 : i32
          %dma_wait3A_70 = tpu.memref_slice %arg11[%dma_wait3A_68, %dma_wait3A_69] : memref<10112x128xf32, #tpu.memory_space<vmem_shared>> -> memref<10112x128xf32, #tpu.memory_space<vmem_shared>>
          tpu.wait_indirect_dma semaphore(%run_scoped3A : memref<!tpu.dma_semaphore, #tpu.memory_space<semaphore_mem>>) src(%arg10 : memref<128x128xf32, #tpu.memory_space<vmem>>) dst(%dma_wait3A_70 : memref<10112x128xf32, #tpu.memory_space<vmem_shared>>)
          tpu.yield
        }) : () -> ()
      }
      %scan3A_30 = arith.constant 20 : i32
    } else {
    }
    %eq3A_2 = arith.constant 1 : i32
    %eq3A_3 = arith.cmpi eq, %arg0, %eq3A_2 : i32
    %convert_element_type3A_4 = arith.extui %eq3A_3 : i1 to i32
    %cond3A_5 = arith.constant 0 : i32
    %cond3A_6 = arith.cmpi ne, %convert_element_type3A_4, %cond3A_5 : i32
    scf.if %cond3A_6 {
      %mul3A_10 = arith.constant 632 : i32
      %mul3A_11 = arith.muli %arg1, %mul3A_10 : i32
      %dma_start3A = arith.constant 0 : i32
      %dma_start3A_12 = tpu.memref_slice %arg11[%mul3A_11, %dma_start3A] : memref<10112x128xf32, #tpu.memory_space<vmem_shared>> -> memref<632x128xf32, #tpu.memory_space<vmem_shared>>
      %dma_start3A_13 = arith.constant 0 : i32
      %dma_start3A_14 = tpu.memref_slice %arg5[%mul3A_11, %dma_start3A_13] : memref<10112x128xf32, #tpu.memory_space<hbm>> -> memref<632x128xf32, #tpu.memory_space<hbm>>
      tpu.enqueue_dma source(%dma_start3A_14 : memref<632x128xf32, #tpu.memory_space<hbm>>) target(%dma_start3A_12 : memref<632x128xf32, #tpu.memory_space<vmem_shared>>) target_semaphore(%arg14 : memref<!tpu.dma_semaphore, #tpu.memory_space<semaphore_mem>>)
      "tpu.region"() ({
        %run_scoped3A = tpu.sem_alloc : memref<!tpu.dma_semaphore, #tpu.memory_space<semaphore_mem>>
        %dma_start3A_44 = arith.constant 0 : i32
        %dma_start3A_45 = arith.constant 0 : i32
        %dma_start3A_46 = tpu.memref_slice %arg7[%dma_start3A_44, %dma_start3A_45] : memref<64x128xi32, #tpu.memory_space<vmem>> -> memref<56x128xi32, #tpu.memory_space<vmem>>
        %dma_start3A_47 = arith.constant 40 : i32
        %dma_start3A_48 = arith.constant 0 : i32
        %dma_start3A_49 = tpu.memref_slice %arg3[%arg1, %dma_start3A_47, %dma_start3A_48] : memref<16x160x128xi32, #tpu.memory_space<hbm>> -> memref<1x56x128xi32, #tpu.memory_space<hbm>>
        %dma_start3A_50 = tpu.memref_squeeze %dma_start3A_49 : memref<1x56x128xi32, #tpu.memory_space<hbm>> -> memref<56x128xi32, #tpu.memory_space<hbm>>
        %dma_start3A_51 = arith.constant 0 : i32
        %dma_start3A_52 = arith.constant 0 : i32
        %dma_start3A_53 = tpu.memref_slice %arg7[%dma_start3A_51, %dma_start3A_52] : memref<64x128xi32, #tpu.memory_space<vmem>> -> memref<56x128xi32, #tpu.memory_space<vmem>>
        %dma_start3A_54 = arith.constant 40 : i32
        %dma_start3A_55 = arith.constant 0 : i32
        %dma_start3A_56 = tpu.memref_slice %arg3[%arg1, %dma_start3A_54, %dma_start3A_55] : memref<16x160x128xi32, #tpu.memory_space<hbm>> -> memref<1x56x128xi32, #tpu.memory_space<hbm>>
        %dma_start3A_57 = tpu.memref_squeeze %dma_start3A_56 : memref<1x56x128xi32, #tpu.memory_space<hbm>> -> memref<56x128xi32, #tpu.memory_space<hbm>>
        tpu.enqueue_dma source(%dma_start3A_57 : memref<56x128xi32, #tpu.memory_space<hbm>>) target(%dma_start3A_53 : memref<56x128xi32, #tpu.memory_space<vmem>>) target_semaphore(%run_scoped3A : memref<!tpu.dma_semaphore, #tpu.memory_space<semaphore_mem>>)
        %dma_wait3A_58 = arith.constant 0 : i32
        %dma_wait3A_59 = arith.constant 0 : i32
        %dma_wait3A_60 = tpu.memref_slice %arg7[%dma_wait3A_58, %dma_wait3A_59] : memref<64x128xi32, #tpu.memory_space<vmem>> -> memref<56x128xi32, #tpu.memory_space<vmem>>
        %dma_wait3A_61 = arith.constant 40 : i32
        %dma_wait3A_62 = arith.constant 0 : i32
        %dma_wait3A_63 = tpu.memref_slice %arg3[%arg1, %dma_wait3A_61, %dma_wait3A_62] : memref<16x160x128xi32, #tpu.memory_space<hbm>> -> memref<1x56x128xi32, #tpu.memory_space<hbm>>
        %dma_wait3A_64 = tpu.memref_squeeze %dma_wait3A_63 : memref<1x56x128xi32, #tpu.memory_space<hbm>> -> memref<56x128xi32, #tpu.memory_space<hbm>>
        %dma_wait3A_65 = arith.constant 0 : i32
        %dma_wait3A_66 = arith.constant 0 : i32
        %dma_wait3A_67 = tpu.memref_slice %arg7[%dma_wait3A_65, %dma_wait3A_66] : memref<64x128xi32, #tpu.memory_space<vmem>> -> memref<56x128xi32, #tpu.memory_space<vmem>>
        %dma_wait3A_68 = arith.constant 40 : i32
        %dma_wait3A_69 = arith.constant 0 : i32
        %dma_wait3A_70 = tpu.memref_slice %arg3[%arg1, %dma_wait3A_68, %dma_wait3A_69] : memref<16x160x128xi32, #tpu.memory_space<hbm>> -> memref<1x56x128xi32, #tpu.memory_space<hbm>>
        %dma_wait3A_71 = tpu.memref_squeeze %dma_wait3A_70 : memref<1x56x128xi32, #tpu.memory_space<hbm>> -> memref<56x128xi32, #tpu.memory_space<hbm>>
        tpu.wait_dma2 semaphore(%run_scoped3A : memref<!tpu.dma_semaphore, #tpu.memory_space<semaphore_mem>>) src(%dma_wait3A_71 : memref<56x128xi32, #tpu.memory_space<hbm>>) dst(%dma_wait3A_67 : memref<56x128xi32, #tpu.memory_space<vmem>>)
        tpu.yield
      }) : () -> ()
      "tpu.region"() ({
        %run_scoped3A = tpu.sem_alloc : memref<!tpu.dma_semaphore, #tpu.memory_space<semaphore_mem>>
        %dma_start3A_44 = arith.constant 0 : i32
        %dma_start3A_45 = arith.constant 0 : i32
        %dma_start3A_46 = tpu.memref_slice %arg8[%dma_start3A_44, %dma_start3A_45] : memref<64x128xi32, #tpu.memory_space<vmem>> -> memref<56x128xi32, #tpu.memory_space<vmem>>
        %dma_start3A_47 = arith.constant 40 : i32
        %dma_start3A_48 = arith.constant 0 : i32
        %dma_start3A_49 = tpu.memref_slice %arg4[%arg1, %dma_start3A_47, %dma_start3A_48] : memref<16x160x128xi32, #tpu.memory_space<hbm>> -> memref<1x56x128xi32, #tpu.memory_space<hbm>>
        %dma_start3A_50 = tpu.memref_squeeze %dma_start3A_49 : memref<1x56x128xi32, #tpu.memory_space<hbm>> -> memref<56x128xi32, #tpu.memory_space<hbm>>
        %dma_start3A_51 = arith.constant 0 : i32
        %dma_start3A_52 = arith.constant 0 : i32
        %dma_start3A_53 = tpu.memref_slice %arg8[%dma_start3A_51, %dma_start3A_52] : memref<64x128xi32, #tpu.memory_space<vmem>> -> memref<56x128xi32, #tpu.memory_space<vmem>>
        %dma_start3A_54 = arith.constant 40 : i32
        %dma_start3A_55 = arith.constant 0 : i32
        %dma_start3A_56 = tpu.memref_slice %arg4[%arg1, %dma_start3A_54, %dma_start3A_55] : memref<16x160x128xi32, #tpu.memory_space<hbm>> -> memref<1x56x128xi32, #tpu.memory_space<hbm>>
        %dma_start3A_57 = tpu.memref_squeeze %dma_start3A_56 : memref<1x56x128xi32, #tpu.memory_space<hbm>> -> memref<56x128xi32, #tpu.memory_space<hbm>>
        tpu.enqueue_dma source(%dma_start3A_57 : memref<56x128xi32, #tpu.memory_space<hbm>>) target(%dma_start3A_53 : memref<56x128xi32, #tpu.memory_space<vmem>>) target_semaphore(%run_scoped3A : memref<!tpu.dma_semaphore, #tpu.memory_space<semaphore_mem>>)
        %dma_wait3A_58 = arith.constant 0 : i32
        %dma_wait3A_59 = arith.constant 0 : i32
        %dma_wait3A_60 = tpu.memref_slice %arg8[%dma_wait3A_58, %dma_wait3A_59] : memref<64x128xi32, #tpu.memory_space<vmem>> -> memref<56x128xi32, #tpu.memory_space<vmem>>
        %dma_wait3A_61 = arith.constant 40 : i32
        %dma_wait3A_62 = arith.constant 0 : i32
        %dma_wait3A_63 = tpu.memref_slice %arg4[%arg1, %dma_wait3A_61, %dma_wait3A_62] : memref<16x160x128xi32, #tpu.memory_space<hbm>> -> memref<1x56x128xi32, #tpu.memory_space<hbm>>
        %dma_wait3A_64 = tpu.memref_squeeze %dma_wait3A_63 : memref<1x56x128xi32, #tpu.memory_space<hbm>> -> memref<56x128xi32, #tpu.memory_space<hbm>>
        %dma_wait3A_65 = arith.constant 0 : i32
        %dma_wait3A_66 = arith.constant 0 : i32
        %dma_wait3A_67 = tpu.memref_slice %arg8[%dma_wait3A_65, %dma_wait3A_66] : memref<64x128xi32, #tpu.memory_space<vmem>> -> memref<56x128xi32, #tpu.memory_space<vmem>>
        %dma_wait3A_68 = arith.constant 40 : i32
        %dma_wait3A_69 = arith.constant 0 : i32
        %dma_wait3A_70 = tpu.memref_slice %arg4[%arg1, %dma_wait3A_68, %dma_wait3A_69] : memref<16x160x128xi32, #tpu.memory_space<hbm>> -> memref<1x56x128xi32, #tpu.memory_space<hbm>>
        %dma_wait3A_71 = tpu.memref_squeeze %dma_wait3A_70 : memref<1x56x128xi32, #tpu.memory_space<hbm>> -> memref<56x128xi32, #tpu.memory_space<hbm>>
        tpu.wait_dma2 semaphore(%run_scoped3A : memref<!tpu.dma_semaphore, #tpu.memory_space<semaphore_mem>>) src(%dma_wait3A_71 : memref<56x128xi32, #tpu.memory_space<hbm>>) dst(%dma_wait3A_67 : memref<56x128xi32, #tpu.memory_space<vmem>>)
        tpu.yield
      }) : () -> ()
      %dma_wait3A = arith.constant 0 : i32
      %dma_wait3A_15 = tpu.memref_slice %arg11[%mul3A_11, %dma_wait3A] : memref<10112x128xf32, #tpu.memory_space<vmem_shared>> -> memref<632x128xf32, #tpu.memory_space<vmem_shared>>
      %dma_wait3A_16 = arith.constant 0 : i32
      %dma_wait3A_17 = tpu.memref_slice %arg5[%mul3A_11, %dma_wait3A_16] : memref<10112x128xf32, #tpu.memory_space<hbm>> -> memref<632x128xf32, #tpu.memory_space<hbm>>
      tpu.wait_dma2 semaphore(%arg14 : memref<!tpu.dma_semaphore, #tpu.memory_space<semaphore_mem>>) src(%dma_wait3A_17 : memref<632x128xf32, #tpu.memory_space<hbm>>) dst(%dma_wait3A_15 : memref<632x128xf32, #tpu.memory_space<vmem_shared>>)
      %barrier3A_18 = arith.constant 0 : index
      tpu.barrier barrier_id(%barrier3A_18)
      %dma_start3A_19 = arith.constant 0 : i32
      %dma_start3A_20 = arith.constant 0 : i32
      %dma_start3A_21 = tpu.memref_slice %arg7[%dma_start3A_19, %dma_start3A_20] : memref<64x128xi32, #tpu.memory_space<vmem>> -> memref<1x128xi32, #tpu.memory_space<vmem>>
      %dma_start3A_22 = tpu.memref_squeeze %dma_start3A_21 : memref<1x128xi32, #tpu.memory_space<vmem>> -> memref<128xi32, #tpu.memory_space<vmem>>
      %dma_start3A_23 = arith.constant 0 : i32
      %dma_start3A_24 = arith.constant 0 : i32
      %dma_start3A_25 = tpu.memref_slice %arg2[%dma_start3A_23, %dma_start3A_24] : memref<10000x128xf32, #tpu.memory_space<hbm>> -> memref<10000x128xf32, #tpu.memory_space<hbm>>
      tpu.enqueue_indirect_dma source(%dma_start3A_25 : memref<10000x128xf32, #tpu.memory_space<hbm>>) target(%arg9 : memref<128x128xf32, #tpu.memory_space<vmem>>) offsets(%dma_start3A_22 : memref<128xi32, #tpu.memory_space<vmem>>) semaphore(%arg12 : memref<!tpu.dma_semaphore, #tpu.memory_space<semaphore_mem>>)
      %scan3A = arith.constant 0 : i32
      %scan3A_26 = arith.constant 0 : i32
      %scan3A_27 = arith.constant 28 : i32
      %scan3A_28 = arith.addi %scan3A_26, %scan3A_27 : i32
      %scan3A_29 = arith.constant 1 : i32
      scf.for %scan3A_44 = %scan3A_26 to %scan3A_28 step %scan3A_29  : i32 {
        %mul3A_45 = arith.constant 2 : i32
        %mul3A_46 = arith.muli %mul3A_45, %scan3A_44 : i32
        %add3A = arith.constant 1 : i32
        %add3A_47 = arith.addi %mul3A_46, %add3A : i32
        %dma_start3A_48 = arith.constant 0 : i32
        %dma_start3A_49 = tpu.memref_slice %arg7[%add3A_47, %dma_start3A_48] : memref<64x128xi32, #tpu.memory_space<vmem>> -> memref<1x128xi32, #tpu.memory_space<vmem>>
        %dma_start3A_50 = tpu.memref_squeeze %dma_start3A_49 : memref<1x128xi32, #tpu.memory_space<vmem>> -> memref<128xi32, #tpu.memory_space<vmem>>
        %dma_start3A_51 = arith.constant 0 : i32
        %dma_start3A_52 = arith.constant 0 : i32
        %dma_start3A_53 = tpu.memref_slice %arg2[%dma_start3A_51, %dma_start3A_52] : memref<10000x128xf32, #tpu.memory_space<hbm>> -> memref<10000x128xf32, #tpu.memory_space<hbm>>
        tpu.enqueue_indirect_dma source(%dma_start3A_53 : memref<10000x128xf32, #tpu.memory_space<hbm>>) target(%arg10 : memref<128x128xf32, #tpu.memory_space<vmem>>) offsets(%dma_start3A_50 : memref<128xi32, #tpu.memory_space<vmem>>) semaphore(%arg13 : memref<!tpu.dma_semaphore, #tpu.memory_space<semaphore_mem>>)
        %dma_wait3A_54 = arith.constant 0 : i32
        %dma_wait3A_55 = tpu.memref_slice %arg7[%mul3A_46, %dma_wait3A_54] : memref<64x128xi32, #tpu.memory_space<vmem>> -> memref<1x128xi32, #tpu.memory_space<vmem>>
        %dma_wait3A_56 = tpu.memref_squeeze %dma_wait3A_55 : memref<1x128xi32, #tpu.memory_space<vmem>> -> memref<128xi32, #tpu.memory_space<vmem>>
        %dma_wait3A_57 = arith.constant 0 : i32
        %dma_wait3A_58 = arith.constant 0 : i32
        %dma_wait3A_59 = tpu.memref_slice %arg2[%dma_wait3A_57, %dma_wait3A_58] : memref<10000x128xf32, #tpu.memory_space<hbm>> -> memref<10000x128xf32, #tpu.memory_space<hbm>>
        tpu.wait_indirect_dma semaphore(%arg12 : memref<!tpu.dma_semaphore, #tpu.memory_space<semaphore_mem>>) src(%dma_wait3A_59 : memref<10000x128xf32, #tpu.memory_space<hbm>>) dst(%arg9 : memref<128x128xf32, #tpu.memory_space<vmem>>)
        "tpu.region"() ({
          %run_scoped3A = tpu.sem_alloc : memref<!tpu.dma_semaphore, #tpu.memory_space<semaphore_mem>>
          %dma_start3A_72 = arith.constant 0 : i32
          %dma_start3A_73 = tpu.memref_slice %arg8[%mul3A_46, %dma_start3A_72] : memref<64x128xi32, #tpu.memory_space<vmem>> -> memref<1x128xi32, #tpu.memory_space<vmem>>
          %dma_start3A_74 = tpu.memref_squeeze %dma_start3A_73 : memref<1x128xi32, #tpu.memory_space<vmem>> -> memref<128xi32, #tpu.memory_space<vmem>>
          %dma_start3A_75 = arith.constant 0 : i32
          %dma_start3A_76 = arith.constant 0 : i32
          %dma_start3A_77 = tpu.memref_slice %arg11[%dma_start3A_75, %dma_start3A_76] : memref<10112x128xf32, #tpu.memory_space<vmem_shared>> -> memref<10112x128xf32, #tpu.memory_space<vmem_shared>>
          tpu.enqueue_indirect_dma source(%arg9 : memref<128x128xf32, #tpu.memory_space<vmem>>) target(%dma_start3A_77 : memref<10112x128xf32, #tpu.memory_space<vmem_shared>>) offsets(%dma_start3A_74 : memref<128xi32, #tpu.memory_space<vmem>>) semaphore(%run_scoped3A : memref<!tpu.dma_semaphore, #tpu.memory_space<semaphore_mem>>) {add = true}
          %dma_wait3A_78 = arith.constant 0 : i32
          %dma_wait3A_79 = tpu.memref_slice %arg8[%mul3A_46, %dma_wait3A_78] : memref<64x128xi32, #tpu.memory_space<vmem>> -> memref<1x128xi32, #tpu.memory_space<vmem>>
          %dma_wait3A_80 = tpu.memref_squeeze %dma_wait3A_79 : memref<1x128xi32, #tpu.memory_space<vmem>> -> memref<128xi32, #tpu.memory_space<vmem>>
          %dma_wait3A_81 = arith.constant 0 : i32
          %dma_wait3A_82 = arith.constant 0 : i32
          %dma_wait3A_83 = tpu.memref_slice %arg11[%dma_wait3A_81, %dma_wait3A_82] : memref<10112x128xf32, #tpu.memory_space<vmem_shared>> -> memref<10112x128xf32, #tpu.memory_space<vmem_shared>>
          tpu.wait_indirect_dma semaphore(%run_scoped3A : memref<!tpu.dma_semaphore, #tpu.memory_space<semaphore_mem>>) src(%arg9 : memref<128x128xf32, #tpu.memory_space<vmem>>) dst(%dma_wait3A_83 : memref<10112x128xf32, #tpu.memory_space<vmem_shared>>)
          tpu.yield
        }) : () -> ()
        %add3A_60 = arith.constant 1 : i32
        %add3A_61 = arith.addi %scan3A_44, %add3A_60 : i32
        %lt3A = arith.constant 28 : i32
        %lt3A_62 = arith.cmpi slt, %add3A_61, %lt3A : i32
        %convert_element_type3A_63 = arith.extui %lt3A_62 : i1 to i32
        %cond3A_64 = arith.constant 0 : i32
        %cond3A_65 = arith.cmpi ne, %convert_element_type3A_63, %cond3A_64 : i32
        scf.if %cond3A_65 {
          %add3A_72 = arith.constant 2 : i32
          %add3A_73 = arith.addi %mul3A_46, %add3A_72 : i32
          %dma_start3A_74 = arith.constant 0 : i32
          %dma_start3A_75 = tpu.memref_slice %arg7[%add3A_73, %dma_start3A_74] : memref<64x128xi32, #tpu.memory_space<vmem>> -> memref<1x128xi32, #tpu.memory_space<vmem>>
          %dma_start3A_76 = tpu.memref_squeeze %dma_start3A_75 : memref<1x128xi32, #tpu.memory_space<vmem>> -> memref<128xi32, #tpu.memory_space<vmem>>
          %dma_start3A_77 = arith.constant 0 : i32
          %dma_start3A_78 = arith.constant 0 : i32
          %dma_start3A_79 = tpu.memref_slice %arg2[%dma_start3A_77, %dma_start3A_78] : memref<10000x128xf32, #tpu.memory_space<hbm>> -> memref<10000x128xf32, #tpu.memory_space<hbm>>
          tpu.enqueue_indirect_dma source(%dma_start3A_79 : memref<10000x128xf32, #tpu.memory_space<hbm>>) target(%arg9 : memref<128x128xf32, #tpu.memory_space<vmem>>) offsets(%dma_start3A_76 : memref<128xi32, #tpu.memory_space<vmem>>) semaphore(%arg12 : memref<!tpu.dma_semaphore, #tpu.memory_space<semaphore_mem>>)
        } else {
        }
        %dma_wait3A_66 = arith.constant 0 : i32
        %dma_wait3A_67 = tpu.memref_slice %arg7[%add3A_47, %dma_wait3A_66] : memref<64x128xi32, #tpu.memory_space<vmem>> -> memref<1x128xi32, #tpu.memory_space<vmem>>
        %dma_wait3A_68 = tpu.memref_squeeze %dma_wait3A_67 : memref<1x128xi32, #tpu.memory_space<vmem>> -> memref<128xi32, #tpu.memory_space<vmem>>
        %dma_wait3A_69 = arith.constant 0 : i32
        %dma_wait3A_70 = arith.constant 0 : i32
        %dma_wait3A_71 = tpu.memref_slice %arg2[%dma_wait3A_69, %dma_wait3A_70] : memref<10000x128xf32, #tpu.memory_space<hbm>> -> memref<10000x128xf32, #tpu.memory_space<hbm>>
        tpu.wait_indirect_dma semaphore(%arg13 : memref<!tpu.dma_semaphore, #tpu.memory_space<semaphore_mem>>) src(%dma_wait3A_71 : memref<10000x128xf32, #tpu.memory_space<hbm>>) dst(%arg10 : memref<128x128xf32, #tpu.memory_space<vmem>>)
        "tpu.region"() ({
          %run_scoped3A = tpu.sem_alloc : memref<!tpu.dma_semaphore, #tpu.memory_space<semaphore_mem>>
          %dma_start3A_72 = arith.constant 0 : i32
          %dma_start3A_73 = tpu.memref_slice %arg8[%add3A_47, %dma_start3A_72] : memref<64x128xi32, #tpu.memory_space<vmem>> -> memref<1x128xi32, #tpu.memory_space<vmem>>
          %dma_start3A_74 = tpu.memref_squeeze %dma_start3A_73 : memref<1x128xi32, #tpu.memory_space<vmem>> -> memref<128xi32, #tpu.memory_space<vmem>>
          %dma_start3A_75 = arith.constant 0 : i32
          %dma_start3A_76 = arith.constant 0 : i32
          %dma_start3A_77 = tpu.memref_slice %arg11[%dma_start3A_75, %dma_start3A_76] : memref<10112x128xf32, #tpu.memory_space<vmem_shared>> -> memref<10112x128xf32, #tpu.memory_space<vmem_shared>>
          tpu.enqueue_indirect_dma source(%arg10 : memref<128x128xf32, #tpu.memory_space<vmem>>) target(%dma_start3A_77 : memref<10112x128xf32, #tpu.memory_space<vmem_shared>>) offsets(%dma_start3A_74 : memref<128xi32, #tpu.memory_space<vmem>>) semaphore(%run_scoped3A : memref<!tpu.dma_semaphore, #tpu.memory_space<semaphore_mem>>) {add = true}
          %dma_wait3A_78 = arith.constant 0 : i32
          %dma_wait3A_79 = tpu.memref_slice %arg8[%add3A_47, %dma_wait3A_78] : memref<64x128xi32, #tpu.memory_space<vmem>> -> memref<1x128xi32, #tpu.memory_space<vmem>>
          %dma_wait3A_80 = tpu.memref_squeeze %dma_wait3A_79 : memref<1x128xi32, #tpu.memory_space<vmem>> -> memref<128xi32, #tpu.memory_space<vmem>>
          %dma_wait3A_81 = arith.constant 0 : i32
          %dma_wait3A_82 = arith.constant 0 : i32
          %dma_wait3A_83 = tpu.memref_slice %arg11[%dma_wait3A_81, %dma_wait3A_82] : memref<10112x128xf32, #tpu.memory_space<vmem_shared>> -> memref<10112x128xf32, #tpu.memory_space<vmem_shared>>
          tpu.wait_indirect_dma semaphore(%run_scoped3A : memref<!tpu.dma_semaphore, #tpu.memory_space<semaphore_mem>>) src(%arg10 : memref<128x128xf32, #tpu.memory_space<vmem>>) dst(%dma_wait3A_83 : memref<10112x128xf32, #tpu.memory_space<vmem_shared>>)
          tpu.yield
        }) : () -> ()
      }
      %scan3A_30 = arith.constant 28 : i32
      "tpu.region"() ({
        %run_scoped3A = tpu.sem_alloc : memref<!tpu.dma_semaphore, #tpu.memory_space<semaphore_mem>>
        %dma_start3A_44 = arith.constant 0 : i32
        %dma_start3A_45 = arith.constant 0 : i32
        %dma_start3A_46 = tpu.memref_slice %arg7[%dma_start3A_44, %dma_start3A_45] : memref<64x128xi32, #tpu.memory_space<vmem>> -> memref<64x128xi32, #tpu.memory_space<vmem>>
        %dma_start3A_47 = arith.constant 96 : i32
        %dma_start3A_48 = arith.constant 0 : i32
        %dma_start3A_49 = tpu.memref_slice %arg3[%arg1, %dma_start3A_47, %dma_start3A_48] : memref<16x160x128xi32, #tpu.memory_space<hbm>> -> memref<1x64x128xi32, #tpu.memory_space<hbm>>
        %dma_start3A_50 = tpu.memref_squeeze %dma_start3A_49 : memref<1x64x128xi32, #tpu.memory_space<hbm>> -> memref<64x128xi32, #tpu.memory_space<hbm>>
        %dma_start3A_51 = arith.constant 0 : i32
        %dma_start3A_52 = arith.constant 0 : i32
        %dma_start3A_53 = tpu.memref_slice %arg7[%dma_start3A_51, %dma_start3A_52] : memref<64x128xi32, #tpu.memory_space<vmem>> -> memref<64x128xi32, #tpu.memory_space<vmem>>
        %dma_start3A_54 = arith.constant 96 : i32
        %dma_start3A_55 = arith.constant 0 : i32
        %dma_start3A_56 = tpu.memref_slice %arg3[%arg1, %dma_start3A_54, %dma_start3A_55] : memref<16x160x128xi32, #tpu.memory_space<hbm>> -> memref<1x64x128xi32, #tpu.memory_space<hbm>>
        %dma_start3A_57 = tpu.memref_squeeze %dma_start3A_56 : memref<1x64x128xi32, #tpu.memory_space<hbm>> -> memref<64x128xi32, #tpu.memory_space<hbm>>
        tpu.enqueue_dma source(%dma_start3A_57 : memref<64x128xi32, #tpu.memory_space<hbm>>) target(%dma_start3A_53 : memref<64x128xi32, #tpu.memory_space<vmem>>) target_semaphore(%run_scoped3A : memref<!tpu.dma_semaphore, #tpu.memory_space<semaphore_mem>>)
        %dma_wait3A_58 = arith.constant 0 : i32
        %dma_wait3A_59 = arith.constant 0 : i32
        %dma_wait3A_60 = tpu.memref_slice %arg7[%dma_wait3A_58, %dma_wait3A_59] : memref<64x128xi32, #tpu.memory_space<vmem>> -> memref<64x128xi32, #tpu.memory_space<vmem>>
        %dma_wait3A_61 = arith.constant 96 : i32
        %dma_wait3A_62 = arith.constant 0 : i32
        %dma_wait3A_63 = tpu.memref_slice %arg3[%arg1, %dma_wait3A_61, %dma_wait3A_62] : memref<16x160x128xi32, #tpu.memory_space<hbm>> -> memref<1x64x128xi32, #tpu.memory_space<hbm>>
        %dma_wait3A_64 = tpu.memref_squeeze %dma_wait3A_63 : memref<1x64x128xi32, #tpu.memory_space<hbm>> -> memref<64x128xi32, #tpu.memory_space<hbm>>
        %dma_wait3A_65 = arith.constant 0 : i32
        %dma_wait3A_66 = arith.constant 0 : i32
        %dma_wait3A_67 = tpu.memref_slice %arg7[%dma_wait3A_65, %dma_wait3A_66] : memref<64x128xi32, #tpu.memory_space<vmem>> -> memref<64x128xi32, #tpu.memory_space<vmem>>
        %dma_wait3A_68 = arith.constant 96 : i32
        %dma_wait3A_69 = arith.constant 0 : i32
        %dma_wait3A_70 = tpu.memref_slice %arg3[%arg1, %dma_wait3A_68, %dma_wait3A_69] : memref<16x160x128xi32, #tpu.memory_space<hbm>> -> memref<1x64x128xi32, #tpu.memory_space<hbm>>
        %dma_wait3A_71 = tpu.memref_squeeze %dma_wait3A_70 : memref<1x64x128xi32, #tpu.memory_space<hbm>> -> memref<64x128xi32, #tpu.memory_space<hbm>>
        tpu.wait_dma2 semaphore(%run_scoped3A : memref<!tpu.dma_semaphore, #tpu.memory_space<semaphore_mem>>) src(%dma_wait3A_71 : memref<64x128xi32, #tpu.memory_space<hbm>>) dst(%dma_wait3A_67 : memref<64x128xi32, #tpu.memory_space<vmem>>)
        tpu.yield
      }) : () -> ()
      "tpu.region"() ({
        %run_scoped3A = tpu.sem_alloc : memref<!tpu.dma_semaphore, #tpu.memory_space<semaphore_mem>>
        %dma_start3A_44 = arith.constant 0 : i32
        %dma_start3A_45 = arith.constant 0 : i32
        %dma_start3A_46 = tpu.memref_slice %arg8[%dma_start3A_44, %dma_start3A_45] : memref<64x128xi32, #tpu.memory_space<vmem>> -> memref<64x128xi32, #tpu.memory_space<vmem>>
        %dma_start3A_47 = arith.constant 96 : i32
        %dma_start3A_48 = arith.constant 0 : i32
        %dma_start3A_49 = tpu.memref_slice %arg4[%arg1, %dma_start3A_47, %dma_start3A_48] : memref<16x160x128xi32, #tpu.memory_space<hbm>> -> memref<1x64x128xi32, #tpu.memory_space<hbm>>
        %dma_start3A_50 = tpu.memref_squeeze %dma_start3A_49 : memref<1x64x128xi32, #tpu.memory_space<hbm>> -> memref<64x128xi32, #tpu.memory_space<hbm>>
        %dma_start3A_51 = arith.constant 0 : i32
        %dma_start3A_52 = arith.constant 0 : i32
        %dma_start3A_53 = tpu.memref_slice %arg8[%dma_start3A_51, %dma_start3A_52] : memref<64x128xi32, #tpu.memory_space<vmem>> -> memref<64x128xi32, #tpu.memory_space<vmem>>
        %dma_start3A_54 = arith.constant 96 : i32
        %dma_start3A_55 = arith.constant 0 : i32
        %dma_start3A_56 = tpu.memref_slice %arg4[%arg1, %dma_start3A_54, %dma_start3A_55] : memref<16x160x128xi32, #tpu.memory_space<hbm>> -> memref<1x64x128xi32, #tpu.memory_space<hbm>>
        %dma_start3A_57 = tpu.memref_squeeze %dma_start3A_56 : memref<1x64x128xi32, #tpu.memory_space<hbm>> -> memref<64x128xi32, #tpu.memory_space<hbm>>
        tpu.enqueue_dma source(%dma_start3A_57 : memref<64x128xi32, #tpu.memory_space<hbm>>) target(%dma_start3A_53 : memref<64x128xi32, #tpu.memory_space<vmem>>) target_semaphore(%run_scoped3A : memref<!tpu.dma_semaphore, #tpu.memory_space<semaphore_mem>>)
        %dma_wait3A_58 = arith.constant 0 : i32
        %dma_wait3A_59 = arith.constant 0 : i32
        %dma_wait3A_60 = tpu.memref_slice %arg8[%dma_wait3A_58, %dma_wait3A_59] : memref<64x128xi32, #tpu.memory_space<vmem>> -> memref<64x128xi32, #tpu.memory_space<vmem>>
        %dma_wait3A_61 = arith.constant 96 : i32
        %dma_wait3A_62 = arith.constant 0 : i32
        %dma_wait3A_63 = tpu.memref_slice %arg4[%arg1, %dma_wait3A_61, %dma_wait3A_62] : memref<16x160x128xi32, #tpu.memory_space<hbm>> -> memref<1x64x128xi32, #tpu.memory_space<hbm>>
        %dma_wait3A_64 = tpu.memref_squeeze %dma_wait3A_63 : memref<1x64x128xi32, #tpu.memory_space<hbm>> -> memref<64x128xi32, #tpu.memory_space<hbm>>
        %dma_wait3A_65 = arith.constant 0 : i32
        %dma_wait3A_66 = arith.constant 0 : i32
        %dma_wait3A_67 = tpu.memref_slice %arg8[%dma_wait3A_65, %dma_wait3A_66] : memref<64x128xi32, #tpu.memory_space<vmem>> -> memref<64x128xi32, #tpu.memory_space<vmem>>
        %dma_wait3A_68 = arith.constant 96 : i32
        %dma_wait3A_69 = arith.constant 0 : i32
        %dma_wait3A_70 = tpu.memref_slice %arg4[%arg1, %dma_wait3A_68, %dma_wait3A_69] : memref<16x160x128xi32, #tpu.memory_space<hbm>> -> memref<1x64x128xi32, #tpu.memory_space<hbm>>
        %dma_wait3A_71 = tpu.memref_squeeze %dma_wait3A_70 : memref<1x64x128xi32, #tpu.memory_space<hbm>> -> memref<64x128xi32, #tpu.memory_space<hbm>>
        tpu.wait_dma2 semaphore(%run_scoped3A : memref<!tpu.dma_semaphore, #tpu.memory_space<semaphore_mem>>) src(%dma_wait3A_71 : memref<64x128xi32, #tpu.memory_space<hbm>>) dst(%dma_wait3A_67 : memref<64x128xi32, #tpu.memory_space<vmem>>)
        tpu.yield
      }) : () -> ()
      %dma_start3A_31 = arith.constant 0 : i32
      %dma_start3A_32 = arith.constant 0 : i32
      %dma_start3A_33 = tpu.memref_slice %arg7[%dma_start3A_31, %dma_start3A_32] : memref<64x128xi32, #tpu.memory_space<vmem>> -> memref<1x128xi32, #tpu.memory_space<vmem>>
      %dma_start3A_34 = tpu.memref_squeeze %dma_start3A_33 : memref<1x128xi32, #tpu.memory_space<vmem>> -> memref<128xi32, #tpu.memory_space<vmem>>
      %dma_start3A_35 = arith.constant 0 : i32
      %dma_start3A_36 = arith.constant 0 : i32
      %dma_start3A_37 = tpu.memref_slice %arg2[%dma_start3A_35, %dma_start3A_36] : memref<10000x128xf32, #tpu.memory_space<hbm>> -> memref<10000x128xf32, #tpu.memory_space<hbm>>
      tpu.enqueue_indirect_dma source(%dma_start3A_37 : memref<10000x128xf32, #tpu.memory_space<hbm>>) target(%arg9 : memref<128x128xf32, #tpu.memory_space<vmem>>) offsets(%dma_start3A_34 : memref<128xi32, #tpu.memory_space<vmem>>) semaphore(%arg12 : memref<!tpu.dma_semaphore, #tpu.memory_space<semaphore_mem>>)
      %scan3A_38 = arith.constant 0 : i32
      %scan3A_39 = arith.constant 0 : i32
      %scan3A_40 = arith.constant 32 : i32
      %scan3A_41 = arith.addi %scan3A_39, %scan3A_40 : i32
      %scan3A_42 = arith.constant 1 : i32
      scf.for %scan3A_44 = %scan3A_39 to %scan3A_41 step %scan3A_42  : i32 {
        %mul3A_45 = arith.constant 2 : i32
        %mul3A_46 = arith.muli %mul3A_45, %scan3A_44 : i32
        %add3A = arith.constant 1 : i32
        %add3A_47 = arith.addi %mul3A_46, %add3A : i32
        %dma_start3A_48 = arith.constant 0 : i32
        %dma_start3A_49 = tpu.memref_slice %arg7[%add3A_47, %dma_start3A_48] : memref<64x128xi32, #tpu.memory_space<vmem>> -> memref<1x128xi32, #tpu.memory_space<vmem>>
        %dma_start3A_50 = tpu.memref_squeeze %dma_start3A_49 : memref<1x128xi32, #tpu.memory_space<vmem>> -> memref<128xi32, #tpu.memory_space<vmem>>
        %dma_start3A_51 = arith.constant 0 : i32
        %dma_start3A_52 = arith.constant 0 : i32
        %dma_start3A_53 = tpu.memref_slice %arg2[%dma_start3A_51, %dma_start3A_52] : memref<10000x128xf32, #tpu.memory_space<hbm>> -> memref<10000x128xf32, #tpu.memory_space<hbm>>
        tpu.enqueue_indirect_dma source(%dma_start3A_53 : memref<10000x128xf32, #tpu.memory_space<hbm>>) target(%arg10 : memref<128x128xf32, #tpu.memory_space<vmem>>) offsets(%dma_start3A_50 : memref<128xi32, #tpu.memory_space<vmem>>) semaphore(%arg13 : memref<!tpu.dma_semaphore, #tpu.memory_space<semaphore_mem>>)
        %dma_wait3A_54 = arith.constant 0 : i32
        %dma_wait3A_55 = tpu.memref_slice %arg7[%mul3A_46, %dma_wait3A_54] : memref<64x128xi32, #tpu.memory_space<vmem>> -> memref<1x128xi32, #tpu.memory_space<vmem>>
        %dma_wait3A_56 = tpu.memref_squeeze %dma_wait3A_55 : memref<1x128xi32, #tpu.memory_space<vmem>> -> memref<128xi32, #tpu.memory_space<vmem>>
        %dma_wait3A_57 = arith.constant 0 : i32
        %dma_wait3A_58 = arith.constant 0 : i32
        %dma_wait3A_59 = tpu.memref_slice %arg2[%dma_wait3A_57, %dma_wait3A_58] : memref<10000x128xf32, #tpu.memory_space<hbm>> -> memref<10000x128xf32, #tpu.memory_space<hbm>>
        tpu.wait_indirect_dma semaphore(%arg12 : memref<!tpu.dma_semaphore, #tpu.memory_space<semaphore_mem>>) src(%dma_wait3A_59 : memref<10000x128xf32, #tpu.memory_space<hbm>>) dst(%arg9 : memref<128x128xf32, #tpu.memory_space<vmem>>)
        "tpu.region"() ({
          %run_scoped3A = tpu.sem_alloc : memref<!tpu.dma_semaphore, #tpu.memory_space<semaphore_mem>>
          %dma_start3A_72 = arith.constant 0 : i32
          %dma_start3A_73 = tpu.memref_slice %arg8[%mul3A_46, %dma_start3A_72] : memref<64x128xi32, #tpu.memory_space<vmem>> -> memref<1x128xi32, #tpu.memory_space<vmem>>
          %dma_start3A_74 = tpu.memref_squeeze %dma_start3A_73 : memref<1x128xi32, #tpu.memory_space<vmem>> -> memref<128xi32, #tpu.memory_space<vmem>>
          %dma_start3A_75 = arith.constant 0 : i32
          %dma_start3A_76 = arith.constant 0 : i32
          %dma_start3A_77 = tpu.memref_slice %arg11[%dma_start3A_75, %dma_start3A_76] : memref<10112x128xf32, #tpu.memory_space<vmem_shared>> -> memref<10112x128xf32, #tpu.memory_space<vmem_shared>>
          tpu.enqueue_indirect_dma source(%arg9 : memref<128x128xf32, #tpu.memory_space<vmem>>) target(%dma_start3A_77 : memref<10112x128xf32, #tpu.memory_space<vmem_shared>>) offsets(%dma_start3A_74 : memref<128xi32, #tpu.memory_space<vmem>>) semaphore(%run_scoped3A : memref<!tpu.dma_semaphore, #tpu.memory_space<semaphore_mem>>) {add = true}
          %dma_wait3A_78 = arith.constant 0 : i32
          %dma_wait3A_79 = tpu.memref_slice %arg8[%mul3A_46, %dma_wait3A_78] : memref<64x128xi32, #tpu.memory_space<vmem>> -> memref<1x128xi32, #tpu.memory_space<vmem>>
          %dma_wait3A_80 = tpu.memref_squeeze %dma_wait3A_79 : memref<1x128xi32, #tpu.memory_space<vmem>> -> memref<128xi32, #tpu.memory_space<vmem>>
          %dma_wait3A_81 = arith.constant 0 : i32
          %dma_wait3A_82 = arith.constant 0 : i32
          %dma_wait3A_83 = tpu.memref_slice %arg11[%dma_wait3A_81, %dma_wait3A_82] : memref<10112x128xf32, #tpu.memory_space<vmem_shared>> -> memref<10112x128xf32, #tpu.memory_space<vmem_shared>>
          tpu.wait_indirect_dma semaphore(%run_scoped3A : memref<!tpu.dma_semaphore, #tpu.memory_space<semaphore_mem>>) src(%arg9 : memref<128x128xf32, #tpu.memory_space<vmem>>) dst(%dma_wait3A_83 : memref<10112x128xf32, #tpu.memory_space<vmem_shared>>)
          tpu.yield
        }) : () -> ()
        %add3A_60 = arith.constant 1 : i32
        %add3A_61 = arith.addi %scan3A_44, %add3A_60 : i32
        %lt3A = arith.constant 32 : i32
        %lt3A_62 = arith.cmpi slt, %add3A_61, %lt3A : i32
        %convert_element_type3A_63 = arith.extui %lt3A_62 : i1 to i32
        %cond3A_64 = arith.constant 0 : i32
        %cond3A_65 = arith.cmpi ne, %convert_element_type3A_63, %cond3A_64 : i32
        scf.if %cond3A_65 {
          %add3A_72 = arith.constant 2 : i32
          %add3A_73 = arith.addi %mul3A_46, %add3A_72 : i32
          %dma_start3A_74 = arith.constant 0 : i32
          %dma_start3A_75 = tpu.memref_slice %arg7[%add3A_73, %dma_start3A_74] : memref<64x128xi32, #tpu.memory_space<vmem>> -> memref<1x128xi32, #tpu.memory_space<vmem>>
          %dma_start3A_76 = tpu.memref_squeeze %dma_start3A_75 : memref<1x128xi32, #tpu.memory_space<vmem>> -> memref<128xi32, #tpu.memory_space<vmem>>
          %dma_start3A_77 = arith.constant 0 : i32
          %dma_start3A_78 = arith.constant 0 : i32
          %dma_start3A_79 = tpu.memref_slice %arg2[%dma_start3A_77, %dma_start3A_78] : memref<10000x128xf32, #tpu.memory_space<hbm>> -> memref<10000x128xf32, #tpu.memory_space<hbm>>
          tpu.enqueue_indirect_dma source(%dma_start3A_79 : memref<10000x128xf32, #tpu.memory_space<hbm>>) target(%arg9 : memref<128x128xf32, #tpu.memory_space<vmem>>) offsets(%dma_start3A_76 : memref<128xi32, #tpu.memory_space<vmem>>) semaphore(%arg12 : memref<!tpu.dma_semaphore, #tpu.memory_space<semaphore_mem>>)
        } else {
        }
        %dma_wait3A_66 = arith.constant 0 : i32
        %dma_wait3A_67 = tpu.memref_slice %arg7[%add3A_47, %dma_wait3A_66] : memref<64x128xi32, #tpu.memory_space<vmem>> -> memref<1x128xi32, #tpu.memory_space<vmem>>
        %dma_wait3A_68 = tpu.memref_squeeze %dma_wait3A_67 : memref<1x128xi32, #tpu.memory_space<vmem>> -> memref<128xi32, #tpu.memory_space<vmem>>
        %dma_wait3A_69 = arith.constant 0 : i32
        %dma_wait3A_70 = arith.constant 0 : i32
        %dma_wait3A_71 = tpu.memref_slice %arg2[%dma_wait3A_69, %dma_wait3A_70] : memref<10000x128xf32, #tpu.memory_space<hbm>> -> memref<10000x128xf32, #tpu.memory_space<hbm>>
        tpu.wait_indirect_dma semaphore(%arg13 : memref<!tpu.dma_semaphore, #tpu.memory_space<semaphore_mem>>) src(%dma_wait3A_71 : memref<10000x128xf32, #tpu.memory_space<hbm>>) dst(%arg10 : memref<128x128xf32, #tpu.memory_space<vmem>>)
        "tpu.region"() ({
          %run_scoped3A = tpu.sem_alloc : memref<!tpu.dma_semaphore, #tpu.memory_space<semaphore_mem>>
          %dma_start3A_72 = arith.constant 0 : i32
          %dma_start3A_73 = tpu.memref_slice %arg8[%add3A_47, %dma_start3A_72] : memref<64x128xi32, #tpu.memory_space<vmem>> -> memref<1x128xi32, #tpu.memory_space<vmem>>
          %dma_start3A_74 = tpu.memref_squeeze %dma_start3A_73 : memref<1x128xi32, #tpu.memory_space<vmem>> -> memref<128xi32, #tpu.memory_space<vmem>>
          %dma_start3A_75 = arith.constant 0 : i32
          %dma_start3A_76 = arith.constant 0 : i32
          %dma_start3A_77 = tpu.memref_slice %arg11[%dma_start3A_75, %dma_start3A_76] : memref<10112x128xf32, #tpu.memory_space<vmem_shared>> -> memref<10112x128xf32, #tpu.memory_space<vmem_shared>>
          tpu.enqueue_indirect_dma source(%arg10 : memref<128x128xf32, #tpu.memory_space<vmem>>) target(%dma_start3A_77 : memref<10112x128xf32, #tpu.memory_space<vmem_shared>>) offsets(%dma_start3A_74 : memref<128xi32, #tpu.memory_space<vmem>>) semaphore(%run_scoped3A : memref<!tpu.dma_semaphore, #tpu.memory_space<semaphore_mem>>) {add = true}
          %dma_wait3A_78 = arith.constant 0 : i32
          %dma_wait3A_79 = tpu.memref_slice %arg8[%add3A_47, %dma_wait3A_78] : memref<64x128xi32, #tpu.memory_space<vmem>> -> memref<1x128xi32, #tpu.memory_space<vmem>>
          %dma_wait3A_80 = tpu.memref_squeeze %dma_wait3A_79 : memref<1x128xi32, #tpu.memory_space<vmem>> -> memref<128xi32, #tpu.memory_space<vmem>>
          %dma_wait3A_81 = arith.constant 0 : i32
          %dma_wait3A_82 = arith.constant 0 : i32
          %dma_wait3A_83 = tpu.memref_slice %arg11[%dma_wait3A_81, %dma_wait3A_82] : memref<10112x128xf32, #tpu.memory_space<vmem_shared>> -> memref<10112x128xf32, #tpu.memory_space<vmem_shared>>
          tpu.wait_indirect_dma semaphore(%run_scoped3A : memref<!tpu.dma_semaphore, #tpu.memory_space<semaphore_mem>>) src(%arg10 : memref<128x128xf32, #tpu.memory_space<vmem>>) dst(%dma_wait3A_83 : memref<10112x128xf32, #tpu.memory_space<vmem_shared>>)
          tpu.yield
        }) : () -> ()
      }
      %scan3A_43 = arith.constant 32 : i32
    } else {
    }
    %barrier3A = arith.constant 0 : index
    tpu.barrier barrier_id(%barrier3A)
    %mul3A = arith.constant 632 : i32
    %mul3A_7 = arith.muli %arg1, %mul3A : i32
    %mul3A_8 = arith.constant 632 : i32
    %mul3A_9 = arith.muli %arg1, %mul3A_8 : i32
    "tpu.region"() ({
      %run_scoped3A = tpu.sem_alloc : memref<!tpu.dma_semaphore, #tpu.memory_space<semaphore_mem>>
      %dma_start3A = arith.constant 0 : i32
      %dma_start3A_10 = tpu.memref_slice %arg6[%arg0, %mul3A_9, %dma_start3A] : memref<2x10112x128xf32, #tpu.memory_space<hbm>> -> memref<1x632x128xf32, #tpu.memory_space<hbm>>
      %dma_start3A_11 = tpu.memref_squeeze %dma_start3A_10 : memref<1x632x128xf32, #tpu.memory_space<hbm>> -> memref<632x128xf32, #tpu.memory_space<hbm>>
      %dma_start3A_12 = arith.constant 0 : i32
      %dma_start3A_13 = tpu.memref_slice %arg11[%mul3A_7, %dma_start3A_12] : memref<10112x128xf32, #tpu.memory_space<vmem_shared>> -> memref<632x128xf32, #tpu.memory_space<vmem_shared>>
      tpu.enqueue_dma source(%dma_start3A_13 : memref<632x128xf32, #tpu.memory_space<vmem_shared>>) target(%dma_start3A_11 : memref<632x128xf32, #tpu.memory_space<hbm>>) target_semaphore(%run_scoped3A : memref<!tpu.dma_semaphore, #tpu.memory_space<semaphore_mem>>)
      %dma_wait3A = arith.constant 0 : i32
      %dma_wait3A_14 = tpu.memref_slice %arg6[%arg0, %mul3A_9, %dma_wait3A] : memref<2x10112x128xf32, #tpu.memory_space<hbm>> -> memref<1x632x128xf32, #tpu.memory_space<hbm>>
      %dma_wait3A_15 = tpu.memref_squeeze %dma_wait3A_14 : memref<1x632x128xf32, #tpu.memory_space<hbm>> -> memref<632x128xf32, #tpu.memory_space<hbm>>
      %dma_wait3A_16 = arith.constant 0 : i32
      %dma_wait3A_17 = tpu.memref_slice %arg11[%mul3A_7, %dma_wait3A_16] : memref<10112x128xf32, #tpu.memory_space<vmem_shared>> -> memref<632x128xf32, #tpu.memory_space<vmem_shared>>
      tpu.wait_dma2 semaphore(%run_scoped3A : memref<!tpu.dma_semaphore, #tpu.memory_space<semaphore_mem>>) src(%dma_wait3A_17 : memref<632x128xf32, #tpu.memory_space<vmem_shared>>) dst(%dma_wait3A_15 : memref<632x128xf32, #tpu.memory_space<hbm>>)
      tpu.yield
    }) : () -> ()
    return
  }
}

#map = affine_map<(d0, d1) -> (0, 0)>
#map1 = affine_map<(d0, d1) -> (0, 0, 0)>
module attributes {stable_mosaic.version = 14 : i64} {
  func.func @body(%arg0: i32, %arg1: i32, %arg2: memref<10000x128xf32, #tpu.memory_space<hbm>>, %arg3: memref<16x160x128xi32, #tpu.memory_space<hbm>>, %arg4: memref<16x160x128xi32, #tpu.memory_space<hbm>>, %arg5: memref<10112x128xf32, #tpu.memory_space<hbm>>, %arg6: memref<2x10112x128xf32, #tpu.memory_space<hbm>>, %arg7: memref<64x128xi32, #tpu.memory_space<vmem>>, %arg8: memref<64x128xi32, #tpu.memory_space<vmem>>, %arg9: memref<128x128xf32, #tpu.memory_space<vmem>>, %arg10: memref<128x128xf32, #tpu.memory_space<vmem>>, %arg11: memref<10112x128xf32, #tpu.memory_space<vmem_shared>>, %arg12: memref<!tpu.dma_semaphore, #tpu.memory_space<semaphore_mem>>, %arg13: memref<!tpu.dma_semaphore, #tpu.memory_space<semaphore_mem>>, %arg14: memref<!tpu.dma_semaphore, #tpu.memory_space<semaphore_mem>>) attributes {dimension_semantics = [#tpu.dimension_semantics<core_parallel>, #tpu.dimension_semantics<subcore_parallel>], iteration_bounds = array<i64: 2, 16>, scalar_prefetch = 0 : i64, scratch_operands = 8 : i64, tpu.core_type = #tpu.core_type<sc_vector_subcore>, window_params = [{transform_indices = #map}, {transform_indices = #map1}, {transform_indices = #map1}, {transform_indices = #map}, {transform_indices = #map1}]} {
    %eq3A = arith.constant 0 : i32
    %eq3A_0 = arith.cmpi eq, %arg0, %eq3A : i32
    %convert_element_type3A = arith.extui %eq3A_0 : i1 to i32
    %cond3A = arith.constant 0 : i32
    %cond3A_1 = arith.cmpi ne, %convert_element_type3A, %cond3A : i32
    scf.if %cond3A_1 {
      %mul3A_10 = arith.constant 632 : i32
      %mul3A_11 = arith.muli %arg1, %mul3A_10 : i32
      %dma_start3A = arith.constant 0 : i32
      %dma_start3A_12 = tpu.memref_slice %arg11[%mul3A_11, %dma_start3A] : memref<10112x128xf32, #tpu.memory_space<vmem_shared>> -> memref<632x128xf32, #tpu.memory_space<vmem_shared>>
      %dma_start3A_13 = arith.constant 0 : i32
      %dma_start3A_14 = tpu.memref_slice %arg5[%mul3A_11, %dma_start3A_13] : memref<10112x128xf32, #tpu.memory_space<hbm>> -> memref<632x128xf32, #tpu.memory_space<hbm>>
      tpu.enqueue_dma source(%dma_start3A_14 : memref<632x128xf32, #tpu.memory_space<hbm>>) target(%dma_start3A_12 : memref<632x128xf32, #tpu.memory_space<vmem_shared>>) target_semaphore(%arg14 : memref<!tpu.dma_semaphore, #tpu.memory_space<semaphore_mem>>)
      "tpu.region"() ({
        %run_scoped3A = tpu.sem_alloc : memref<!tpu.dma_semaphore, #tpu.memory_space<semaphore_mem>>
        %dma_start3A_31 = arith.constant 0 : i32
        %dma_start3A_32 = arith.constant 0 : i32
        %dma_start3A_33 = tpu.memref_slice %arg7[%dma_start3A_31, %dma_start3A_32] : memref<64x128xi32, #tpu.memory_space<vmem>> -> memref<40x128xi32, #tpu.memory_space<vmem>>
        %dma_start3A_34 = arith.constant 0 : i32
        %dma_start3A_35 = arith.constant 0 : i32
        %dma_start3A_36 = tpu.memref_slice %arg3[%arg1, %dma_start3A_34, %dma_start3A_35] : memref<16x160x128xi32, #tpu.memory_space<hbm>> -> memref<1x40x128xi32, #tpu.memory_space<hbm>>
        %dma_start3A_37 = tpu.memref_squeeze %dma_start3A_36 : memref<1x40x128xi32, #tpu.memory_space<hbm>> -> memref<40x128xi32, #tpu.memory_space<hbm>>
        %dma_start3A_38 = arith.constant 0 : i32
        %dma_start3A_39 = arith.constant 0 : i32
        %dma_start3A_40 = tpu.memref_slice %arg7[%dma_start3A_38, %dma_start3A_39] : memref<64x128xi32, #tpu.memory_space<vmem>> -> memref<40x128xi32, #tpu.memory_space<vmem>>
        %dma_start3A_41 = arith.constant 0 : i32
        %dma_start3A_42 = arith.constant 0 : i32
        %dma_start3A_43 = tpu.memref_slice %arg3[%arg1, %dma_start3A_41, %dma_start3A_42] : memref<16x160x128xi32, #tpu.memory_space<hbm>> -> memref<1x40x128xi32, #tpu.memory_space<hbm>>
        %dma_start3A_44 = tpu.memref_squeeze %dma_start3A_43 : memref<1x40x128xi32, #tpu.memory_space<hbm>> -> memref<40x128xi32, #tpu.memory_space<hbm>>
        tpu.enqueue_dma source(%dma_start3A_44 : memref<40x128xi32, #tpu.memory_space<hbm>>) target(%dma_start3A_40 : memref<40x128xi32, #tpu.memory_space<vmem>>) target_semaphore(%run_scoped3A : memref<!tpu.dma_semaphore, #tpu.memory_space<semaphore_mem>>)
        %dma_wait3A_45 = arith.constant 0 : i32
        %dma_wait3A_46 = arith.constant 0 : i32
        %dma_wait3A_47 = tpu.memref_slice %arg7[%dma_wait3A_45, %dma_wait3A_46] : memref<64x128xi32, #tpu.memory_space<vmem>> -> memref<40x128xi32, #tpu.memory_space<vmem>>
        %dma_wait3A_48 = arith.constant 0 : i32
        %dma_wait3A_49 = arith.constant 0 : i32
        %dma_wait3A_50 = tpu.memref_slice %arg3[%arg1, %dma_wait3A_48, %dma_wait3A_49] : memref<16x160x128xi32, #tpu.memory_space<hbm>> -> memref<1x40x128xi32, #tpu.memory_space<hbm>>
        %dma_wait3A_51 = tpu.memref_squeeze %dma_wait3A_50 : memref<1x40x128xi32, #tpu.memory_space<hbm>> -> memref<40x128xi32, #tpu.memory_space<hbm>>
        %dma_wait3A_52 = arith.constant 0 : i32
        %dma_wait3A_53 = arith.constant 0 : i32
        %dma_wait3A_54 = tpu.memref_slice %arg7[%dma_wait3A_52, %dma_wait3A_53] : memref<64x128xi32, #tpu.memory_space<vmem>> -> memref<40x128xi32, #tpu.memory_space<vmem>>
        %dma_wait3A_55 = arith.constant 0 : i32
        %dma_wait3A_56 = arith.constant 0 : i32
        %dma_wait3A_57 = tpu.memref_slice %arg3[%arg1, %dma_wait3A_55, %dma_wait3A_56] : memref<16x160x128xi32, #tpu.memory_space<hbm>> -> memref<1x40x128xi32, #tpu.memory_space<hbm>>
        %dma_wait3A_58 = tpu.memref_squeeze %dma_wait3A_57 : memref<1x40x128xi32, #tpu.memory_space<hbm>> -> memref<40x128xi32, #tpu.memory_space<hbm>>
        tpu.wait_dma2 semaphore(%run_scoped3A : memref<!tpu.dma_semaphore, #tpu.memory_space<semaphore_mem>>) src(%dma_wait3A_58 : memref<40x128xi32, #tpu.memory_space<hbm>>) dst(%dma_wait3A_54 : memref<40x128xi32, #tpu.memory_space<vmem>>)
        tpu.yield
      }) : () -> ()
      "tpu.region"() ({
        %run_scoped3A = tpu.sem_alloc : memref<!tpu.dma_semaphore, #tpu.memory_space<semaphore_mem>>
        %dma_start3A_31 = arith.constant 0 : i32
        %dma_start3A_32 = arith.constant 0 : i32
        %dma_start3A_33 = tpu.memref_slice %arg8[%dma_start3A_31, %dma_start3A_32] : memref<64x128xi32, #tpu.memory_space<vmem>> -> memref<40x128xi32, #tpu.memory_space<vmem>>
        %dma_start3A_34 = arith.constant 0 : i32
        %dma_start3A_35 = arith.constant 0 : i32
        %dma_start3A_36 = tpu.memref_slice %arg4[%arg1, %dma_start3A_34, %dma_start3A_35] : memref<16x160x128xi32, #tpu.memory_space<hbm>> -> memref<1x40x128xi32, #tpu.memory_space<hbm>>
        %dma_start3A_37 = tpu.memref_squeeze %dma_start3A_36 : memref<1x40x128xi32, #tpu.memory_space<hbm>> -> memref<40x128xi32, #tpu.memory_space<hbm>>
        %dma_start3A_38 = arith.constant 0 : i32
        %dma_start3A_39 = arith.constant 0 : i32
        %dma_start3A_40 = tpu.memref_slice %arg8[%dma_start3A_38, %dma_start3A_39] : memref<64x128xi32, #tpu.memory_space<vmem>> -> memref<40x128xi32, #tpu.memory_space<vmem>>
        %dma_start3A_41 = arith.constant 0 : i32
        %dma_start3A_42 = arith.constant 0 : i32
        %dma_start3A_43 = tpu.memref_slice %arg4[%arg1, %dma_start3A_41, %dma_start3A_42] : memref<16x160x128xi32, #tpu.memory_space<hbm>> -> memref<1x40x128xi32, #tpu.memory_space<hbm>>
        %dma_start3A_44 = tpu.memref_squeeze %dma_start3A_43 : memref<1x40x128xi32, #tpu.memory_space<hbm>> -> memref<40x128xi32, #tpu.memory_space<hbm>>
        tpu.enqueue_dma source(%dma_start3A_44 : memref<40x128xi32, #tpu.memory_space<hbm>>) target(%dma_start3A_40 : memref<40x128xi32, #tpu.memory_space<vmem>>) target_semaphore(%run_scoped3A : memref<!tpu.dma_semaphore, #tpu.memory_space<semaphore_mem>>)
        %dma_wait3A_45 = arith.constant 0 : i32
        %dma_wait3A_46 = arith.constant 0 : i32
        %dma_wait3A_47 = tpu.memref_slice %arg8[%dma_wait3A_45, %dma_wait3A_46] : memref<64x128xi32, #tpu.memory_space<vmem>> -> memref<40x128xi32, #tpu.memory_space<vmem>>
        %dma_wait3A_48 = arith.constant 0 : i32
        %dma_wait3A_49 = arith.constant 0 : i32
        %dma_wait3A_50 = tpu.memref_slice %arg4[%arg1, %dma_wait3A_48, %dma_wait3A_49] : memref<16x160x128xi32, #tpu.memory_space<hbm>> -> memref<1x40x128xi32, #tpu.memory_space<hbm>>
        %dma_wait3A_51 = tpu.memref_squeeze %dma_wait3A_50 : memref<1x40x128xi32, #tpu.memory_space<hbm>> -> memref<40x128xi32, #tpu.memory_space<hbm>>
        %dma_wait3A_52 = arith.constant 0 : i32
        %dma_wait3A_53 = arith.constant 0 : i32
        %dma_wait3A_54 = tpu.memref_slice %arg8[%dma_wait3A_52, %dma_wait3A_53] : memref<64x128xi32, #tpu.memory_space<vmem>> -> memref<40x128xi32, #tpu.memory_space<vmem>>
        %dma_wait3A_55 = arith.constant 0 : i32
        %dma_wait3A_56 = arith.constant 0 : i32
        %dma_wait3A_57 = tpu.memref_slice %arg4[%arg1, %dma_wait3A_55, %dma_wait3A_56] : memref<16x160x128xi32, #tpu.memory_space<hbm>> -> memref<1x40x128xi32, #tpu.memory_space<hbm>>
        %dma_wait3A_58 = tpu.memref_squeeze %dma_wait3A_57 : memref<1x40x128xi32, #tpu.memory_space<hbm>> -> memref<40x128xi32, #tpu.memory_space<hbm>>
        tpu.wait_dma2 semaphore(%run_scoped3A : memref<!tpu.dma_semaphore, #tpu.memory_space<semaphore_mem>>) src(%dma_wait3A_58 : memref<40x128xi32, #tpu.memory_space<hbm>>) dst(%dma_wait3A_54 : memref<40x128xi32, #tpu.memory_space<vmem>>)
        tpu.yield
      }) : () -> ()
      %dma_wait3A = arith.constant 0 : i32
      %dma_wait3A_15 = tpu.memref_slice %arg11[%mul3A_11, %dma_wait3A] : memref<10112x128xf32, #tpu.memory_space<vmem_shared>> -> memref<632x128xf32, #tpu.memory_space<vmem_shared>>
      %dma_wait3A_16 = arith.constant 0 : i32
      %dma_wait3A_17 = tpu.memref_slice %arg5[%mul3A_11, %dma_wait3A_16] : memref<10112x128xf32, #tpu.memory_space<hbm>> -> memref<632x128xf32, #tpu.memory_space<hbm>>
      tpu.wait_dma2 semaphore(%arg14 : memref<!tpu.dma_semaphore, #tpu.memory_space<semaphore_mem>>) src(%dma_wait3A_17 : memref<632x128xf32, #tpu.memory_space<hbm>>) dst(%dma_wait3A_15 : memref<632x128xf32, #tpu.memory_space<vmem_shared>>)
      %barrier3A_18 = arith.constant 0 : index
      tpu.barrier barrier_id(%barrier3A_18)
      %dma_start3A_19 = arith.constant 0 : i32
      %dma_start3A_20 = arith.constant 0 : i32
      %dma_start3A_21 = tpu.memref_slice %arg7[%dma_start3A_19, %dma_start3A_20] : memref<64x128xi32, #tpu.memory_space<vmem>> -> memref<1x128xi32, #tpu.memory_space<vmem>>
      %dma_start3A_22 = tpu.memref_squeeze %dma_start3A_21 : memref<1x128xi32, #tpu.memory_space<vmem>> -> memref<128xi32, #tpu.memory_space<vmem>>
      %dma_start3A_23 = arith.constant 0 : i32
      %dma_start3A_24 = arith.constant 0 : i32
      %dma_start3A_25 = tpu.memref_slice %arg2[%dma_start3A_23, %dma_start3A_24] : memref<10000x128xf32, #tpu.memory_space<hbm>> -> memref<10000x128xf32, #tpu.memory_space<hbm>>
      tpu.enqueue_indirect_dma source(%dma_start3A_25 : memref<10000x128xf32, #tpu.memory_space<hbm>>) target(%arg9 : memref<128x128xf32, #tpu.memory_space<vmem>>) offsets(%dma_start3A_22 : memref<128xi32, #tpu.memory_space<vmem>>) semaphore(%arg12 : memref<!tpu.dma_semaphore, #tpu.memory_space<semaphore_mem>>)
      %scan3A = arith.constant 0 : i32
      %scan3A_26 = arith.constant 0 : i32
      %scan3A_27 = arith.constant 20 : i32
      %scan3A_28 = arith.addi %scan3A_26, %scan3A_27 : i32
      %scan3A_29 = arith.constant 1 : i32
      scf.for %scan3A_31 = %scan3A_26 to %scan3A_28 step %scan3A_29  : i32 {
        %mul3A_32 = arith.constant 2 : i32
        %mul3A_33 = arith.muli %mul3A_32, %scan3A_31 : i32
        %add3A = arith.constant 1 : i32
        %add3A_34 = arith.addi %mul3A_33, %add3A : i32
        %dma_start3A_35 = arith.constant 0 : i32
        %dma_start3A_36 = tpu.memref_slice %arg7[%add3A_34, %dma_start3A_35] : memref<64x128xi32, #tpu.memory_space<vmem>> -> memref<1x128xi32, #tpu.memory_space<vmem>>
        %dma_start3A_37 = tpu.memref_squeeze %dma_start3A_36 : memref<1x128xi32, #tpu.memory_space<vmem>> -> memref<128xi32, #tpu.memory_space<vmem>>
        %dma_start3A_38 = arith.constant 0 : i32
        %dma_start3A_39 = arith.constant 0 : i32
        %dma_start3A_40 = tpu.memref_slice %arg2[%dma_start3A_38, %dma_start3A_39] : memref<10000x128xf32, #tpu.memory_space<hbm>> -> memref<10000x128xf32, #tpu.memory_space<hbm>>
        tpu.enqueue_indirect_dma source(%dma_start3A_40 : memref<10000x128xf32, #tpu.memory_space<hbm>>) target(%arg10 : memref<128x128xf32, #tpu.memory_space<vmem>>) offsets(%dma_start3A_37 : memref<128xi32, #tpu.memory_space<vmem>>) semaphore(%arg13 : memref<!tpu.dma_semaphore, #tpu.memory_space<semaphore_mem>>)
        %dma_wait3A_41 = arith.constant 0 : i32
        %dma_wait3A_42 = tpu.memref_slice %arg7[%mul3A_33, %dma_wait3A_41] : memref<64x128xi32, #tpu.memory_space<vmem>> -> memref<1x128xi32, #tpu.memory_space<vmem>>
        %dma_wait3A_43 = tpu.memref_squeeze %dma_wait3A_42 : memref<1x128xi32, #tpu.memory_space<vmem>> -> memref<128xi32, #tpu.memory_space<vmem>>
        %dma_wait3A_44 = arith.constant 0 : i32
        %dma_wait3A_45 = arith.constant 0 : i32
        %dma_wait3A_46 = tpu.memref_slice %arg2[%dma_wait3A_44, %dma_wait3A_45] : memref<10000x128xf32, #tpu.memory_space<hbm>> -> memref<10000x128xf32, #tpu.memory_space<hbm>>
        tpu.wait_indirect_dma semaphore(%arg12 : memref<!tpu.dma_semaphore, #tpu.memory_space<semaphore_mem>>) src(%dma_wait3A_46 : memref<10000x128xf32, #tpu.memory_space<hbm>>) dst(%arg9 : memref<128x128xf32, #tpu.memory_space<vmem>>)
        "tpu.region"() ({
          %run_scoped3A = tpu.sem_alloc : memref<!tpu.dma_semaphore, #tpu.memory_space<semaphore_mem>>
          %dma_start3A_59 = arith.constant 0 : i32
          %dma_start3A_60 = tpu.memref_slice %arg8[%mul3A_33, %dma_start3A_59] : memref<64x128xi32, #tpu.memory_space<vmem>> -> memref<1x128xi32, #tpu.memory_space<vmem>>
          %dma_start3A_61 = tpu.memref_squeeze %dma_start3A_60 : memref<1x128xi32, #tpu.memory_space<vmem>> -> memref<128xi32, #tpu.memory_space<vmem>>
          %dma_start3A_62 = arith.constant 0 : i32
          %dma_start3A_63 = arith.constant 0 : i32
          %dma_start3A_64 = tpu.memref_slice %arg11[%dma_start3A_62, %dma_start3A_63] : memref<10112x128xf32, #tpu.memory_space<vmem_shared>> -> memref<10112x128xf32, #tpu.memory_space<vmem_shared>>
          tpu.enqueue_indirect_dma source(%arg9 : memref<128x128xf32, #tpu.memory_space<vmem>>) target(%dma_start3A_64 : memref<10112x128xf32, #tpu.memory_space<vmem_shared>>) offsets(%dma_start3A_61 : memref<128xi32, #tpu.memory_space<vmem>>) semaphore(%run_scoped3A : memref<!tpu.dma_semaphore, #tpu.memory_space<semaphore_mem>>) {add = true}
          %dma_wait3A_65 = arith.constant 0 : i32
          %dma_wait3A_66 = tpu.memref_slice %arg8[%mul3A_33, %dma_wait3A_65] : memref<64x128xi32, #tpu.memory_space<vmem>> -> memref<1x128xi32, #tpu.memory_space<vmem>>
          %dma_wait3A_67 = tpu.memref_squeeze %dma_wait3A_66 : memref<1x128xi32, #tpu.memory_space<vmem>> -> memref<128xi32, #tpu.memory_space<vmem>>
          %dma_wait3A_68 = arith.constant 0 : i32
          %dma_wait3A_69 = arith.constant 0 : i32
          %dma_wait3A_70 = tpu.memref_slice %arg11[%dma_wait3A_68, %dma_wait3A_69] : memref<10112x128xf32, #tpu.memory_space<vmem_shared>> -> memref<10112x128xf32, #tpu.memory_space<vmem_shared>>
          tpu.wait_indirect_dma semaphore(%run_scoped3A : memref<!tpu.dma_semaphore, #tpu.memory_space<semaphore_mem>>) src(%arg9 : memref<128x128xf32, #tpu.memory_space<vmem>>) dst(%dma_wait3A_70 : memref<10112x128xf32, #tpu.memory_space<vmem_shared>>)
          tpu.yield
        }) : () -> ()
        %add3A_47 = arith.constant 1 : i32
        %add3A_48 = arith.addi %scan3A_31, %add3A_47 : i32
        %lt3A = arith.constant 20 : i32
        %lt3A_49 = arith.cmpi slt, %add3A_48, %lt3A : i32
        %convert_element_type3A_50 = arith.extui %lt3A_49 : i1 to i32
        %cond3A_51 = arith.constant 0 : i32
        %cond3A_52 = arith.cmpi ne, %convert_element_type3A_50, %cond3A_51 : i32
        scf.if %cond3A_52 {
          %add3A_59 = arith.constant 2 : i32
          %add3A_60 = arith.addi %mul3A_33, %add3A_59 : i32
          %dma_start3A_61 = arith.constant 0 : i32
          %dma_start3A_62 = tpu.memref_slice %arg7[%add3A_60, %dma_start3A_61] : memref<64x128xi32, #tpu.memory_space<vmem>> -> memref<1x128xi32, #tpu.memory_space<vmem>>
          %dma_start3A_63 = tpu.memref_squeeze %dma_start3A_62 : memref<1x128xi32, #tpu.memory_space<vmem>> -> memref<128xi32, #tpu.memory_space<vmem>>
          %dma_start3A_64 = arith.constant 0 : i32
          %dma_start3A_65 = arith.constant 0 : i32
          %dma_start3A_66 = tpu.memref_slice %arg2[%dma_start3A_64, %dma_start3A_65] : memref<10000x128xf32, #tpu.memory_space<hbm>> -> memref<10000x128xf32, #tpu.memory_space<hbm>>
          tpu.enqueue_indirect_dma source(%dma_start3A_66 : memref<10000x128xf32, #tpu.memory_space<hbm>>) target(%arg9 : memref<128x128xf32, #tpu.memory_space<vmem>>) offsets(%dma_start3A_63 : memref<128xi32, #tpu.memory_space<vmem>>) semaphore(%arg12 : memref<!tpu.dma_semaphore, #tpu.memory_space<semaphore_mem>>)
        } else {
        }
        %dma_wait3A_53 = arith.constant 0 : i32
        %dma_wait3A_54 = tpu.memref_slice %arg7[%add3A_34, %dma_wait3A_53] : memref<64x128xi32, #tpu.memory_space<vmem>> -> memref<1x128xi32, #tpu.memory_space<vmem>>
        %dma_wait3A_55 = tpu.memref_squeeze %dma_wait3A_54 : memref<1x128xi32, #tpu.memory_space<vmem>> -> memref<128xi32, #tpu.memory_space<vmem>>
        %dma_wait3A_56 = arith.constant 0 : i32
        %dma_wait3A_57 = arith.constant 0 : i32
        %dma_wait3A_58 = tpu.memref_slice %arg2[%dma_wait3A_56, %dma_wait3A_57] : memref<10000x128xf32, #tpu.memory_space<hbm>> -> memref<10000x128xf32, #tpu.memory_space<hbm>>
        tpu.wait_indirect_dma semaphore(%arg13 : memref<!tpu.dma_semaphore, #tpu.memory_space<semaphore_mem>>) src(%dma_wait3A_58 : memref<10000x128xf32, #tpu.memory_space<hbm>>) dst(%arg10 : memref<128x128xf32, #tpu.memory_space<vmem>>)
        "tpu.region"() ({
          %run_scoped3A = tpu.sem_alloc : memref<!tpu.dma_semaphore, #tpu.memory_space<semaphore_mem>>
          %dma_start3A_59 = arith.constant 0 : i32
          %dma_start3A_60 = tpu.memref_slice %arg8[%add3A_34, %dma_start3A_59] : memref<64x128xi32, #tpu.memory_space<vmem>> -> memref<1x128xi32, #tpu.memory_space<vmem>>
          %dma_start3A_61 = tpu.memref_squeeze %dma_start3A_60 : memref<1x128xi32, #tpu.memory_space<vmem>> -> memref<128xi32, #tpu.memory_space<vmem>>
          %dma_start3A_62 = arith.constant 0 : i32
          %dma_start3A_63 = arith.constant 0 : i32
          %dma_start3A_64 = tpu.memref_slice %arg11[%dma_start3A_62, %dma_start3A_63] : memref<10112x128xf32, #tpu.memory_space<vmem_shared>> -> memref<10112x128xf32, #tpu.memory_space<vmem_shared>>
          tpu.enqueue_indirect_dma source(%arg10 : memref<128x128xf32, #tpu.memory_space<vmem>>) target(%dma_start3A_64 : memref<10112x128xf32, #tpu.memory_space<vmem_shared>>) offsets(%dma_start3A_61 : memref<128xi32, #tpu.memory_space<vmem>>) semaphore(%run_scoped3A : memref<!tpu.dma_semaphore, #tpu.memory_space<semaphore_mem>>) {add = true}
          %dma_wait3A_65 = arith.constant 0 : i32
          %dma_wait3A_66 = tpu.memref_slice %arg8[%add3A_34, %dma_wait3A_65] : memref<64x128xi32, #tpu.memory_space<vmem>> -> memref<1x128xi32, #tpu.memory_space<vmem>>
          %dma_wait3A_67 = tpu.memref_squeeze %dma_wait3A_66 : memref<1x128xi32, #tpu.memory_space<vmem>> -> memref<128xi32, #tpu.memory_space<vmem>>
          %dma_wait3A_68 = arith.constant 0 : i32
          %dma_wait3A_69 = arith.constant 0 : i32
          %dma_wait3A_70 = tpu.memref_slice %arg11[%dma_wait3A_68, %dma_wait3A_69] : memref<10112x128xf32, #tpu.memory_space<vmem_shared>> -> memref<10112x128xf32, #tpu.memory_space<vmem_shared>>
          tpu.wait_indirect_dma semaphore(%run_scoped3A : memref<!tpu.dma_semaphore, #tpu.memory_space<semaphore_mem>>) src(%arg10 : memref<128x128xf32, #tpu.memory_space<vmem>>) dst(%dma_wait3A_70 : memref<10112x128xf32, #tpu.memory_space<vmem_shared>>)
          tpu.yield
        }) : () -> ()
      }
      %scan3A_30 = arith.constant 20 : i32
    } else {
    }
    %eq3A_2 = arith.constant 1 : i32
    %eq3A_3 = arith.cmpi eq, %arg0, %eq3A_2 : i32
    %convert_element_type3A_4 = arith.extui %eq3A_3 : i1 to i32
    %cond3A_5 = arith.constant 0 : i32
    %cond3A_6 = arith.cmpi ne, %convert_element_type3A_4, %cond3A_5 : i32
    scf.if %cond3A_6 {
      %mul3A_10 = arith.constant 632 : i32
      %mul3A_11 = arith.muli %arg1, %mul3A_10 : i32
      %dma_start3A = arith.constant 0 : i32
      %dma_start3A_12 = tpu.memref_slice %arg11[%mul3A_11, %dma_start3A] : memref<10112x128xf32, #tpu.memory_space<vmem_shared>> -> memref<632x128xf32, #tpu.memory_space<vmem_shared>>
      %dma_start3A_13 = arith.constant 0 : i32
      %dma_start3A_14 = tpu.memref_slice %arg5[%mul3A_11, %dma_start3A_13] : memref<10112x128xf32, #tpu.memory_space<hbm>> -> memref<632x128xf32, #tpu.memory_space<hbm>>
      tpu.enqueue_dma source(%dma_start3A_14 : memref<632x128xf32, #tpu.memory_space<hbm>>) target(%dma_start3A_12 : memref<632x128xf32, #tpu.memory_space<vmem_shared>>) target_semaphore(%arg14 : memref<!tpu.dma_semaphore, #tpu.memory_space<semaphore_mem>>)
      "tpu.region"() ({
        %run_scoped3A = tpu.sem_alloc : memref<!tpu.dma_semaphore, #tpu.memory_space<semaphore_mem>>
        %dma_start3A_44 = arith.constant 0 : i32
        %dma_start3A_45 = arith.constant 0 : i32
        %dma_start3A_46 = tpu.memref_slice %arg7[%dma_start3A_44, %dma_start3A_45] : memref<64x128xi32, #tpu.memory_space<vmem>> -> memref<56x128xi32, #tpu.memory_space<vmem>>
        %dma_start3A_47 = arith.constant 40 : i32
        %dma_start3A_48 = arith.constant 0 : i32
        %dma_start3A_49 = tpu.memref_slice %arg3[%arg1, %dma_start3A_47, %dma_start3A_48] : memref<16x160x128xi32, #tpu.memory_space<hbm>> -> memref<1x56x128xi32, #tpu.memory_space<hbm>>
        %dma_start3A_50 = tpu.memref_squeeze %dma_start3A_49 : memref<1x56x128xi32, #tpu.memory_space<hbm>> -> memref<56x128xi32, #tpu.memory_space<hbm>>
        %dma_start3A_51 = arith.constant 0 : i32
        %dma_start3A_52 = arith.constant 0 : i32
        %dma_start3A_53 = tpu.memref_slice %arg7[%dma_start3A_51, %dma_start3A_52] : memref<64x128xi32, #tpu.memory_space<vmem>> -> memref<56x128xi32, #tpu.memory_space<vmem>>
        %dma_start3A_54 = arith.constant 40 : i32
        %dma_start3A_55 = arith.constant 0 : i32
        %dma_start3A_56 = tpu.memref_slice %arg3[%arg1, %dma_start3A_54, %dma_start3A_55] : memref<16x160x128xi32, #tpu.memory_space<hbm>> -> memref<1x56x128xi32, #tpu.memory_space<hbm>>
        %dma_start3A_57 = tpu.memref_squeeze %dma_start3A_56 : memref<1x56x128xi32, #tpu.memory_space<hbm>> -> memref<56x128xi32, #tpu.memory_space<hbm>>
        tpu.enqueue_dma source(%dma_start3A_57 : memref<56x128xi32, #tpu.memory_space<hbm>>) target(%dma_start3A_53 : memref<56x128xi32, #tpu.memory_space<vmem>>) target_semaphore(%run_scoped3A : memref<!tpu.dma_semaphore, #tpu.memory_space<semaphore_mem>>)
        %dma_wait3A_58 = arith.constant 0 : i32
        %dma_wait3A_59 = arith.constant 0 : i32
        %dma_wait3A_60 = tpu.memref_slice %arg7[%dma_wait3A_58, %dma_wait3A_59] : memref<64x128xi32, #tpu.memory_space<vmem>> -> memref<56x128xi32, #tpu.memory_space<vmem>>
        %dma_wait3A_61 = arith.constant 40 : i32
        %dma_wait3A_62 = arith.constant 0 : i32
        %dma_wait3A_63 = tpu.memref_slice %arg3[%arg1, %dma_wait3A_61, %dma_wait3A_62] : memref<16x160x128xi32, #tpu.memory_space<hbm>> -> memref<1x56x128xi32, #tpu.memory_space<hbm>>
        %dma_wait3A_64 = tpu.memref_squeeze %dma_wait3A_63 : memref<1x56x128xi32, #tpu.memory_space<hbm>> -> memref<56x128xi32, #tpu.memory_space<hbm>>
        %dma_wait3A_65 = arith.constant 0 : i32
        %dma_wait3A_66 = arith.constant 0 : i32
        %dma_wait3A_67 = tpu.memref_slice %arg7[%dma_wait3A_65, %dma_wait3A_66] : memref<64x128xi32, #tpu.memory_space<vmem>> -> memref<56x128xi32, #tpu.memory_space<vmem>>
        %dma_wait3A_68 = arith.constant 40 : i32
        %dma_wait3A_69 = arith.constant 0 : i32
        %dma_wait3A_70 = tpu.memref_slice %arg3[%arg1, %dma_wait3A_68, %dma_wait3A_69] : memref<16x160x128xi32, #tpu.memory_space<hbm>> -> memref<1x56x128xi32, #tpu.memory_space<hbm>>
        %dma_wait3A_71 = tpu.memref_squeeze %dma_wait3A_70 : memref<1x56x128xi32, #tpu.memory_space<hbm>> -> memref<56x128xi32, #tpu.memory_space<hbm>>
        tpu.wait_dma2 semaphore(%run_scoped3A : memref<!tpu.dma_semaphore, #tpu.memory_space<semaphore_mem>>) src(%dma_wait3A_71 : memref<56x128xi32, #tpu.memory_space<hbm>>) dst(%dma_wait3A_67 : memref<56x128xi32, #tpu.memory_space<vmem>>)
        tpu.yield
      }) : () -> ()
      "tpu.region"() ({
        %run_scoped3A = tpu.sem_alloc : memref<!tpu.dma_semaphore, #tpu.memory_space<semaphore_mem>>
        %dma_start3A_44 = arith.constant 0 : i32
        %dma_start3A_45 = arith.constant 0 : i32
        %dma_start3A_46 = tpu.memref_slice %arg8[%dma_start3A_44, %dma_start3A_45] : memref<64x128xi32, #tpu.memory_space<vmem>> -> memref<56x128xi32, #tpu.memory_space<vmem>>
        %dma_start3A_47 = arith.constant 40 : i32
        %dma_start3A_48 = arith.constant 0 : i32
        %dma_start3A_49 = tpu.memref_slice %arg4[%arg1, %dma_start3A_47, %dma_start3A_48] : memref<16x160x128xi32, #tpu.memory_space<hbm>> -> memref<1x56x128xi32, #tpu.memory_space<hbm>>
        %dma_start3A_50 = tpu.memref_squeeze %dma_start3A_49 : memref<1x56x128xi32, #tpu.memory_space<hbm>> -> memref<56x128xi32, #tpu.memory_space<hbm>>
        %dma_start3A_51 = arith.constant 0 : i32
        %dma_start3A_52 = arith.constant 0 : i32
        %dma_start3A_53 = tpu.memref_slice %arg8[%dma_start3A_51, %dma_start3A_52] : memref<64x128xi32, #tpu.memory_space<vmem>> -> memref<56x128xi32, #tpu.memory_space<vmem>>
        %dma_start3A_54 = arith.constant 40 : i32
        %dma_start3A_55 = arith.constant 0 : i32
        %dma_start3A_56 = tpu.memref_slice %arg4[%arg1, %dma_start3A_54, %dma_start3A_55] : memref<16x160x128xi32, #tpu.memory_space<hbm>> -> memref<1x56x128xi32, #tpu.memory_space<hbm>>
        %dma_start3A_57 = tpu.memref_squeeze %dma_start3A_56 : memref<1x56x128xi32, #tpu.memory_space<hbm>> -> memref<56x128xi32, #tpu.memory_space<hbm>>
        tpu.enqueue_dma source(%dma_start3A_57 : memref<56x128xi32, #tpu.memory_space<hbm>>) target(%dma_start3A_53 : memref<56x128xi32, #tpu.memory_space<vmem>>) target_semaphore(%run_scoped3A : memref<!tpu.dma_semaphore, #tpu.memory_space<semaphore_mem>>)
        %dma_wait3A_58 = arith.constant 0 : i32
        %dma_wait3A_59 = arith.constant 0 : i32
        %dma_wait3A_60 = tpu.memref_slice %arg8[%dma_wait3A_58, %dma_wait3A_59] : memref<64x128xi32, #tpu.memory_space<vmem>> -> memref<56x128xi32, #tpu.memory_space<vmem>>
        %dma_wait3A_61 = arith.constant 40 : i32
        %dma_wait3A_62 = arith.constant 0 : i32
        %dma_wait3A_63 = tpu.memref_slice %arg4[%arg1, %dma_wait3A_61, %dma_wait3A_62] : memref<16x160x128xi32, #tpu.memory_space<hbm>> -> memref<1x56x128xi32, #tpu.memory_space<hbm>>
        %dma_wait3A_64 = tpu.memref_squeeze %dma_wait3A_63 : memref<1x56x128xi32, #tpu.memory_space<hbm>> -> memref<56x128xi32, #tpu.memory_space<hbm>>
        %dma_wait3A_65 = arith.constant 0 : i32
        %dma_wait3A_66 = arith.constant 0 : i32
        %dma_wait3A_67 = tpu.memref_slice %arg8[%dma_wait3A_65, %dma_wait3A_66] : memref<64x128xi32, #tpu.memory_space<vmem>> -> memref<56x128xi32, #tpu.memory_space<vmem>>
        %dma_wait3A_68 = arith.constant 40 : i32
        %dma_wait3A_69 = arith.constant 0 : i32
        %dma_wait3A_70 = tpu.memref_slice %arg4[%arg1, %dma_wait3A_68, %dma_wait3A_69] : memref<16x160x128xi32, #tpu.memory_space<hbm>> -> memref<1x56x128xi32, #tpu.memory_space<hbm>>
        %dma_wait3A_71 = tpu.memref_squeeze %dma_wait3A_70 : memref<1x56x128xi32, #tpu.memory_space<hbm>> -> memref<56x128xi32, #tpu.memory_space<hbm>>
        tpu.wait_dma2 semaphore(%run_scoped3A : memref<!tpu.dma_semaphore, #tpu.memory_space<semaphore_mem>>) src(%dma_wait3A_71 : memref<56x128xi32, #tpu.memory_space<hbm>>) dst(%dma_wait3A_67 : memref<56x128xi32, #tpu.memory_space<vmem>>)
        tpu.yield
      }) : () -> ()
      %dma_wait3A = arith.constant 0 : i32
      %dma_wait3A_15 = tpu.memref_slice %arg11[%mul3A_11, %dma_wait3A] : memref<10112x128xf32, #tpu.memory_space<vmem_shared>> -> memref<632x128xf32, #tpu.memory_space<vmem_shared>>
      %dma_wait3A_16 = arith.constant 0 : i32
      %dma_wait3A_17 = tpu.memref_slice %arg5[%mul3A_11, %dma_wait3A_16] : memref<10112x128xf32, #tpu.memory_space<hbm>> -> memref<632x128xf32, #tpu.memory_space<hbm>>
      tpu.wait_dma2 semaphore(%arg14 : memref<!tpu.dma_semaphore, #tpu.memory_space<semaphore_mem>>) src(%dma_wait3A_17 : memref<632x128xf32, #tpu.memory_space<hbm>>) dst(%dma_wait3A_15 : memref<632x128xf32, #tpu.memory_space<vmem_shared>>)
      %barrier3A_18 = arith.constant 0 : index
      tpu.barrier barrier_id(%barrier3A_18)
      %dma_start3A_19 = arith.constant 0 : i32
      %dma_start3A_20 = arith.constant 0 : i32
      %dma_start3A_21 = tpu.memref_slice %arg7[%dma_start3A_19, %dma_start3A_20] : memref<64x128xi32, #tpu.memory_space<vmem>> -> memref<1x128xi32, #tpu.memory_space<vmem>>
      %dma_start3A_22 = tpu.memref_squeeze %dma_start3A_21 : memref<1x128xi32, #tpu.memory_space<vmem>> -> memref<128xi32, #tpu.memory_space<vmem>>
      %dma_start3A_23 = arith.constant 0 : i32
      %dma_start3A_24 = arith.constant 0 : i32
      %dma_start3A_25 = tpu.memref_slice %arg2[%dma_start3A_23, %dma_start3A_24] : memref<10000x128xf32, #tpu.memory_space<hbm>> -> memref<10000x128xf32, #tpu.memory_space<hbm>>
      tpu.enqueue_indirect_dma source(%dma_start3A_25 : memref<10000x128xf32, #tpu.memory_space<hbm>>) target(%arg9 : memref<128x128xf32, #tpu.memory_space<vmem>>) offsets(%dma_start3A_22 : memref<128xi32, #tpu.memory_space<vmem>>) semaphore(%arg12 : memref<!tpu.dma_semaphore, #tpu.memory_space<semaphore_mem>>)
      %scan3A = arith.constant 0 : i32
      %scan3A_26 = arith.constant 0 : i32
      %scan3A_27 = arith.constant 28 : i32
      %scan3A_28 = arith.addi %scan3A_26, %scan3A_27 : i32
      %scan3A_29 = arith.constant 1 : i32
      scf.for %scan3A_44 = %scan3A_26 to %scan3A_28 step %scan3A_29  : i32 {
        %mul3A_45 = arith.constant 2 : i32
        %mul3A_46 = arith.muli %mul3A_45, %scan3A_44 : i32
        %add3A = arith.constant 1 : i32
        %add3A_47 = arith.addi %mul3A_46, %add3A : i32
        %dma_start3A_48 = arith.constant 0 : i32
        %dma_start3A_49 = tpu.memref_slice %arg7[%add3A_47, %dma_start3A_48] : memref<64x128xi32, #tpu.memory_space<vmem>> -> memref<1x128xi32, #tpu.memory_space<vmem>>
        %dma_start3A_50 = tpu.memref_squeeze %dma_start3A_49 : memref<1x128xi32, #tpu.memory_space<vmem>> -> memref<128xi32, #tpu.memory_space<vmem>>
        %dma_start3A_51 = arith.constant 0 : i32
        %dma_start3A_52 = arith.constant 0 : i32
        %dma_start3A_53 = tpu.memref_slice %arg2[%dma_start3A_51, %dma_start3A_52] : memref<10000x128xf32, #tpu.memory_space<hbm>> -> memref<10000x128xf32, #tpu.memory_space<hbm>>
        tpu.enqueue_indirect_dma source(%dma_start3A_53 : memref<10000x128xf32, #tpu.memory_space<hbm>>) target(%arg10 : memref<128x128xf32, #tpu.memory_space<vmem>>) offsets(%dma_start3A_50 : memref<128xi32, #tpu.memory_space<vmem>>) semaphore(%arg13 : memref<!tpu.dma_semaphore, #tpu.memory_space<semaphore_mem>>)
        %dma_wait3A_54 = arith.constant 0 : i32
        %dma_wait3A_55 = tpu.memref_slice %arg7[%mul3A_46, %dma_wait3A_54] : memref<64x128xi32, #tpu.memory_space<vmem>> -> memref<1x128xi32, #tpu.memory_space<vmem>>
        %dma_wait3A_56 = tpu.memref_squeeze %dma_wait3A_55 : memref<1x128xi32, #tpu.memory_space<vmem>> -> memref<128xi32, #tpu.memory_space<vmem>>
        %dma_wait3A_57 = arith.constant 0 : i32
        %dma_wait3A_58 = arith.constant 0 : i32
        %dma_wait3A_59 = tpu.memref_slice %arg2[%dma_wait3A_57, %dma_wait3A_58] : memref<10000x128xf32, #tpu.memory_space<hbm>> -> memref<10000x128xf32, #tpu.memory_space<hbm>>
        tpu.wait_indirect_dma semaphore(%arg12 : memref<!tpu.dma_semaphore, #tpu.memory_space<semaphore_mem>>) src(%dma_wait3A_59 : memref<10000x128xf32, #tpu.memory_space<hbm>>) dst(%arg9 : memref<128x128xf32, #tpu.memory_space<vmem>>)
        "tpu.region"() ({
          %run_scoped3A = tpu.sem_alloc : memref<!tpu.dma_semaphore, #tpu.memory_space<semaphore_mem>>
          %dma_start3A_72 = arith.constant 0 : i32
          %dma_start3A_73 = tpu.memref_slice %arg8[%mul3A_46, %dma_start3A_72] : memref<64x128xi32, #tpu.memory_space<vmem>> -> memref<1x128xi32, #tpu.memory_space<vmem>>
          %dma_start3A_74 = tpu.memref_squeeze %dma_start3A_73 : memref<1x128xi32, #tpu.memory_space<vmem>> -> memref<128xi32, #tpu.memory_space<vmem>>
          %dma_start3A_75 = arith.constant 0 : i32
          %dma_start3A_76 = arith.constant 0 : i32
          %dma_start3A_77 = tpu.memref_slice %arg11[%dma_start3A_75, %dma_start3A_76] : memref<10112x128xf32, #tpu.memory_space<vmem_shared>> -> memref<10112x128xf32, #tpu.memory_space<vmem_shared>>
          tpu.enqueue_indirect_dma source(%arg9 : memref<128x128xf32, #tpu.memory_space<vmem>>) target(%dma_start3A_77 : memref<10112x128xf32, #tpu.memory_space<vmem_shared>>) offsets(%dma_start3A_74 : memref<128xi32, #tpu.memory_space<vmem>>) semaphore(%run_scoped3A : memref<!tpu.dma_semaphore, #tpu.memory_space<semaphore_mem>>) {add = true}
          %dma_wait3A_78 = arith.constant 0 : i32
          %dma_wait3A_79 = tpu.memref_slice %arg8[%mul3A_46, %dma_wait3A_78] : memref<64x128xi32, #tpu.memory_space<vmem>> -> memref<1x128xi32, #tpu.memory_space<vmem>>
          %dma_wait3A_80 = tpu.memref_squeeze %dma_wait3A_79 : memref<1x128xi32, #tpu.memory_space<vmem>> -> memref<128xi32, #tpu.memory_space<vmem>>
          %dma_wait3A_81 = arith.constant 0 : i32
          %dma_wait3A_82 = arith.constant 0 : i32
          %dma_wait3A_83 = tpu.memref_slice %arg11[%dma_wait3A_81, %dma_wait3A_82] : memref<10112x128xf32, #tpu.memory_space<vmem_shared>> -> memref<10112x128xf32, #tpu.memory_space<vmem_shared>>
          tpu.wait_indirect_dma semaphore(%run_scoped3A : memref<!tpu.dma_semaphore, #tpu.memory_space<semaphore_mem>>) src(%arg9 : memref<128x128xf32, #tpu.memory_space<vmem>>) dst(%dma_wait3A_83 : memref<10112x128xf32, #tpu.memory_space<vmem_shared>>)
          tpu.yield
        }) : () -> ()
        %add3A_60 = arith.constant 1 : i32
        %add3A_61 = arith.addi %scan3A_44, %add3A_60 : i32
        %lt3A = arith.constant 28 : i32
        %lt3A_62 = arith.cmpi slt, %add3A_61, %lt3A : i32
        %convert_element_type3A_63 = arith.extui %lt3A_62 : i1 to i32
        %cond3A_64 = arith.constant 0 : i32
        %cond3A_65 = arith.cmpi ne, %convert_element_type3A_63, %cond3A_64 : i32
        scf.if %cond3A_65 {
          %add3A_72 = arith.constant 2 : i32
          %add3A_73 = arith.addi %mul3A_46, %add3A_72 : i32
          %dma_start3A_74 = arith.constant 0 : i32
          %dma_start3A_75 = tpu.memref_slice %arg7[%add3A_73, %dma_start3A_74] : memref<64x128xi32, #tpu.memory_space<vmem>> -> memref<1x128xi32, #tpu.memory_space<vmem>>
          %dma_start3A_76 = tpu.memref_squeeze %dma_start3A_75 : memref<1x128xi32, #tpu.memory_space<vmem>> -> memref<128xi32, #tpu.memory_space<vmem>>
          %dma_start3A_77 = arith.constant 0 : i32
          %dma_start3A_78 = arith.constant 0 : i32
          %dma_start3A_79 = tpu.memref_slice %arg2[%dma_start3A_77, %dma_start3A_78] : memref<10000x128xf32, #tpu.memory_space<hbm>> -> memref<10000x128xf32, #tpu.memory_space<hbm>>
          tpu.enqueue_indirect_dma source(%dma_start3A_79 : memref<10000x128xf32, #tpu.memory_space<hbm>>) target(%arg9 : memref<128x128xf32, #tpu.memory_space<vmem>>) offsets(%dma_start3A_76 : memref<128xi32, #tpu.memory_space<vmem>>) semaphore(%arg12 : memref<!tpu.dma_semaphore, #tpu.memory_space<semaphore_mem>>)
        } else {
        }
        %dma_wait3A_66 = arith.constant 0 : i32
        %dma_wait3A_67 = tpu.memref_slice %arg7[%add3A_47, %dma_wait3A_66] : memref<64x128xi32, #tpu.memory_space<vmem>> -> memref<1x128xi32, #tpu.memory_space<vmem>>
        %dma_wait3A_68 = tpu.memref_squeeze %dma_wait3A_67 : memref<1x128xi32, #tpu.memory_space<vmem>> -> memref<128xi32, #tpu.memory_space<vmem>>
        %dma_wait3A_69 = arith.constant 0 : i32
        %dma_wait3A_70 = arith.constant 0 : i32
        %dma_wait3A_71 = tpu.memref_slice %arg2[%dma_wait3A_69, %dma_wait3A_70] : memref<10000x128xf32, #tpu.memory_space<hbm>> -> memref<10000x128xf32, #tpu.memory_space<hbm>>
        tpu.wait_indirect_dma semaphore(%arg13 : memref<!tpu.dma_semaphore, #tpu.memory_space<semaphore_mem>>) src(%dma_wait3A_71 : memref<10000x128xf32, #tpu.memory_space<hbm>>) dst(%arg10 : memref<128x128xf32, #tpu.memory_space<vmem>>)
        "tpu.region"() ({
          %run_scoped3A = tpu.sem_alloc : memref<!tpu.dma_semaphore, #tpu.memory_space<semaphore_mem>>
          %dma_start3A_72 = arith.constant 0 : i32
          %dma_start3A_73 = tpu.memref_slice %arg8[%add3A_47, %dma_start3A_72] : memref<64x128xi32, #tpu.memory_space<vmem>> -> memref<1x128xi32, #tpu.memory_space<vmem>>
          %dma_start3A_74 = tpu.memref_squeeze %dma_start3A_73 : memref<1x128xi32, #tpu.memory_space<vmem>> -> memref<128xi32, #tpu.memory_space<vmem>>
          %dma_start3A_75 = arith.constant 0 : i32
          %dma_start3A_76 = arith.constant 0 : i32
          %dma_start3A_77 = tpu.memref_slice %arg11[%dma_start3A_75, %dma_start3A_76] : memref<10112x128xf32, #tpu.memory_space<vmem_shared>> -> memref<10112x128xf32, #tpu.memory_space<vmem_shared>>
          tpu.enqueue_indirect_dma source(%arg10 : memref<128x128xf32, #tpu.memory_space<vmem>>) target(%dma_start3A_77 : memref<10112x128xf32, #tpu.memory_space<vmem_shared>>) offsets(%dma_start3A_74 : memref<128xi32, #tpu.memory_space<vmem>>) semaphore(%run_scoped3A : memref<!tpu.dma_semaphore, #tpu.memory_space<semaphore_mem>>) {add = true}
          %dma_wait3A_78 = arith.constant 0 : i32
          %dma_wait3A_79 = tpu.memref_slice %arg8[%add3A_47, %dma_wait3A_78] : memref<64x128xi32, #tpu.memory_space<vmem>> -> memref<1x128xi32, #tpu.memory_space<vmem>>
          %dma_wait3A_80 = tpu.memref_squeeze %dma_wait3A_79 : memref<1x128xi32, #tpu.memory_space<vmem>> -> memref<128xi32, #tpu.memory_space<vmem>>
          %dma_wait3A_81 = arith.constant 0 : i32
          %dma_wait3A_82 = arith.constant 0 : i32
          %dma_wait3A_83 = tpu.memref_slice %arg11[%dma_wait3A_81, %dma_wait3A_82] : memref<10112x128xf32, #tpu.memory_space<vmem_shared>> -> memref<10112x128xf32, #tpu.memory_space<vmem_shared>>
          tpu.wait_indirect_dma semaphore(%run_scoped3A : memref<!tpu.dma_semaphore, #tpu.memory_space<semaphore_mem>>) src(%arg10 : memref<128x128xf32, #tpu.memory_space<vmem>>) dst(%dma_wait3A_83 : memref<10112x128xf32, #tpu.memory_space<vmem_shared>>)
          tpu.yield
        }) : () -> ()
      }
      %scan3A_30 = arith.constant 28 : i32
      "tpu.region"() ({
        %run_scoped3A = tpu.sem_alloc : memref<!tpu.dma_semaphore, #tpu.memory_space<semaphore_mem>>
        %dma_start3A_44 = arith.constant 0 : i32
        %dma_start3A_45 = arith.constant 0 : i32
        %dma_start3A_46 = tpu.memref_slice %arg7[%dma_start3A_44, %dma_start3A_45] : memref<64x128xi32, #tpu.memory_space<vmem>> -> memref<64x128xi32, #tpu.memory_space<vmem>>
        %dma_start3A_47 = arith.constant 96 : i32
        %dma_start3A_48 = arith.constant 0 : i32
        %dma_start3A_49 = tpu.memref_slice %arg3[%arg1, %dma_start3A_47, %dma_start3A_48] : memref<16x160x128xi32, #tpu.memory_space<hbm>> -> memref<1x64x128xi32, #tpu.memory_space<hbm>>
        %dma_start3A_50 = tpu.memref_squeeze %dma_start3A_49 : memref<1x64x128xi32, #tpu.memory_space<hbm>> -> memref<64x128xi32, #tpu.memory_space<hbm>>
        %dma_start3A_51 = arith.constant 0 : i32
        %dma_start3A_52 = arith.constant 0 : i32
        %dma_start3A_53 = tpu.memref_slice %arg7[%dma_start3A_51, %dma_start3A_52] : memref<64x128xi32, #tpu.memory_space<vmem>> -> memref<64x128xi32, #tpu.memory_space<vmem>>
        %dma_start3A_54 = arith.constant 96 : i32
        %dma_start3A_55 = arith.constant 0 : i32
        %dma_start3A_56 = tpu.memref_slice %arg3[%arg1, %dma_start3A_54, %dma_start3A_55] : memref<16x160x128xi32, #tpu.memory_space<hbm>> -> memref<1x64x128xi32, #tpu.memory_space<hbm>>
        %dma_start3A_57 = tpu.memref_squeeze %dma_start3A_56 : memref<1x64x128xi32, #tpu.memory_space<hbm>> -> memref<64x128xi32, #tpu.memory_space<hbm>>
        tpu.enqueue_dma source(%dma_start3A_57 : memref<64x128xi32, #tpu.memory_space<hbm>>) target(%dma_start3A_53 : memref<64x128xi32, #tpu.memory_space<vmem>>) target_semaphore(%run_scoped3A : memref<!tpu.dma_semaphore, #tpu.memory_space<semaphore_mem>>)
        %dma_wait3A_58 = arith.constant 0 : i32
        %dma_wait3A_59 = arith.constant 0 : i32
        %dma_wait3A_60 = tpu.memref_slice %arg7[%dma_wait3A_58, %dma_wait3A_59] : memref<64x128xi32, #tpu.memory_space<vmem>> -> memref<64x128xi32, #tpu.memory_space<vmem>>
        %dma_wait3A_61 = arith.constant 96 : i32
        %dma_wait3A_62 = arith.constant 0 : i32
        %dma_wait3A_63 = tpu.memref_slice %arg3[%arg1, %dma_wait3A_61, %dma_wait3A_62] : memref<16x160x128xi32, #tpu.memory_space<hbm>> -> memref<1x64x128xi32, #tpu.memory_space<hbm>>
        %dma_wait3A_64 = tpu.memref_squeeze %dma_wait3A_63 : memref<1x64x128xi32, #tpu.memory_space<hbm>> -> memref<64x128xi32, #tpu.memory_space<hbm>>
        %dma_wait3A_65 = arith.constant 0 : i32
        %dma_wait3A_66 = arith.constant 0 : i32
        %dma_wait3A_67 = tpu.memref_slice %arg7[%dma_wait3A_65, %dma_wait3A_66] : memref<64x128xi32, #tpu.memory_space<vmem>> -> memref<64x128xi32, #tpu.memory_space<vmem>>
        %dma_wait3A_68 = arith.constant 96 : i32
        %dma_wait3A_69 = arith.constant 0 : i32
        %dma_wait3A_70 = tpu.memref_slice %arg3[%arg1, %dma_wait3A_68, %dma_wait3A_69] : memref<16x160x128xi32, #tpu.memory_space<hbm>> -> memref<1x64x128xi32, #tpu.memory_space<hbm>>
        %dma_wait3A_71 = tpu.memref_squeeze %dma_wait3A_70 : memref<1x64x128xi32, #tpu.memory_space<hbm>> -> memref<64x128xi32, #tpu.memory_space<hbm>>
        tpu.wait_dma2 semaphore(%run_scoped3A : memref<!tpu.dma_semaphore, #tpu.memory_space<semaphore_mem>>) src(%dma_wait3A_71 : memref<64x128xi32, #tpu.memory_space<hbm>>) dst(%dma_wait3A_67 : memref<64x128xi32, #tpu.memory_space<vmem>>)
        tpu.yield
      }) : () -> ()
      "tpu.region"() ({
        %run_scoped3A = tpu.sem_alloc : memref<!tpu.dma_semaphore, #tpu.memory_space<semaphore_mem>>
        %dma_start3A_44 = arith.constant 0 : i32
        %dma_start3A_45 = arith.constant 0 : i32
        %dma_start3A_46 = tpu.memref_slice %arg8[%dma_start3A_44, %dma_start3A_45] : memref<64x128xi32, #tpu.memory_space<vmem>> -> memref<64x128xi32, #tpu.memory_space<vmem>>
        %dma_start3A_47 = arith.constant 96 : i32
        %dma_start3A_48 = arith.constant 0 : i32
        %dma_start3A_49 = tpu.memref_slice %arg4[%arg1, %dma_start3A_47, %dma_start3A_48] : memref<16x160x128xi32, #tpu.memory_space<hbm>> -> memref<1x64x128xi32, #tpu.memory_space<hbm>>
        %dma_start3A_50 = tpu.memref_squeeze %dma_start3A_49 : memref<1x64x128xi32, #tpu.memory_space<hbm>> -> memref<64x128xi32, #tpu.memory_space<hbm>>
        %dma_start3A_51 = arith.constant 0 : i32
        %dma_start3A_52 = arith.constant 0 : i32
        %dma_start3A_53 = tpu.memref_slice %arg8[%dma_start3A_51, %dma_start3A_52] : memref<64x128xi32, #tpu.memory_space<vmem>> -> memref<64x128xi32, #tpu.memory_space<vmem>>
        %dma_start3A_54 = arith.constant 96 : i32
        %dma_start3A_55 = arith.constant 0 : i32
        %dma_start3A_56 = tpu.memref_slice %arg4[%arg1, %dma_start3A_54, %dma_start3A_55] : memref<16x160x128xi32, #tpu.memory_space<hbm>> -> memref<1x64x128xi32, #tpu.memory_space<hbm>>
        %dma_start3A_57 = tpu.memref_squeeze %dma_start3A_56 : memref<1x64x128xi32, #tpu.memory_space<hbm>> -> memref<64x128xi32, #tpu.memory_space<hbm>>
        tpu.enqueue_dma source(%dma_start3A_57 : memref<64x128xi32, #tpu.memory_space<hbm>>) target(%dma_start3A_53 : memref<64x128xi32, #tpu.memory_space<vmem>>) target_semaphore(%run_scoped3A : memref<!tpu.dma_semaphore, #tpu.memory_space<semaphore_mem>>)
        %dma_wait3A_58 = arith.constant 0 : i32
        %dma_wait3A_59 = arith.constant 0 : i32
        %dma_wait3A_60 = tpu.memref_slice %arg8[%dma_wait3A_58, %dma_wait3A_59] : memref<64x128xi32, #tpu.memory_space<vmem>> -> memref<64x128xi32, #tpu.memory_space<vmem>>
        %dma_wait3A_61 = arith.constant 96 : i32
        %dma_wait3A_62 = arith.constant 0 : i32
        %dma_wait3A_63 = tpu.memref_slice %arg4[%arg1, %dma_wait3A_61, %dma_wait3A_62] : memref<16x160x128xi32, #tpu.memory_space<hbm>> -> memref<1x64x128xi32, #tpu.memory_space<hbm>>
        %dma_wait3A_64 = tpu.memref_squeeze %dma_wait3A_63 : memref<1x64x128xi32, #tpu.memory_space<hbm>> -> memref<64x128xi32, #tpu.memory_space<hbm>>
        %dma_wait3A_65 = arith.constant 0 : i32
        %dma_wait3A_66 = arith.constant 0 : i32
        %dma_wait3A_67 = tpu.memref_slice %arg8[%dma_wait3A_65, %dma_wait3A_66] : memref<64x128xi32, #tpu.memory_space<vmem>> -> memref<64x128xi32, #tpu.memory_space<vmem>>
        %dma_wait3A_68 = arith.constant 96 : i32
        %dma_wait3A_69 = arith.constant 0 : i32
        %dma_wait3A_70 = tpu.memref_slice %arg4[%arg1, %dma_wait3A_68, %dma_wait3A_69] : memref<16x160x128xi32, #tpu.memory_space<hbm>> -> memref<1x64x128xi32, #tpu.memory_space<hbm>>
        %dma_wait3A_71 = tpu.memref_squeeze %dma_wait3A_70 : memref<1x64x128xi32, #tpu.memory_space<hbm>> -> memref<64x128xi32, #tpu.memory_space<hbm>>
        tpu.wait_dma2 semaphore(%run_scoped3A : memref<!tpu.dma_semaphore, #tpu.memory_space<semaphore_mem>>) src(%dma_wait3A_71 : memref<64x128xi32, #tpu.memory_space<hbm>>) dst(%dma_wait3A_67 : memref<64x128xi32, #tpu.memory_space<vmem>>)
        tpu.yield
      }) : () -> ()
      %dma_start3A_31 = arith.constant 0 : i32
      %dma_start3A_32 = arith.constant 0 : i32
      %dma_start3A_33 = tpu.memref_slice %arg7[%dma_start3A_31, %dma_start3A_32] : memref<64x128xi32, #tpu.memory_space<vmem>> -> memref<1x128xi32, #tpu.memory_space<vmem>>
      %dma_start3A_34 = tpu.memref_squeeze %dma_start3A_33 : memref<1x128xi32, #tpu.memory_space<vmem>> -> memref<128xi32, #tpu.memory_space<vmem>>
      %dma_start3A_35 = arith.constant 0 : i32
      %dma_start3A_36 = arith.constant 0 : i32
      %dma_start3A_37 = tpu.memref_slice %arg2[%dma_start3A_35, %dma_start3A_36] : memref<10000x128xf32, #tpu.memory_space<hbm>> -> memref<10000x128xf32, #tpu.memory_space<hbm>>
      tpu.enqueue_indirect_dma source(%dma_start3A_37 : memref<10000x128xf32, #tpu.memory_space<hbm>>) target(%arg9 : memref<128x128xf32, #tpu.memory_space<vmem>>) offsets(%dma_start3A_34 : memref<128xi32, #tpu.memory_space<vmem>>) semaphore(%arg12 : memref<!tpu.dma_semaphore, #tpu.memory_space<semaphore_mem>>)
      %scan3A_38 = arith.constant 0 : i32
      %scan3A_39 = arith.constant 0 : i32
      %scan3A_40 = arith.constant 32 : i32
      %scan3A_41 = arith.addi %scan3A_39, %scan3A_40 : i32
      %scan3A_42 = arith.constant 1 : i32
      scf.for %scan3A_44 = %scan3A_39 to %scan3A_41 step %scan3A_42  : i32 {
        %mul3A_45 = arith.constant 2 : i32
        %mul3A_46 = arith.muli %mul3A_45, %scan3A_44 : i32
        %add3A = arith.constant 1 : i32
        %add3A_47 = arith.addi %mul3A_46, %add3A : i32
        %dma_start3A_48 = arith.constant 0 : i32
        %dma_start3A_49 = tpu.memref_slice %arg7[%add3A_47, %dma_start3A_48] : memref<64x128xi32, #tpu.memory_space<vmem>> -> memref<1x128xi32, #tpu.memory_space<vmem>>
        %dma_start3A_50 = tpu.memref_squeeze %dma_start3A_49 : memref<1x128xi32, #tpu.memory_space<vmem>> -> memref<128xi32, #tpu.memory_space<vmem>>
        %dma_start3A_51 = arith.constant 0 : i32
        %dma_start3A_52 = arith.constant 0 : i32
        %dma_start3A_53 = tpu.memref_slice %arg2[%dma_start3A_51, %dma_start3A_52] : memref<10000x128xf32, #tpu.memory_space<hbm>> -> memref<10000x128xf32, #tpu.memory_space<hbm>>
        tpu.enqueue_indirect_dma source(%dma_start3A_53 : memref<10000x128xf32, #tpu.memory_space<hbm>>) target(%arg10 : memref<128x128xf32, #tpu.memory_space<vmem>>) offsets(%dma_start3A_50 : memref<128xi32, #tpu.memory_space<vmem>>) semaphore(%arg13 : memref<!tpu.dma_semaphore, #tpu.memory_space<semaphore_mem>>)
        %dma_wait3A_54 = arith.constant 0 : i32
        %dma_wait3A_55 = tpu.memref_slice %arg7[%mul3A_46, %dma_wait3A_54] : memref<64x128xi32, #tpu.memory_space<vmem>> -> memref<1x128xi32, #tpu.memory_space<vmem>>
        %dma_wait3A_56 = tpu.memref_squeeze %dma_wait3A_55 : memref<1x128xi32, #tpu.memory_space<vmem>> -> memref<128xi32, #tpu.memory_space<vmem>>
        %dma_wait3A_57 = arith.constant 0 : i32
        %dma_wait3A_58 = arith.constant 0 : i32
        %dma_wait3A_59 = tpu.memref_slice %arg2[%dma_wait3A_57, %dma_wait3A_58] : memref<10000x128xf32, #tpu.memory_space<hbm>> -> memref<10000x128xf32, #tpu.memory_space<hbm>>
        tpu.wait_indirect_dma semaphore(%arg12 : memref<!tpu.dma_semaphore, #tpu.memory_space<semaphore_mem>>) src(%dma_wait3A_59 : memref<10000x128xf32, #tpu.memory_space<hbm>>) dst(%arg9 : memref<128x128xf32, #tpu.memory_space<vmem>>)
        "tpu.region"() ({
          %run_scoped3A = tpu.sem_alloc : memref<!tpu.dma_semaphore, #tpu.memory_space<semaphore_mem>>
          %dma_start3A_72 = arith.constant 0 : i32
          %dma_start3A_73 = tpu.memref_slice %arg8[%mul3A_46, %dma_start3A_72] : memref<64x128xi32, #tpu.memory_space<vmem>> -> memref<1x128xi32, #tpu.memory_space<vmem>>
          %dma_start3A_74 = tpu.memref_squeeze %dma_start3A_73 : memref<1x128xi32, #tpu.memory_space<vmem>> -> memref<128xi32, #tpu.memory_space<vmem>>
          %dma_start3A_75 = arith.constant 0 : i32
          %dma_start3A_76 = arith.constant 0 : i32
          %dma_start3A_77 = tpu.memref_slice %arg11[%dma_start3A_75, %dma_start3A_76] : memref<10112x128xf32, #tpu.memory_space<vmem_shared>> -> memref<10112x128xf32, #tpu.memory_space<vmem_shared>>
          tpu.enqueue_indirect_dma source(%arg9 : memref<128x128xf32, #tpu.memory_space<vmem>>) target(%dma_start3A_77 : memref<10112x128xf32, #tpu.memory_space<vmem_shared>>) offsets(%dma_start3A_74 : memref<128xi32, #tpu.memory_space<vmem>>) semaphore(%run_scoped3A : memref<!tpu.dma_semaphore, #tpu.memory_space<semaphore_mem>>) {add = true}
          %dma_wait3A_78 = arith.constant 0 : i32
          %dma_wait3A_79 = tpu.memref_slice %arg8[%mul3A_46, %dma_wait3A_78] : memref<64x128xi32, #tpu.memory_space<vmem>> -> memref<1x128xi32, #tpu.memory_space<vmem>>
          %dma_wait3A_80 = tpu.memref_squeeze %dma_wait3A_79 : memref<1x128xi32, #tpu.memory_space<vmem>> -> memref<128xi32, #tpu.memory_space<vmem>>
          %dma_wait3A_81 = arith.constant 0 : i32
          %dma_wait3A_82 = arith.constant 0 : i32
          %dma_wait3A_83 = tpu.memref_slice %arg11[%dma_wait3A_81, %dma_wait3A_82] : memref<10112x128xf32, #tpu.memory_space<vmem_shared>> -> memref<10112x128xf32, #tpu.memory_space<vmem_shared>>
          tpu.wait_indirect_dma semaphore(%run_scoped3A : memref<!tpu.dma_semaphore, #tpu.memory_space<semaphore_mem>>) src(%arg9 : memref<128x128xf32, #tpu.memory_space<vmem>>) dst(%dma_wait3A_83 : memref<10112x128xf32, #tpu.memory_space<vmem_shared>>)
          tpu.yield
        }) : () -> ()
        %add3A_60 = arith.constant 1 : i32
        %add3A_61 = arith.addi %scan3A_44, %add3A_60 : i32
        %lt3A = arith.constant 32 : i32
        %lt3A_62 = arith.cmpi slt, %add3A_61, %lt3A : i32
        %convert_element_type3A_63 = arith.extui %lt3A_62 : i1 to i32
        %cond3A_64 = arith.constant 0 : i32
        %cond3A_65 = arith.cmpi ne, %convert_element_type3A_63, %cond3A_64 : i32
        scf.if %cond3A_65 {
          %add3A_72 = arith.constant 2 : i32
          %add3A_73 = arith.addi %mul3A_46, %add3A_72 : i32
          %dma_start3A_74 = arith.constant 0 : i32
          %dma_start3A_75 = tpu.memref_slice %arg7[%add3A_73, %dma_start3A_74] : memref<64x128xi32, #tpu.memory_space<vmem>> -> memref<1x128xi32, #tpu.memory_space<vmem>>
          %dma_start3A_76 = tpu.memref_squeeze %dma_start3A_75 : memref<1x128xi32, #tpu.memory_space<vmem>> -> memref<128xi32, #tpu.memory_space<vmem>>
          %dma_start3A_77 = arith.constant 0 : i32
          %dma_start3A_78 = arith.constant 0 : i32
          %dma_start3A_79 = tpu.memref_slice %arg2[%dma_start3A_77, %dma_start3A_78] : memref<10000x128xf32, #tpu.memory_space<hbm>> -> memref<10000x128xf32, #tpu.memory_space<hbm>>
          tpu.enqueue_indirect_dma source(%dma_start3A_79 : memref<10000x128xf32, #tpu.memory_space<hbm>>) target(%arg9 : memref<128x128xf32, #tpu.memory_space<vmem>>) offsets(%dma_start3A_76 : memref<128xi32, #tpu.memory_space<vmem>>) semaphore(%arg12 : memref<!tpu.dma_semaphore, #tpu.memory_space<semaphore_mem>>)
        } else {
        }
        %dma_wait3A_66 = arith.constant 0 : i32
        %dma_wait3A_67 = tpu.memref_slice %arg7[%add3A_47, %dma_wait3A_66] : memref<64x128xi32, #tpu.memory_space<vmem>> -> memref<1x128xi32, #tpu.memory_space<vmem>>
        %dma_wait3A_68 = tpu.memref_squeeze %dma_wait3A_67 : memref<1x128xi32, #tpu.memory_space<vmem>> -> memref<128xi32, #tpu.memory_space<vmem>>
        %dma_wait3A_69 = arith.constant 0 : i32
        %dma_wait3A_70 = arith.constant 0 : i32
        %dma_wait3A_71 = tpu.memref_slice %arg2[%dma_wait3A_69, %dma_wait3A_70] : memref<10000x128xf32, #tpu.memory_space<hbm>> -> memref<10000x128xf32, #tpu.memory_space<hbm>>
        tpu.wait_indirect_dma semaphore(%arg13 : memref<!tpu.dma_semaphore, #tpu.memory_space<semaphore_mem>>) src(%dma_wait3A_71 : memref<10000x128xf32, #tpu.memory_space<hbm>>) dst(%arg10 : memref<128x128xf32, #tpu.memory_space<vmem>>)
        "tpu.region"() ({
          %run_scoped3A = tpu.sem_alloc : memref<!tpu.dma_semaphore, #tpu.memory_space<semaphore_mem>>
          %dma_start3A_72 = arith.constant 0 : i32
          %dma_start3A_73 = tpu.memref_slice %arg8[%add3A_47, %dma_start3A_72] : memref<64x128xi32, #tpu.memory_space<vmem>> -> memref<1x128xi32, #tpu.memory_space<vmem>>
          %dma_start3A_74 = tpu.memref_squeeze %dma_start3A_73 : memref<1x128xi32, #tpu.memory_space<vmem>> -> memref<128xi32, #tpu.memory_space<vmem>>
          %dma_start3A_75 = arith.constant 0 : i32
          %dma_start3A_76 = arith.constant 0 : i32
          %dma_start3A_77 = tpu.memref_slice %arg11[%dma_start3A_75, %dma_start3A_76] : memref<10112x128xf32, #tpu.memory_space<vmem_shared>> -> memref<10112x128xf32, #tpu.memory_space<vmem_shared>>
          tpu.enqueue_indirect_dma source(%arg10 : memref<128x128xf32, #tpu.memory_space<vmem>>) target(%dma_start3A_77 : memref<10112x128xf32, #tpu.memory_space<vmem_shared>>) offsets(%dma_start3A_74 : memref<128xi32, #tpu.memory_space<vmem>>) semaphore(%run_scoped3A : memref<!tpu.dma_semaphore, #tpu.memory_space<semaphore_mem>>) {add = true}
          %dma_wait3A_78 = arith.constant 0 : i32
          %dma_wait3A_79 = tpu.memref_slice %arg8[%add3A_47, %dma_wait3A_78] : memref<64x128xi32, #tpu.memory_space<vmem>> -> memref<1x128xi32, #tpu.memory_space<vmem>>
          %dma_wait3A_80 = tpu.memref_squeeze %dma_wait3A_79 : memref<1x128xi32, #tpu.memory_space<vmem>> -> memref<128xi32, #tpu.memory_space<vmem>>
          %dma_wait3A_81 = arith.constant 0 : i32
          %dma_wait3A_82 = arith.constant 0 : i32
          %dma_wait3A_83 = tpu.memref_slice %arg11[%dma_wait3A_81, %dma_wait3A_82] : memref<10112x128xf32, #tpu.memory_space<vmem_shared>> -> memref<10112x128xf32, #tpu.memory_space<vmem_shared>>
          tpu.wait_indirect_dma semaphore(%run_scoped3A : memref<!tpu.dma_semaphore, #tpu.memory_space<semaphore_mem>>) src(%arg10 : memref<128x128xf32, #tpu.memory_space<vmem>>) dst(%dma_wait3A_83 : memref<10112x128xf32, #tpu.memory_space<vmem_shared>>)
          tpu.yield
        }) : () -> ()
      }
      %scan3A_43 = arith.constant 32 : i32
    } else {
    }
    %barrier3A = arith.constant 0 : index
    tpu.barrier barrier_id(%barrier3A)
    %mul3A = arith.constant 632 : i32
    %mul3A_7 = arith.muli %arg1, %mul3A : i32
    %mul3A_8 = arith.constant 632 : i32
    %mul3A_9 = arith.muli %arg1, %mul3A_8 : i32
    "tpu.region"() ({
      %run_scoped3A = tpu.sem_alloc : memref<!tpu.dma_semaphore, #tpu.memory_space<semaphore_mem>>
      %dma_start3A = arith.constant 0 : i32
      %dma_start3A_10 = tpu.memref_slice %arg6[%arg0, %mul3A_9, %dma_start3A] : memref<2x10112x128xf32, #tpu.memory_space<hbm>> -> memref<1x632x128xf32, #tpu.memory_space<hbm>>
      %dma_start3A_11 = tpu.memref_squeeze %dma_start3A_10 : memref<1x632x128xf32, #tpu.memory_space<hbm>> -> memref<632x128xf32, #tpu.memory_space<hbm>>
      %dma_start3A_12 = arith.constant 0 : i32
      %dma_start3A_13 = tpu.memref_slice %arg11[%mul3A_7, %dma_start3A_12] : memref<10112x128xf32, #tpu.memory_space<vmem_shared>> -> memref<632x128xf32, #tpu.memory_space<vmem_shared>>
      tpu.enqueue_dma source(%dma_start3A_13 : memref<632x128xf32, #tpu.memory_space<vmem_shared>>) target(%dma_start3A_11 : memref<632x128xf32, #tpu.memory_space<hbm>>) target_semaphore(%run_scoped3A : memref<!tpu.dma_semaphore, #tpu.memory_space<semaphore_mem>>)
      %dma_wait3A = arith.constant 0 : i32
      %dma_wait3A_14 = tpu.memref_slice %arg6[%arg0, %mul3A_9, %dma_wait3A] : memref<2x10112x128xf32, #tpu.memory_space<hbm>> -> memref<1x632x128xf32, #tpu.memory_space<hbm>>
      %dma_wait3A_15 = tpu.memref_squeeze %dma_wait3A_14 : memref<1x632x128xf32, #tpu.memory_space<hbm>> -> memref<632x128xf32, #tpu.memory_space<hbm>>
      %dma_wait3A_16 = arith.constant 0 : i32
      %dma_wait3A_17 = tpu.memref_slice %arg11[%mul3A_7, %dma_wait3A_16] : memref<10112x128xf32, #tpu.memory_space<vmem_shared>> -> memref<632x128xf32, #tpu.memory_space<vmem_shared>>
      tpu.wait_dma2 semaphore(%run_scoped3A : memref<!tpu.dma_semaphore, #tpu.memory_space<semaphore_mem>>) src(%dma_wait3A_17 : memref<632x128xf32, #tpu.memory_space<vmem_shared>>) dst(%dma_wait3A_15 : memref<632x128xf32, #tpu.memory_space<hbm>>)
      tpu.yield
    }) : () -> ()
    return
  }
}

module attributes {stable_mosaic.version = 14 : i64} {
  func.func @_in_mlp_body(%arg0: memref<10000x128xf32, #tpu.memory_space<vmem>>, %arg1: memref<128x128xf32, #tpu.memory_space<vmem>>, %arg2: memref<1x128xf32, #tpu.memory_space<vmem>>, %arg3: memref<10000x128xf32, #tpu.memory_space<vmem>>) attributes {dimension_semantics = [], scalar_prefetch = 0 : i64, scratch_operands = 0 : i64, tpu.core_type = #tpu.core_type<tc>} {
    %get3A = arith.constant 0 : index
    %get3A_0 = arith.constant 0 : index
    %get3A_1 = vector.load %arg0[%get3A, %get3A_0] : memref<10000x128xf32, #tpu.memory_space<vmem>>, vector<10000x128xf32>
    %get3A_2 = arith.constant 0 : index
    %get3A_3 = arith.constant 0 : index
    %get3A_4 = vector.load %arg1[%get3A_2, %get3A_3] : memref<128x128xf32, #tpu.memory_space<vmem>>, vector<128x128xf32>
    %dot_general3A = arith.constant dense<0.000000e+00> : vector<10000x128xf32>
    %dot_general3A_5 = tpu.matmul %get3A_1, %get3A_4, %dot_general3A {dimension_numbers = #tpu.dot_dimension_numbers<[1], [1], [0], [0], [0, 0, 1, 0], [], []>, precision = #tpu.contract_precision<fp32>, transpose_lhs_hint = false} : vector<10000x128xf32>, vector<128x128xf32>, vector<10000x128xf32> -> vector<10000x128xf32>
    %get3A_6 = arith.constant 0 : index
    %get3A_7 = arith.constant 0 : index
    %get3A_8 = vector.load %arg2[%get3A_6, %get3A_7] : memref<1x128xf32, #tpu.memory_space<vmem>>, vector<1x128xf32>
    %add3A = vector.broadcast %get3A_8 : vector<1x128xf32> to vector<10000x128xf32>
    %add3A_9 = arith.addf %dot_general3A_5, %add3A : vector<10000x128xf32>
    %max3A = arith.constant 0.000000e+00 : f32
    %max3A_10 = vector.broadcast %max3A : f32 to vector<10000x128xf32>
    %max3A_11 = arith.maximumf %add3A_9, %max3A_10 : vector<10000x128xf32>
    %swap3A = arith.constant 0 : index
    %swap3A_12 = arith.constant 0 : index
    %swap3A_13 = vector.load %arg3[%swap3A, %swap3A_12] : memref<10000x128xf32, #tpu.memory_space<vmem>>, vector<10000x128xf32>
    tpu.vector_store %arg3[%swap3A, %swap3A_12], %max3A_11 {strides = array<i32>} : memref<10000x128xf32, #tpu.memory_space<vmem>>, vector<10000x128xf32>,
    return
  }
}

module attributes {stable_mosaic.version = 14 : i64} {
  func.func @_layer_body(%arg0: memref<10000x128xf32, #tpu.memory_space<vmem>>, %arg1: memref<2x10112x128xf32, #tpu.memory_space<vmem>>, %arg2: memref<128x128xf32, #tpu.memory_space<vmem>>, %arg3: memref<1x128xf32, #tpu.memory_space<vmem>>, %arg4: memref<1x128xf32, #tpu.memory_space<vmem>>, %arg5: memref<1x128xf32, #tpu.memory_space<vmem>>, %arg6: memref<128x128xf32, #tpu.memory_space<vmem>>, %arg7: memref<1x128xf32, #tpu.memory_space<vmem>>, %arg8: memref<10000x128xf32, #tpu.memory_space<vmem>>) attributes {dimension_semantics = [], scalar_prefetch = 0 : i64, scratch_operands = 0 : i64, tpu.core_type = #tpu.core_type<tc>} {
    %get3A = arith.constant 0 : index
    %get3A_0 = arith.constant 0 : index
    %get3A_1 = vector.load %arg0[%get3A, %get3A_0] : memref<10000x128xf32, #tpu.memory_space<vmem>>, vector<10000x128xf32>
    %get3A_2 = arith.constant 0 : index
    %get3A_3 = arith.constant 0 : index
    %get3A_4 = arith.constant 0 : index
    %get3A_5 = vector.load %arg1[%get3A_2, %get3A_3, %get3A_4] : memref<2x10112x128xf32, #tpu.memory_space<vmem>>, vector<1x10000x128xf32>
    %get3A_6 = vector.shape_cast %get3A_5 : vector<1x10000x128xf32> to vector<10000x128xf32>
    %add3A = arith.addf %get3A_1, %get3A_6 : vector<10000x128xf32>
    %get3A_7 = arith.constant 1 : index
    %get3A_8 = arith.constant 0 : index
    %get3A_9 = arith.constant 0 : index
    %get3A_10 = vector.load %arg1[%get3A_7, %get3A_8, %get3A_9] : memref<2x10112x128xf32, #tpu.memory_space<vmem>>, vector<1x10000x128xf32>
    %get3A_11 = vector.shape_cast %get3A_10 : vector<1x10000x128xf32> to vector<10000x128xf32>
    %add3A_12 = arith.addf %add3A, %get3A_11 : vector<10000x128xf32>
    %get3A_13 = arith.constant 0 : index
    %get3A_14 = arith.constant 0 : index
    %get3A_15 = vector.load %arg2[%get3A_13, %get3A_14] : memref<128x128xf32, #tpu.memory_space<vmem>>, vector<128x128xf32>
    %dot_general3A = arith.constant dense<0.000000e+00> : vector<10000x128xf32>
    %dot_general3A_16 = tpu.matmul %add3A_12, %get3A_15, %dot_general3A {dimension_numbers = #tpu.dot_dimension_numbers<[1], [1], [0], [0], [0, 0, 1, 0], [], []>, precision = #tpu.contract_precision<fp32>, transpose_lhs_hint = false} : vector<10000x128xf32>, vector<128x128xf32>, vector<10000x128xf32> -> vector<10000x128xf32>
    %get3A_17 = arith.constant 0 : index
    %get3A_18 = arith.constant 0 : index
    %get3A_19 = vector.load %arg3[%get3A_17, %get3A_18] : memref<1x128xf32, #tpu.memory_space<vmem>>, vector<1x128xf32>
    %add3A_20 = vector.broadcast %get3A_19 : vector<1x128xf32> to vector<10000x128xf32>
    %add3A_21 = arith.addf %dot_general3A_16, %add3A_20 : vector<10000x128xf32>
    %reduce_sum3A = arith.constant dense<0.000000e+00> : vector<128xf32>
    %reduce_sum3A_22 = vector.multi_reduction <add>, %add3A_21, %reduce_sum3A [0] : vector<10000x128xf32> to vector<128xf32>
    %broadcast_in_dim3A = vector.shape_cast %reduce_sum3A_22 : vector<128xf32> to vector<1x128xf32>
    %div3A = arith.constant 1.000000e+04 : f32
    %div3A_23 = vector.broadcast %div3A : f32 to vector<1x128xf32>
    %div3A_24 = arith.divf %broadcast_in_dim3A, %div3A_23 : vector<1x128xf32>
    %mul3A = arith.mulf %add3A_21, %add3A_21 : vector<10000x128xf32>
    %reduce_sum3A_25 = arith.constant dense<0.000000e+00> : vector<128xf32>
    %reduce_sum3A_26 = vector.multi_reduction <add>, %mul3A, %reduce_sum3A_25 [0] : vector<10000x128xf32> to vector<128xf32>
    %broadcast_in_dim3A_27 = vector.shape_cast %reduce_sum3A_26 : vector<128xf32> to vector<1x128xf32>
    %div3A_28 = arith.constant 1.000000e+04 : f32
    %div3A_29 = vector.broadcast %div3A_28 : f32 to vector<1x128xf32>
    %div3A_30 = arith.divf %broadcast_in_dim3A_27, %div3A_29 : vector<1x128xf32>
    %mul3A_31 = arith.mulf %div3A_24, %div3A_24 : vector<1x128xf32>
    %sub3A = arith.subf %div3A_30, %mul3A_31 : vector<1x128xf32>
    %sub3A_32 = vector.broadcast %div3A_24 : vector<1x128xf32> to vector<10000x128xf32>
    %sub3A_33 = arith.subf %add3A_21, %sub3A_32 : vector<10000x128xf32>
    %add3A_34 = arith.constant 9.99999974E-6 : f32
    %add3A_35 = vector.broadcast %add3A_34 : f32 to vector<1x128xf32>
    %add3A_36 = arith.addf %sub3A, %add3A_35 : vector<1x128xf32>
    %rsqrt3A = math.rsqrt %add3A_36 : vector<1x128xf32>
    %get3A_37 = arith.constant 0 : index
    %get3A_38 = arith.constant 0 : index
    %get3A_39 = vector.load %arg4[%get3A_37, %get3A_38] : memref<1x128xf32, #tpu.memory_space<vmem>>, vector<1x128xf32>
    %mul3A_40 = arith.mulf %rsqrt3A, %get3A_39 : vector<1x128xf32>
    %mul3A_41 = vector.broadcast %mul3A_40 : vector<1x128xf32> to vector<10000x128xf32>
    %mul3A_42 = arith.mulf %sub3A_33, %mul3A_41 : vector<10000x128xf32>
    %get3A_43 = arith.constant 0 : index
    %get3A_44 = arith.constant 0 : index
    %get3A_45 = vector.load %arg5[%get3A_43, %get3A_44] : memref<1x128xf32, #tpu.memory_space<vmem>>, vector<1x128xf32>
    %add3A_46 = vector.broadcast %get3A_45 : vector<1x128xf32> to vector<10000x128xf32>
    %add3A_47 = arith.addf %mul3A_42, %add3A_46 : vector<10000x128xf32>
    %max3A = arith.constant 0.000000e+00 : f32
    %max3A_48 = vector.broadcast %max3A : f32 to vector<10000x128xf32>
    %max3A_49 = arith.maximumf %add3A_47, %max3A_48 : vector<10000x128xf32>
    %get3A_50 = arith.constant 0 : index
    %get3A_51 = arith.constant 0 : index
    %get3A_52 = vector.load %arg6[%get3A_50, %get3A_51] : memref<128x128xf32, #tpu.memory_space<vmem>>, vector<128x128xf32>
    %dot_general3A_53 = arith.constant dense<0.000000e+00> : vector<10000x128xf32>
    %dot_general3A_54 = tpu.matmul %max3A_49, %get3A_52, %dot_general3A_53 {dimension_numbers = #tpu.dot_dimension_numbers<[1], [1], [0], [0], [0, 0, 1, 0], [], []>, precision = #tpu.contract_precision<fp32>, transpose_lhs_hint = false} : vector<10000x128xf32>, vector<128x128xf32>, vector<10000x128xf32> -> vector<10000x128xf32>
    %get3A_55 = arith.constant 0 : index
    %get3A_56 = arith.constant 0 : index
    %get3A_57 = vector.load %arg7[%get3A_55, %get3A_56] : memref<1x128xf32, #tpu.memory_space<vmem>>, vector<1x128xf32>
    %add3A_58 = vector.broadcast %get3A_57 : vector<1x128xf32> to vector<10000x128xf32>
    %add3A_59 = arith.addf %dot_general3A_54, %add3A_58 : vector<10000x128xf32>
    %swap3A = arith.constant 0 : index
    %swap3A_60 = arith.constant 0 : index
    %swap3A_61 = vector.load %arg8[%swap3A, %swap3A_60] : memref<10000x128xf32, #tpu.memory_space<vmem>>, vector<10000x128xf32>
    tpu.vector_store %arg8[%swap3A, %swap3A_60], %add3A_59 {strides = array<i32>} : memref<10000x128xf32, #tpu.memory_space<vmem>>, vector<10000x128xf32>,
    return
  }
}

module attributes {stable_mosaic.version = 14 : i64} {
  func.func @_final_body(%arg0: memref<10000x128xf32, #tpu.memory_space<vmem>>, %arg1: memref<128x128xf32, #tpu.memory_space<vmem>>, %arg2: memref<1x128xf32, #tpu.memory_space<vmem>>, %arg3: memref<1x10000xi32, #tpu.memory_space<vmem>>, %arg4: memref<128x128xf32, #tpu.memory_space<vmem>>) attributes {dimension_semantics = [], scalar_prefetch = 0 : i64, scratch_operands = 0 : i64, tpu.core_type = #tpu.core_type<tc>} {
    %get3A = arith.constant 0 : index
    %get3A_0 = arith.constant 0 : index
    %get3A_1 = vector.load %arg0[%get3A, %get3A_0] : memref<10000x128xf32, #tpu.memory_space<vmem>>, vector<10000x128xf32>
    %get3A_2 = arith.constant 0 : index
    %get3A_3 = arith.constant 0 : index
    %get3A_4 = vector.load %arg1[%get3A_2, %get3A_3] : memref<128x128xf32, #tpu.memory_space<vmem>>, vector<128x128xf32>
    %dot_general3A = arith.constant dense<0.000000e+00> : vector<10000x128xf32>
    %dot_general3A_5 = tpu.matmul %get3A_1, %get3A_4, %dot_general3A {dimension_numbers = #tpu.dot_dimension_numbers<[1], [1], [0], [0], [0, 0, 1, 0], [], []>, precision = #tpu.contract_precision<fp32>, transpose_lhs_hint = false} : vector<10000x128xf32>, vector<128x128xf32>, vector<10000x128xf32> -> vector<10000x128xf32>
    %get3A_6 = arith.constant 0 : index
    %get3A_7 = arith.constant 0 : index
    %get3A_8 = vector.load %arg2[%get3A_6, %get3A_7] : memref<1x128xf32, #tpu.memory_space<vmem>>, vector<1x128xf32>
    %add3A = vector.broadcast %get3A_8 : vector<1x128xf32> to vector<10000x128xf32>
    %add3A_9 = arith.addf %dot_general3A_5, %add3A : vector<10000x128xf32>
    %get3A_10 = arith.constant 0 : index
    %get3A_11 = arith.constant 0 : index
    %get3A_12 = vector.load %arg3[%get3A_10, %get3A_11] : memref<1x10000xi32, #tpu.memory_space<vmem>>, vector<1x10000xi32>
    %get3A_13 = vector.shape_cast %get3A_12 : vector<1x10000xi32> to vector<10000xi32>
    %broadcast_in_dim3A = vector.shape_cast %get3A_13 : vector<10000xi32> to vector<1x10000xi32>
    %iota3A = tpu.iota {dimensions = array<i32: 0>} : vector<128x10000xi32>
    %eq3A = vector.broadcast %broadcast_in_dim3A : vector<1x10000xi32> to vector<128x10000xi32>
    %eq3A_14 = arith.cmpi eq, %eq3A, %iota3A : vector<128x10000xi32>
    %convert_element_type3A = arith.extui %eq3A_14 : vector<128x10000xi1> to vector<128x10000xi32>
    %convert_element_type3A_15 = arith.sitofp %convert_element_type3A : vector<128x10000xi32> to vector<128x10000xf32>
    %dot_general3A_16 = arith.constant dense<0.000000e+00> : vector<128x128xf32>
    %dot_general3A_17 = tpu.matmul %convert_element_type3A_15, %add3A_9, %dot_general3A_16 {dimension_numbers = #tpu.dot_dimension_numbers<[1], [0], [0], [1], [0, 0, 1, 1], [], []>, precision = #tpu.contract_precision<fp32>, transpose_lhs_hint = false} : vector<128x10000xf32>, vector<10000x128xf32>, vector<128x128xf32> -> vector<128x128xf32>
    %swap3A = arith.constant 0 : index
    %swap3A_18 = arith.constant 0 : index
    %swap3A_19 = vector.load %arg4[%swap3A, %swap3A_18] : memref<128x128xf32, #tpu.memory_space<vmem>>, vector<128x128xf32>
    tpu.vector_store %arg4[%swap3A, %swap3A_18], %dot_general3A_17 {strides = array<i32>} : memref<128x128xf32, #tpu.memory_space<vmem>>, vector<128x128xf32>,
    return
  }
}

</mosaic_0001>

<sc_bundles>
// kernel: kernel.10.cloned.1.call-start
scs
__scs_entry_jumppad:
0x0: {  	(pc) =	sbr.rel $0x88, $3  }
0x1: {  	(tag) =	ssettag $0x0;
	lr =	simm.s32 $0x1  }
0x2: {  	[smem:$0x3F94] =	sst lr;
	_ =	strace $0xD0000000  }
0x3: {  	_ = 	snop  }
0x4: {  	_ = 	snop  }
0x5: {  	_ = 	snop  }
0x6: {  	_ = 	snop  }
0x7: {  	_ = 	snop  }
__scs_overlays_trampoline_lowered:
0x8: {  	[smem:$0x3FA3] =	sst s0  }
0x9: {  	[smem:$0x3FA4] =	sst s1  }
0xa: {  	[smem:$0x3FA5] =	sst s2  }
0xb: {  	[smem:$0x3FA6] =	sst s3  }
0xc: {  	[smem:$0x3FA7] =	sst s4  }
0xd: {  	[smem:$0x3FA8] =	sst s5  }
0xe: {  	[smem:$0x3FA9] =	sst s6  }
0xf: {  	[smem:$0x3FAA] =	sst s7  }
0x10: {  	[smem:$0x3FAB] =	sst s8  }
0x11: {  	[smem:$0x3FAC] =	sst s9;
	s0 =	simm.s32 @!p0 $0x0  }
0x12: {  	s1 =	sld [smem:$0x3F92];
	s0 =	simm.s32 @p0 $0x1  }
0x13: {  	[smem:$0x3FAD] =	sst s0;
	s0 =	simm.s32 @!p1 $0x0  }
0x14: {  	s2 =	sld [smem:$0x3F91];
	s0 =	simm.s32 @p1 $0x1  }
0x15: {  	[smem:$0x3FAE] =	sst s0;
	s0 =	simm.s32 @!p2 $0x0  }
0x16: {  	s3 =	sld [smem:$0x3FDB];
	s0 =	simm.s32 @p2 $0x1  }
0x17: {  	s4 =	simm.s32 $0x1BF5;
	[smem:$0x3FB0] =	sst s0  }
0x18: {  	s0 =	sld [smem:$0x3F93];
	_ =	swait.ge [sflag:s4], $0x0  }
0x19: {  	s7 =	sld [smem:$0x3F94]  }
0x1a: {  	s8 =	sadd.s32 $0xFFFFE003, lr  }
0x1b: {  	s9 =	sadd.s32 $0xFFFFFEF7, lr;
	s5 =	simm.s32 $0xFFFFFFFF;
	p2 =	slt.u32 s8, $0xFFFFF086  }
0x1c: {  	p1 =	slt.u32 s9, $0xF7A;
	s5 =	simm.s32 @!p2 $0x0  }
0x1d: {  	s5 =	simm.s32 @p1 $0x1;
	p0 =	seq.s32 s7, s2  }
0x1e: {  	s7 =	smul.u32 @!p0 $0xF7A, s2;
	p2 =	seq.s32 @!p0 s5, $0x0  }
0x1f: {  	s9 =	smul.u32 $0xF7A, s1;
	s8 =	simm.s32 @!p0 $0x1BF5;
	p2 =	por !p2, p0  }
0x20: {  	[sflag:s8] =	ssyncset.s32 @!p0 $0xFFFFF086;
	s6 =	sadd.s32 @!p0 s3, s7;
	s7 =	simm.s32 @!p0 $0x108  }
0x21: {  	s3 =	sadd.s32 s3, s9;
	s6 =	sadd.s32 @!p0 $0x88, s6;
	s7 =	simm.s32 @p2 $0x1082  }
0x22: {  	[simem:s7], [sflag:s8] =	dma.local @!p0 [hbm:s6], $0xF7A  }
0x23: {  	s9 =	sor.u32 $0xD0000000, s2;
	s6 =	simm.s32 $0x108;
	_ =	swait.ge @!p0 [sflag:s8], $0x0  }
0x24: {  	s3 =	sadd.s32 $0x88, s3;
	s6 =	simm.s32 @!p1 $0x1082;
	[sflag:s4] =	ssyncset.s32 $0xFFFFF086  }
0x25: {  	[simem:s6], [sflag:s4] =	dma.local [hbm:s3], $0xF7A  }
0x26: {  	[smem:$0x3F94] =	sst s1;
	(tag) =	ssettag s2;
	_ =	strace s9  }
0x27: {  	s1 =	sld [smem:$0x3FA4]  }
0x28: {  	s2 =	sld [smem:$0x3FA5]  }
0x29: {  	s4 =	sld [smem:$0x3FA7]  }
0x2a: {  	p0 =	seq.s32 s5, $0x0;
	s5 =	sld [smem:$0x3FA8]  }
0x2b: {  	s6 =	sld [smem:$0x3FA9]  }
0x2c: {  	s7 =	sld [smem:$0x3FAA]  }
0x2d: {  	s3 =	simm.s32 $0x108;
	s8 =	sld [smem:$0x3FAB]  }
0x2e: {  	s3 =	simm.s32 @!p0 $0x1082;
	s9 =	sld [smem:$0x3FAC]  }
0x2f: {  	lr =	sadd.s32 s0, s3;
	s0 =	sld [smem:$0x3FA3]  }
0x30: {  	s3 =	sld [smem:$0x3FA6]  }
0x31: {  	[smem:$0x3FAF] =	sst s10  }
0x32: {  	s10 =	sld [smem:$0x3FAD];
	_ =	sdelay $0x3  }
0x33: {  	p0 =	seq.s32 s10, $0x1;
	s10 =	sld [smem:$0x3FAF];
	_ =	sdelay $0x3  }
0x34: {  	[smem:$0x3FAF] =	sst s10  }
0x35: {  	s10 =	sld [smem:$0x3FAE];
	_ =	sdelay $0x3  }
0x36: {  	p1 =	seq.s32 s10, $0x1;
	s10 =	sld [smem:$0x3FAF];
	_ =	sdelay $0x3  }
0x37: {  	[smem:$0x3FAF] =	sst s10  }
0x38: {  	s10 =	sld [smem:$0x3FB0]  }
0x39: {  	_ = 	snop;
	(pc) =	sbr.ind lr, $3  }
0x3a: {  	_ = 	snop  }
0x3b: {  	_ = 	snop  }
0x3c: {  	p2 =	seq.s32 s10, $0x1;
	s10 =	sld [smem:$0x3FAF]  }
0x3d: {  	_ =	shalt  }
0x3e: {  	_ =	shalt  }
0x3f: {  	_ =	shalt  }
0x40: {  	_ =	shalt  }
0x41: {  	_ =	shalt  }
0x42: {  	_ =	shalt  }
0x43: {  	_ =	shalt  }
0x44: {  	_ =	shalt  }
0x45: {  	_ =	shalt  }
0x46: {  	_ =	shalt  }
0x47: {  	_ =	shalt  }
0x48: {  	_ =	shalt  }
0x49: {  	_ =	shalt  }
0x4a: {  	_ =	shalt  }
0x4b: {  	_ =	shalt  }
0x4c: {  	_ =	shalt  }
0x4d: {  	_ =	shalt  }
0x4e: {  	_ =	shalt  }
0x4f: {  	_ =	shalt  }
0x50: {  	_ =	shalt  }
0x51: {  	_ =	shalt  }
0x52: {  	_ =	shalt  }
0x53: {  	_ =	shalt  }
0x54: {  	_ =	shalt  }
0x55: {  	_ =	shalt  }
0x56: {  	_ =	shalt  }
0x57: {  	_ =	shalt  }
0x58: {  	_ =	shalt  }
0x59: {  	_ =	shalt  }
0x5a: {  	_ =	shalt  }
0x5b: {  	_ =	shalt  }
0x5c: {  	_ =	shalt  }
0x5d: {  	_ =	shalt  }
0x5e: {  	_ =	shalt  }
0x5f: {  	_ =	shalt  }
0x60: {  	_ =	shalt  }
0x61: {  	_ =	shalt  }
0x62: {  	_ =	shalt  }
0x63: {  	_ =	shalt  }
0x64: {  	_ =	shalt  }
0x65: {  	_ =	shalt  }
0x66: {  	_ =	shalt  }
0x67: {  	_ =	shalt  }
0x68: {  	_ =	shalt  }
0x69: {  	_ =	shalt  }
0x6a: {  	_ =	shalt  }
0x6b: {  	_ =	shalt  }
0x6c: {  	_ =	shalt  }
0x6d: {  	_ =	shalt  }
0x6e: {  	_ =	shalt  }
0x6f: {  	_ =	shalt  }
0x70: {  	_ =	shalt  }
0x71: {  	_ =	shalt  }
0x72: {  	_ =	shalt  }
0x73: {  	_ =	shalt  }
0x74: {  	_ =	shalt  }
0x75: {  	_ =	shalt  }
0x76: {  	_ =	shalt  }
0x77: {  	_ =	shalt  }
0x78: {  	_ =	shalt  }
0x79: {  	_ =	shalt  }
0x7a: {  	_ =	shalt  }
0x7b: {  	_ =	shalt  }
0x7c: {  	_ =	shalt  }
0x7d: {  	_ =	shalt  }
0x7e: {  	_ =	shalt  }
0x7f: {  	_ =	shalt  }
0x80: {  	_ =	shalt  }
0x81: {  	_ =	shalt  }
0x82: {  	_ =	shalt  }
0x83: {  	_ =	shalt  }
0x84: {  	_ =	shalt  }
0x85: {  	_ =	shalt  }
0x86: {  	_ =	shalt  }
0x87: {  	_ =	shalt  }
.Lfunc_end0:
.L_simem_size_0:
called_computation_lowered:
.L_overlay_start_0:
0x88: {  	s2 =	sld [smem:$0x3FD9]  }
0x89: {  	s3 =	sld [smem:$0x3FFE];
	_ =	sdelay $0x1  }
0x8a: {  	s1 =	srdreg.scid  }
0x8b: {  	s0 =	sand.u32 $0x1, s1  }
0x8c: {  	s16 =	sshll.u32 s0, $0xA;
	s2 =	sadd.s32 s3, s2  }
0x8d: {  	s2 =	sadd.s32 s2, s16  }
0x8e: {  	[smem:$0x3FBB] =	sst s2  }
0x8f: {  	_ = 	snop  }
0x90: {  	(tm) =	ssettm $0x1  }
0x91: {  	s17 =	sld [smem:$0x3FFB];
	_ =	sdelay $0x3  }
0x92: {  	_ =	strace s17  }
0x93: {  	s2 =	sld [smem:$0x3FFC];
	_ =	sdelay $0x3  }
0x94: {  	_ =	strace s2  }
0x95: {  	s2 =	sld [smem:$0x3FFD];
	_ =	sdelay $0x3  }
0x96: {  	_ =	strace s2  }
0x97: {  	_ =	strace $0x8FFFFFFF  }
0x98: {  	s18 =	sld [smem:$0x3FDB];
	_ =	sdelay $0x1  }
0x99: {  	s19 =	simm.s32 $_scs_section_size  }
0x9a: {  	s4 =	simm.s32 $_size__tile_overlayer_lowered;
	s5 =	simm.s32 $_tile_overlayer_lowered  }
0x9b: {  	s22 =	simm.s32 $0x1BFF;
	s21 =	sshll.u32 s5, $0x1;
	s2 =	sadd.s32 s19, s18  }
0x9c: {  	s6 =	simm.s32 $0x0;
	s20 =	sshll.u32 s4, $0x1;
	s4 =	sadd.s32 s21, s2  }
0x9d: {  	[timem:s6], [sflag:s22] =	dma.local [hbm:s4], s20  }
0x9e: {  	_ =	swait.ge [sflag:s22], s20  }
0x9f: {  	s3 =	ssub.s32 $0x0, s20;
	[sflag:s22] =	ssyncset.done $0x0  }
0xa0: {  	[sflag:s22] =	ssyncadd.s32 s3;
	_ =	sdelay $0x1  }
0xa1: {  	s23 =	simm.s32 $0x1B8B  }
0xa2: {  	_ =	swait.ge [sflag:s23], $0x1  }
0xa3: {  	[sflag:s23] =	ssyncset.done $0x0  }
0xa4: {  	s25 =	simm.s32 $0x1B8E;
	s24 =	sld [smem:$0x3FFE];
	[sflag:s23] =	ssyncadd.s32 $0xFFFFFFFF  }
0xa5: {  	s26 =	simm.s32 $execute0_lowered;
	[smem:$0x3FD2] =	sst s25  }
0xa6: {  	s4 =	sshll.u32 s26, $0x1;
	_ =	strace $0x80000046;
	[dreg:$0x1] =	wrdreg $0xFFFFFFFF  }
0xa7: {  	s28 =	simm.s32 $_size_execute0_lowered;
	s2 =	sadd.s32 s2, s4;
	[dreg:$0x0] =	wrdreg $0x0  }
0xa8: {  	s4 =	sshll.u32 s28, $0x1;
	[dreg:$0x2] =	wrdreg s2  }
0xa9: {  	[dreg:$0x3] =	wrdreg s4  }
0xaa: {  	[dreg:$0x4] =	wrdreg $0xC0  }
0xab: {  	_ =	task [dreg:s6], $0x5FFFF  }
0xac: {  	[dreg:$0x1] =	wrdreg $0xFFFFFFFF  }
0xad: {  	[dreg:$0x0] =	wrdreg $0x60  }
0xae: {  	[dreg:$0x2] =	wrdreg s24  }
0xaf: {  	[dreg:$0x3] =	wrdreg $0xC0000  }
0xb0: {  	[dreg:$0x4] =	wrdreg $0x9  }
0xb1: {  	_ =	task.clear_ibuf [dreg:s6], $0x5FFFF;
	_ =	strace $0x90000046  }
0xb2: {  	s29 =	simm.s32 $0x9;
	_ =	strace $0x80000048  }
0xb3: {  	_ =	swait.ge [sflag:s29], $0x1  }
0xb4: {  	[sflag:s29] =	ssyncadd.s32 $0xFFFFFFFF  }
0xb5: {  	_ =	strace $0x90000048  }
0xb6: {  	_ =	sfence  }
0xb7: {  	s30 =	sld [smem:$0x0];
	_ =	sdelay $0x2  }
0xb8: {  	s31 =	sshll.u32 s1, $0xD;
	s1 =	sshrl.u32 s1, $0x2  }
0xb9: {  	s3 =	sand.u32 $0x4000, s31;
	s1 =	sadd.s32 s1, s30  }
0xba: {  	s0 =	sor.u32 s3, s0;
	s1 =	sshll.u32 s1, $0x11  }
0xbb: {  	s0 =	sor.u32 s1, s0  }
0xbc: {  	s0 =	sadd.s32 $0x8F2B, s0  }
0xbd: {  	[sflag:s0] =	ssyncadd.remote.s32 $0x1  }
0xbe: {  	_ =	sfence.sel $0xFFFF  }
0xbf: {  	[dreg:$0x0] =	wrdreg $0xFFFFFFFF;
	(pc) =	sbr.abs _section_cstart, $3  }
0xc0: {  	[dreg:$0x1] =	wrdreg $0xFFFFFFFF  }
0xc1: {  	_ =	task.clear_ibuf [dreg:s6], $0x2FFFF;
	_ =	strace $0x9FFFFFFF  }
0xc2: {  	(tm) =	ssettm $0x7FFFFFFF  }
0xc3: {  	_ =	shalt  }
tec
execute0_lowered:
.L_overlay_start_1:
0x0: {  	(tag) =	ssettag $0x1  }
0x1: {  	s5 =	rddreg [dreg:$0x0]  }
0x2: {  	s2 =	rddreg [dreg:$0x1];
	s0 =	stileid.u32  }
0x3: {  	s4 =	srdreg.scid;
	s3 =	simm.s32 $0x0;
	s17 =	simm.s32 $0x4  }
0x4: {  	s18 =	simm.s32 $0x2000;
	s19 =	simm.s32 $0x3;
	s6 =	smul.u32 $0x2780, s0  }
0x5: {  	s20 =	simm.s32 $0x80;
	s21 =	simm.s32 $0x4000;
	s9 =	smul.u32 $0x13C00, s0  }
0x6: {  	s22 =	simm.s32 $0x8000;
	s23 =	simm.s32 $0x1;
	s13 =	smul.u32 $0x4F000, s0  }
0x7: {  	s28 =	simm.s32 $0x3B80;
	s7 =	sand.u32 $0x1, s4;
	s25 =	smul.u32 $0x5000, s0  }
0x8: {  	[smem:$0x7FF] =	sst s3;
	s4 =	sadd.s32 $0x17400, s5;
	s29 =	smul.u32 $0xA00, s0  }
0x9: {  	s10 =	sadd.s32 $0x3400, s5;
	s11 =	sadd.s32 $0xD400, s5;
	s8 =	smul.u32 $0x13C000, s7  }
0xa: {  	_ =	strace $0x80000047;
	s24 =	ssub.s32 $0x2, s7;
	p0 =	seq.s32 s7, $0x1  }
0xb: {  	s6 =	sadd.s32 s6, s5;
	s12 =	sshrl.u32 s24, $0x1;
	s26 =	sshrl.u32 s13, $0x2  }
0xc: {  	s30 =	sshrl.u32 s25, $0x3;
	s7 =	sadd.s32 s11, s29;
	s25 =	simm.s32 $0x1B80  }
0xd: {  	s8 =	sadd.s32 s9, s8;
	s15 =	ssub.s32 s24, s12;
	s16 =	sadd.s32 s26, s2  }
0xe: {  	s31 =	sadd.s32 $0x280, s30;
	s12 =	sadd.s32 $0x600, s30;
	s24 =	simm.s32 $0x2  }
.Ltmp0:
0xf: {  	s26 =	simm.s32 $0x3B00;
	s8 =	sshrl.u32 s8, $0x3;
	(pc) =	sbr.rel .LBB2_1-.Ltmp0, $4  }
0x10: {  	s9 =	sadd.s32 s11, s31;
	s11 =	sadd.s32 s11, s12;
	s16 =	sshrl.u32 s16, $0x3  }
0x11: {  	s14 =	sadd.s32 s8, s5;
	s5 =	sadd.s32 $0x3E600, s6;
	s6 =	sadd.s32 s10, s29  }
0x12: {  	s8 =	sadd.s32 s10, s31;
	s10 =	sadd.s32 s10, s12;
	s12 =	sshll.u32 s0, $0x6  }
0x13: {  	s13 =	sadd.s32 $0x65E00, s14;
	s14 =	smax.u32 s15, $0x1;
	s15 =	sor.u32 $0x1C03, s12  }
.LBB2_5:
0x14: {  	s0 =	sadd.s32 $0x80, s29;
	[sflag:s17] =	ssyncadd.s32 @p1 $0xFFFFC000  }
0x15: {  	[tilespmem:s22], [sflag:$0x2] =	stream.indirect.gather [hbm4b:s4+s20], $0x80, s0, s20, $0xb8;
	[tilespmem:$0x1FC00] =	vst v63  }
0x16: {  	_ =	swait.ge [sflag:s23], $0x4000  }
0x17: {  	[sflag:s23] =	ssyncset.done $0x0  }
0x18: {  	s1 =	sadd.s32 $0x2000, s29;
	[sflag:s23] =	ssyncadd.s32 $0xFFFFC000  }
0x19: {  	[spmem:s2] =	stream.indirect.scatter.add.f32 [tilespmem:s21], [sflag:$0x4], $0x80, s1, s20, $0xb8;
	[tilespmem:$0x1FC00] =	vst v63  }
0x1a: {  	_ =	swait.ge [sflag:s17], $0x4000  }
0x1b: {  	[sflag:s17] =	ssyncset.done $0x0  }
0x1c: {  	s1 =	sadd.s32 $0x100, s29;
	[sflag:s17] =	ssyncadd.s32 $0xFFFFC000  }
0x1d: {  	[tilespmem:s21], [sflag:$0x1] =	stream.indirect.gather [hbm4b:s4+s20], $0x80, s1, s20, $0xb8;
	[tilespmem:$0x1FC00] =	vst v63  }
0x1e: {  	_ =	swait.ge [sflag:s24], $0x4000  }
0x1f: {  	[sflag:s24] =	ssyncset.done $0x0  }
0x20: {  	s1 =	sadd.s32 $0x2080, s29;
	[sflag:s24] =	ssyncadd.s32 $0xFFFFC000  }
0x21: {  	[spmem:s2] =	stream.indirect.scatter.add.f32 [tilespmem:s22], [sflag:$0x4], $0x80, s1, s20, $0xb8;
	[tilespmem:$0x1FC00] =	vst v63  }
0x22: {  	_ =	swait.ge [sflag:s17], $0x4000  }
0x23: {  	s30 =	simm.s32 $0x3300;
	[sflag:s17] =	ssyncset.done $0x0  }
0x24: {  	s31 =	simm.s32 $0x1380;
	s29 =	simm.s32 $0x3380;
	[sflag:s17] =	ssyncadd.s32 $0xFFFFC000  }
.LBB2_11:
0x25: {  	[tilespmem:s22], [sflag:$0x2] =	stream.indirect.gather [hbm4b:s4+s20], $0x80, s31, s20, $0xb8;
	[tilespmem:$0x1FC00] =	vst v63  }
0x26: {  	_ =	swait.ge [sflag:s23], $0x4000  }
0x27: {  	[sflag:s23] =	ssyncset.done $0x0  }
0x28: {  	[sflag:s23] =	ssyncadd.s32 $0xFFFFC000  }
0x29: {  	[spmem:s2] =	stream.indirect.scatter.add.f32 [tilespmem:s21], [sflag:$0x4], $0x80, s30, s20, $0xb8;
	[tilespmem:$0x1FC00] =	vst v63  }
0x2a: {  	_ =	swait.ge [sflag:s17], $0x4000  }
0x2b: {  	[sflag:s17] =	ssyncset.done $0x0  }
0x2c: {  	[sflag:s17] =	ssyncadd.s32 $0xFFFFC000  }
0x2d: {  	_ =	swait.ge [sflag:s24], $0x4000  }
0x2e: {  	[sflag:s24] =	ssyncset.done $0x0  }
0x2f: {  	[sflag:s24] =	ssyncadd.s32 $0xFFFFC000  }
0x30: {  	[spmem:s2] =	stream.indirect.scatter.add.f32 [tilespmem:s22], [sflag:$0x4], $0x80, s29, s20, $0xb8;
	[tilespmem:$0x1FC00] =	vst v63  }
0x31: {  	_ =	swait.ge [sflag:s17], $0x4000  }
0x32: {  	s3 =	sadd.s32 $0x1, s3;
	[sflag:s17] =	ssyncset.done $0x0  }
0x33: {  	p1 =	sne.s32 s3, s14;
	[sflag:s17] =	ssyncadd.s32 $0xFFFFC000  }
.Ltmp1:
0x34: {  	s0 =	sor.u32 $0x1C04, s12;
	[bflag:$0x0] =	sbarrier.arrive $0xFFFF;
	(pc) =	sbr.rel @!p1 .LBB2_12-.Ltmp1, $4  }
0x35: {  	[hbm:s13], [sflag:s0] =	dma.local [spmem:s16], $0x2780  }
0x36: {  	_ =	swait.ge [sflag:s17], $0x2780  }
0x37: {  	[sflag:s17] =	ssyncset.done $0x0  }
0x38: {  	[sflag:s17] =	ssyncadd.s32 $0xFFFFD880  }
.LBB2_1:
.Ltmp2:
0x39: {  	(pc) =	sbr.rel @!p0 .LBB2_2-.Ltmp2, $2  }
0x3a: {  	_ =	sdelay $0x2  }
0x3b: {  	[spmem:s16], [sflag:s15] =	dma.local [hbm:s5], $0x2780  }
0x3c: {  	s0 =	simm.s32 $0x0  }
0x3d: {  	[tilespmem:s0], [sflag:$0x4] =	stream.linear.gather [hbm4b:s8+s0], $0x1C00, $0x38;
	[tilespmem:$0x1FC00] =	vst v63  }
0x3e: {  	_ =	swait.ge [sflag:s17], $0x1C00  }
0x3f: {  	[sflag:s17] =	ssyncset.done $0x0  }
0x40: {  	[sflag:s17] =	ssyncadd.s32 $0xFFFFE400  }
0x41: {  	[tilespmem:s18], [sflag:$0x4] =	stream.linear.gather [hbm4b:s9+s0], $0x1C00, $0x38;
	[tilespmem:$0x1FC00] =	vst v63  }
0x42: {  	_ =	swait.ge [sflag:s17], $0x1C00  }
0x43: {  	[sflag:s17] =	ssyncset.done $0x0  }
0x44: {  	[sflag:s17] =	ssyncadd.s32 $0xFFFFE400  }
0x45: {  	_ =	swait.ge [sflag:s19], $0x2780  }
0x46: {  	[sflag:s19] =	ssyncset.done $0x0  }
0x47: {  	[sflag:s19] =	ssyncadd.s32 $0xFFFFD880  }
0x48: {  	[bflag:$0x0] =	sbarrier.arrive $0xFFFF  }
0x49: {  	[tilespmem:s21], [sflag:$0x1] =	stream.indirect.gather [hbm4b:s4+s20], $0x80, s0, s20, $0xb8;
	[tilespmem:$0x1FC00] =	vst v63  }
0x4a: {  	s1 =	simm.s32 $0x80  }
0x4b: {  	[tilespmem:s22], [sflag:$0x2] =	stream.indirect.gather [hbm4b:s4+s20], $0x80, s1, s20, $0xb8;
	[tilespmem:$0x1FC00] =	vst v63  }
0x4c: {  	_ =	swait.ge [sflag:s23], $0x4000  }
0x4d: {  	[sflag:s23] =	ssyncset.done $0x0  }
0x4e: {  	s31 =	simm.s32 $0x2000;
	[sflag:s23] =	ssyncadd.s32 $0xFFFFC000  }
0x4f: {  	[spmem:s2] =	stream.indirect.scatter.add.f32 [tilespmem:s21], [sflag:$0x4], $0x80, s31, s20, $0xb8;
	[tilespmem:$0x1FC00] =	vst v63  }
0x50: {  	_ =	swait.ge [sflag:s17], $0x4000  }
0x51: {  	[sflag:s17] =	ssyncset.done $0x0  }
0x52: {  	s1 =	simm.s32 $0x100;
	[sflag:s17] =	ssyncadd.s32 $0xFFFFC000  }
0x53: {  	[tilespmem:s21], [sflag:$0x1] =	stream.indirect.gather [hbm4b:s4+s20], $0x80, s1, s20, $0xb8;
	[tilespmem:$0x1FC00] =	vst v63  }
0x54: {  	_ =	swait.ge [sflag:s24], $0x4000  }
0x55: {  	[sflag:s24] =	ssyncset.done $0x0  }
0x56: {  	s31 =	simm.s32 $0x2080;
	[sflag:s24] =	ssyncadd.s32 $0xFFFFC000  }
0x57: {  	[spmem:s2] =	stream.indirect.scatter.add.f32 [tilespmem:s22], [sflag:$0x4], $0x80, s31, s20, $0xb8;
	[tilespmem:$0x1FC00] =	vst v63  }
0x58: {  	_ =	swait.ge [sflag:s17], $0x4000  }
0x59: {  	s30 =	simm.s32 $0x800;
	s29 =	simm.s32 $0x100;
	[sflag:s17] =	ssyncset.done $0x0  }
.LBB2_7:
0x5a: {  	s0 =	sadd.s32 $0x80, s29  }
0x5b: {  	[sflag:s17] =	ssyncadd.s32 $0xFFFFC000;
	s1 =	smov.u32 s30;
	s31 =	sadd.s32 $0x400, s30  }
0x5c: {  	[tilespmem:s22], [sflag:$0x2] =	stream.indirect.gather [hbm4b:s4+s20], $0x80, s0, s20, $0xb8;
	[tilespmem:$0x1FC00] =	vst v63  }
0x5d: {  	p1 =	sne.s32 s30, $0x6800;
	_ =	swait.ge [sflag:s23], $0x4000  }
0x5e: {  	[sflag:s23] =	ssyncset.done $0x0  }
0x5f: {  	s0 =	sadd.s32 $0x2000, s29;
	[sflag:s23] =	ssyncadd.s32 $0xFFFFC000  }
0x60: {  	[spmem:s2] =	stream.indirect.scatter.add.f32 [tilespmem:s21], [sflag:$0x4], $0x80, s0, s20, $0xb8;
	[tilespmem:$0x1FC00] =	vst v63  }
0x61: {  	_ =	swait.ge [sflag:s17], $0x4000  }
0x62: {  	[sflag:s17] =	ssyncset.done $0x0  }
0x63: {  	s0 =	sadd.s32 $0x100, s29;
	[sflag:s17] =	ssyncadd.s32 $0xFFFFC000  }
0x64: {  	[tilespmem:s21], [sflag:$0x1] =	stream.indirect.gather [hbm4b:s4+s20], $0x80, s0, s20, $0xb8;
	[tilespmem:$0x1FC00] =	vst v63  }
0x65: {  	_ =	swait.ge [sflag:s24], $0x4000  }
.Ltmp3:
0x66: {  	[sflag:s24] =	ssyncset.done $0x0;
	(pc) =	sbr.rel @p1 .LBB2_7-.Ltmp3, $4  }
0x67: {  	s0 =	sadd.s32 $0x2080, s29;
	[sflag:s24] =	ssyncadd.s32 $0xFFFFC000  }
0x68: {  	[spmem:s2] =	stream.indirect.scatter.add.f32 [tilespmem:s22], [sflag:$0x4], $0x80, s0, s20, $0xb8;
	[tilespmem:$0x1FC00] =	vst v63  }
0x69: {  	_ =	swait.ge [sflag:s17], $0x4000  }
0x6a: {  	s30 =	smov.u32 s31;
	s29 =	sshra.s32 s1, $0x2;
	[sflag:s17] =	ssyncset.done $0x0  }
0x6b: {  	s0 =	sadd.s32 $0x80, s29;
	[sflag:s17] =	ssyncadd.s32 $0xFFFFC000  }
0x6c: {  	[tilespmem:s22], [sflag:$0x2] =	stream.indirect.gather [hbm4b:s4+s20], $0x80, s0, s20, $0xb8;
	[tilespmem:$0x1FC00] =	vst v63  }
0x6d: {  	_ =	swait.ge [sflag:s23], $0x4000  }
0x6e: {  	[sflag:s23] =	ssyncset.done $0x0  }
0x6f: {  	s1 =	sadd.s32 $0x2000, s29;
	[sflag:s23] =	ssyncadd.s32 $0xFFFFC000  }
0x70: {  	[spmem:s2] =	stream.indirect.scatter.add.f32 [tilespmem:s21], [sflag:$0x4], $0x80, s1, s20, $0xb8;
	[tilespmem:$0x1FC00] =	vst v63  }
0x71: {  	_ =	swait.ge [sflag:s17], $0x4000  }
0x72: {  	[sflag:s17] =	ssyncset.done $0x0  }
0x73: {  	s31 =	sadd.s32 $0x100, s29;
	[sflag:s17] =	ssyncadd.s32 $0xFFFFC000  }
0x74: {  	[tilespmem:s21], [sflag:$0x1] =	stream.indirect.gather [hbm4b:s4+s20], $0x80, s31, s20, $0xb8;
	[tilespmem:$0x1FC00] =	vst v63  }
0x75: {  	_ =	swait.ge [sflag:s24], $0x4000  }
0x76: {  	[sflag:s24] =	ssyncset.done $0x0  }
0x77: {  	s1 =	sadd.s32 $0x2080, s29;
	[sflag:s24] =	ssyncadd.s32 $0xFFFFC000  }
0x78: {  	[spmem:s2] =	stream.indirect.scatter.add.f32 [tilespmem:s22], [sflag:$0x4], $0x80, s1, s20, $0xb8;
	[tilespmem:$0x1FC00] =	vst v63  }
0x79: {  	_ =	swait.ge [sflag:s17], $0x4000  }
0x7a: {  	[sflag:s17] =	ssyncset.done $0x0  }
0x7b: {  	[sflag:s17] =	ssyncadd.s32 $0xFFFFC000  }
0x7c: {  	[tilespmem:s22], [sflag:$0x2] =	stream.indirect.gather [hbm4b:s4+s20], $0x80, s25, s20, $0xb8;
	[tilespmem:$0x1FC00] =	vst v63  }
0x7d: {  	_ =	swait.ge [sflag:s23], $0x4000  }
0x7e: {  	[sflag:s23] =	ssyncset.done $0x0  }
0x7f: {  	[sflag:s23] =	ssyncadd.s32 $0xFFFFC000  }
0x80: {  	[spmem:s2] =	stream.indirect.scatter.add.f32 [tilespmem:s21], [sflag:$0x4], $0x80, s26, s20, $0xb8;
	[tilespmem:$0x1FC00] =	vst v63  }
0x81: {  	_ =	swait.ge [sflag:s17], $0x4000  }
0x82: {  	[sflag:s17] =	ssyncset.done $0x0  }
0x83: {  	[sflag:s17] =	ssyncadd.s32 $0xFFFFC000  }
0x84: {  	_ =	swait.ge [sflag:s24], $0x4000  }
0x85: {  	[sflag:s24] =	ssyncset.done $0x0  }
0x86: {  	[sflag:s24] =	ssyncadd.s32 $0xFFFFC000  }
0x87: {  	[spmem:s2] =	stream.indirect.scatter.add.f32 [tilespmem:s22], [sflag:$0x4], $0x80, s28, s20, $0xb8;
	[tilespmem:$0x1FC00] =	vst v63  }
0x88: {  	_ =	swait.ge [sflag:s17], $0x4000  }
0x89: {  	[sflag:s17] =	ssyncset.done $0x0  }
0x8a: {  	s31 =	simm.s32 $0x0;
	[sflag:s17] =	ssyncadd.s32 $0xFFFFC000  }
0x8b: {  	[tilespmem:s31], [sflag:$0x4] =	stream.linear.gather [hbm4b:s10+s31], $0x2000, $0x38;
	[tilespmem:$0x1FC00] =	vst v63  }
0x8c: {  	_ =	swait.ge [sflag:s17], $0x2000  }
0x8d: {  	[sflag:s17] =	ssyncset.done $0x0  }
0x8e: {  	[sflag:s17] =	ssyncadd.s32 $0xFFFFE000  }
0x8f: {  	[tilespmem:s18], [sflag:$0x4] =	stream.linear.gather [hbm4b:s11+s31], $0x2000, $0x38;
	[tilespmem:$0x1FC00] =	vst v63  }
0x90: {  	_ =	swait.ge [sflag:s17], $0x2000  }
0x91: {  	[sflag:s17] =	ssyncset.done $0x0  }
0x92: {  	[sflag:s17] =	ssyncadd.s32 $0xFFFFE000  }
0x93: {  	[tilespmem:s21], [sflag:$0x1] =	stream.indirect.gather [hbm4b:s4+s20], $0x80, s31, s20, $0xb8;
	[tilespmem:$0x1FC00] =	vst v63  }
0x94: {  	s1 =	simm.s32 $0x80  }
0x95: {  	[tilespmem:s22], [sflag:$0x2] =	stream.indirect.gather [hbm4b:s4+s20], $0x80, s1, s20, $0xb8;
	[tilespmem:$0x1FC00] =	vst v63  }
0x96: {  	_ =	swait.ge [sflag:s23], $0x4000  }
0x97: {  	[sflag:s23] =	ssyncset.done $0x0  }
0x98: {  	s31 =	simm.s32 $0x2000;
	[sflag:s23] =	ssyncadd.s32 $0xFFFFC000  }
0x99: {  	[spmem:s2] =	stream.indirect.scatter.add.f32 [tilespmem:s21], [sflag:$0x4], $0x80, s31, s20, $0xb8;
	[tilespmem:$0x1FC00] =	vst v63  }
0x9a: {  	_ =	swait.ge [sflag:s17], $0x4000  }
0x9b: {  	[sflag:s17] =	ssyncset.done $0x0  }
0x9c: {  	s1 =	simm.s32 $0x100;
	[sflag:s17] =	ssyncadd.s32 $0xFFFFC000  }
0x9d: {  	[tilespmem:s21], [sflag:$0x1] =	stream.indirect.gather [hbm4b:s4+s20], $0x80, s1, s20, $0xb8;
	[tilespmem:$0x1FC00] =	vst v63  }
0x9e: {  	_ =	swait.ge [sflag:s24], $0x4000  }
0x9f: {  	[sflag:s24] =	ssyncset.done $0x0  }
0xa0: {  	s31 =	simm.s32 $0x2080;
	[sflag:s24] =	ssyncadd.s32 $0xFFFFC000  }
0xa1: {  	[spmem:s2] =	stream.indirect.scatter.add.f32 [tilespmem:s22], [sflag:$0x4], $0x80, s31, s20, $0xb8;
	[tilespmem:$0x1FC00] =	vst v63  }
0xa2: {  	_ =	swait.ge [sflag:s17], $0x4000  }
0xa3: {  	s30 =	simm.s32 $0x800;
	s29 =	simm.s32 $0x100;
	[sflag:s17] =	ssyncset.done $0x0  }
.LBB2_9:
0xa4: {  	s0 =	sadd.s32 $0x80, s29  }
0xa5: {  	[sflag:s17] =	ssyncadd.s32 $0xFFFFC000;
	s1 =	smov.u32 s30;
	s31 =	sadd.s32 $0x400, s30  }
0xa6: {  	[tilespmem:s22], [sflag:$0x2] =	stream.indirect.gather [hbm4b:s4+s20], $0x80, s0, s20, $0xb8;
	[tilespmem:$0x1FC00] =	vst v63  }
0xa7: {  	p1 =	sne.s32 s30, $0x7800;
	_ =	swait.ge [sflag:s23], $0x4000  }
0xa8: {  	[sflag:s23] =	ssyncset.done $0x0  }
0xa9: {  	s0 =	sadd.s32 $0x2000, s29;
	[sflag:s23] =	ssyncadd.s32 $0xFFFFC000  }
0xaa: {  	[spmem:s2] =	stream.indirect.scatter.add.f32 [tilespmem:s21], [sflag:$0x4], $0x80, s0, s20, $0xb8;
	[tilespmem:$0x1FC00] =	vst v63  }
0xab: {  	_ =	swait.ge [sflag:s17], $0x4000  }
0xac: {  	[sflag:s17] =	ssyncset.done $0x0  }
0xad: {  	s0 =	sadd.s32 $0x100, s29;
	[sflag:s17] =	ssyncadd.s32 $0xFFFFC000  }
0xae: {  	[tilespmem:s21], [sflag:$0x1] =	stream.indirect.gather [hbm4b:s4+s20], $0x80, s0, s20, $0xb8;
	[tilespmem:$0x1FC00] =	vst v63  }
0xaf: {  	_ =	swait.ge [sflag:s24], $0x4000  }
.Ltmp4:
0xb0: {  	[sflag:s24] =	ssyncset.done $0x0;
	(pc) =	sbr.rel @p1 .LBB2_9-.Ltmp4, $4  }
0xb1: {  	s0 =	sadd.s32 $0x2080, s29;
	[sflag:s24] =	ssyncadd.s32 $0xFFFFC000  }
0xb2: {  	[spmem:s2] =	stream.indirect.scatter.add.f32 [tilespmem:s22], [sflag:$0x4], $0x80, s0, s20, $0xb8;
	[tilespmem:$0x1FC00] =	vst v63  }
0xb3: {  	_ =	swait.ge [sflag:s17], $0x4000  }
0xb4: {  	s30 =	smov.u32 s31;
	s29 =	sshra.s32 s1, $0x2;
	[sflag:s17] =	ssyncset.done $0x0  }
0xb5: {  	s0 =	sadd.s32 $0x80, s29;
	[sflag:s17] =	ssyncadd.s32 $0xFFFFC000  }
0xb6: {  	[tilespmem:s22], [sflag:$0x2] =	stream.indirect.gather [hbm4b:s4+s20], $0x80, s0, s20, $0xb8;
	[tilespmem:$0x1FC00] =	vst v63  }
0xb7: {  	_ =	swait.ge [sflag:s23], $0x4000  }
0xb8: {  	[sflag:s23] =	ssyncset.done $0x0  }
0xb9: {  	s1 =	sadd.s32 $0x2000, s29;
	[sflag:s23] =	ssyncadd.s32 $0xFFFFC000  }
0xba: {  	[spmem:s2] =	stream.indirect.scatter.add.f32 [tilespmem:s21], [sflag:$0x4], $0x80, s1, s20, $0xb8;
	[tilespmem:$0x1FC00] =	vst v63  }
0xbb: {  	_ =	swait.ge [sflag:s17], $0x4000  }
0xbc: {  	[sflag:s17] =	ssyncset.done $0x0  }
0xbd: {  	s1 =	sadd.s32 $0x100, s29;
	[sflag:s17] =	ssyncadd.s32 $0xFFFFC000  }
0xbe: {  	[tilespmem:s21], [sflag:$0x1] =	stream.indirect.gather [hbm4b:s4+s20], $0x80, s1, s20, $0xb8;
	[tilespmem:$0x1FC00] =	vst v63  }
0xbf: {  	_ =	swait.ge [sflag:s24], $0x4000  }
0xc0: {  	[sflag:s24] =	ssyncset.done $0x0  }
.Ltmp5:
0xc1: {  	s1 =	sadd.s32 $0x2080, s29;
	[sflag:s24] =	ssyncadd.s32 $0xFFFFC000;
	(pc) =	sbr.rel .LBB2_11-.Ltmp5, $4  }
0xc2: {  	[spmem:s2] =	stream.indirect.scatter.add.f32 [tilespmem:s22], [sflag:$0x4], $0x80, s1, s20, $0xb8;
	[tilespmem:$0x1FC00] =	vst v63  }
0xc3: {  	_ =	swait.ge [sflag:s17], $0x4000  }
0xc4: {  	s30 =	simm.s32 $0x3F00;
	[sflag:s17] =	ssyncset.done $0x0  }
0xc5: {  	s31 =	simm.s32 $0x1F80;
	s29 =	simm.s32 $0x3F80;
	[sflag:s17] =	ssyncadd.s32 $0xFFFFC000  }
.LBB2_2:
0xc6: {  	s29 =	simm.s32 $0x0  }
0xc7: {  	[tilespmem:s29], [sflag:$0x4] =	stream.linear.gather [hbm4b:s6+s29], $0x1400, $0x38;
	[tilespmem:$0x1FC00] =	vst v63  }
0xc8: {  	_ =	swait.ge [sflag:s17], $0x1400  }
0xc9: {  	[sflag:s17] =	ssyncset.done $0x0  }
0xca: {  	[sflag:s17] =	ssyncadd.s32 $0xFFFFEC00  }
0xcb: {  	[tilespmem:s18], [sflag:$0x4] =	stream.linear.gather [hbm4b:s7+s29], $0x1400, $0x38;
	[tilespmem:$0x1FC00] =	vst v63  }
0xcc: {  	_ =	swait.ge [sflag:s17], $0x1400  }
0xcd: {  	[sflag:s17] =	ssyncset.done $0x0  }
0xce: {  	[sflag:s17] =	ssyncadd.s32 $0xFFFFEC00  }
0xcf: {  	p2 =	por $0x0, $0x0;
	_ =	swait.ge [sflag:s19], $0x2780  }
.Ltmp6:
0xd0: {  	[sflag:s19] =	ssyncset.done $0x0;
	(pc) =	sbr.rel @p2 .LBB2_5-.Ltmp6, $4  }
0xd1: {  	[sflag:s19] =	ssyncadd.s32 $0xFFFFD880  }
0xd2: {  	[bflag:$0x0] =	sbarrier.arrive $0xFFFF  }
0xd3: {  	[tilespmem:s21], [sflag:$0x1] =	stream.indirect.gather [hbm4b:s4+s20], $0x80, s29, s20, $0xb8;
	[tilespmem:$0x1FC00] =	vst v63  }
0xd4: {  	p1 =	por $0x0, $0x0;
	s29 =	simm.s32 $0x0  }
0xd5: {  	s29 =	simm.s32 $0x80  }
0xd6: {  	[tilespmem:s22], [sflag:$0x2] =	stream.indirect.gather [hbm4b:s4+s20], $0x80, s29, s20, $0xb8;
	[tilespmem:$0x1FC00] =	vst v63  }
0xd7: {  	_ =	swait.ge [sflag:s23], $0x4000  }
0xd8: {  	[sflag:s23] =	ssyncset.done $0x0  }
0xd9: {  	s29 =	simm.s32 $0x2000;
	[sflag:s23] =	ssyncadd.s32 $0xFFFFC000  }
0xda: {  	[spmem:s2] =	stream.indirect.scatter.add.f32 [tilespmem:s21], [sflag:$0x4], $0x80, s29, s20, $0xb8;
	[tilespmem:$0x1FC00] =	vst v63  }
0xdb: {  	_ =	swait.ge [sflag:s17], $0x4000  }
0xdc: {  	[sflag:s17] =	ssyncset.done $0x0  }
0xdd: {  	s29 =	simm.s32 $0x100;
	[sflag:s17] =	ssyncadd.s32 $0xFFFFC000  }
0xde: {  	[tilespmem:s21], [sflag:$0x1] =	stream.indirect.gather [hbm4b:s4+s20], $0x80, s29, s20, $0xb8;
	[tilespmem:$0x1FC00] =	vst v63  }
0xdf: {  	p2 =	por $0x0, $0x0;
	_ =	swait.ge [sflag:s24], $0x4000  }
.Ltmp7:
0xe0: {  	[sflag:s24] =	ssyncset.done $0x0;
	(pc) =	sbr.rel @p2 .LBB2_5-.Ltmp7, $4  }
0xe1: {  	s29 =	simm.s32 $0x2080;
	[sflag:s24] =	ssyncadd.s32 $0xFFFFC000  }
0xe2: {  	[spmem:s2] =	stream.indirect.scatter.add.f32 [tilespmem:s22], [sflag:$0x4], $0x80, s29, s20, $0xb8;
	[tilespmem:$0x1FC00] =	vst v63  }
0xe3: {  	s30 =	simm.s32 $0x800;
	_ =	swait.ge [sflag:s17], $0x4000  }
0xe4: {  	p1 =	por $0x1, $0x1;
	s29 =	simm.s32 $0x100;
	[sflag:s17] =	ssyncset.done $0x0  }
.LBB2_4:
0xe5: {  	s31 =	sadd.s32 $0x80, s29  }
0xe6: {  	[sflag:s17] =	ssyncadd.s32 $0xFFFFC000;
	s0 =	smov.u32 s30;
	s1 =	sadd.s32 $0x400, s30  }
0xe7: {  	[tilespmem:s22], [sflag:$0x2] =	stream.indirect.gather [hbm4b:s4+s20], $0x80, s31, s20, $0xb8;
	[tilespmem:$0x1FC00] =	vst v63  }
0xe8: {  	p2 =	seq.s32 s30, $0x4800;
	_ =	swait.ge [sflag:s23], $0x4000  }
0xe9: {  	[sflag:s23] =	ssyncset.done $0x0  }
0xea: {  	s30 =	sadd.s32 $0x2000, s29;
	[sflag:s23] =	ssyncadd.s32 $0xFFFFC000  }
0xeb: {  	[spmem:s2] =	stream.indirect.scatter.add.f32 [tilespmem:s21], [sflag:$0x4], $0x80, s30, s20, $0xb8;
	[tilespmem:$0x1FC00] =	vst v63  }
0xec: {  	_ =	swait.ge [sflag:s17], $0x4000  }
0xed: {  	[sflag:s17] =	ssyncset.done $0x0  }
0xee: {  	s30 =	sadd.s32 $0x100, s29;
	[sflag:s17] =	ssyncadd.s32 $0xFFFFC000  }
0xef: {  	[tilespmem:s21], [sflag:$0x1] =	stream.indirect.gather [hbm4b:s4+s20], $0x80, s30, s20, $0xb8;
	[tilespmem:$0x1FC00] =	vst v63  }
0xf0: {  	_ =	swait.ge [sflag:s24], $0x4000  }
.Ltmp8:
0xf1: {  	[sflag:s24] =	ssyncset.done $0x0;
	(pc) =	sbr.rel @!p2 .LBB2_4-.Ltmp8, $4  }
0xf2: {  	s29 =	sadd.s32 $0x2080, s29;
	[sflag:s24] =	ssyncadd.s32 $0xFFFFC000  }
0xf3: {  	[spmem:s2] =	stream.indirect.scatter.add.f32 [tilespmem:s22], [sflag:$0x4], $0x80, s29, s20, $0xb8;
	[tilespmem:$0x1FC00] =	vst v63  }
0xf4: {  	_ =	swait.ge [sflag:s17], $0x4000  }
0xf5: {  	s30 =	smov.u32 s1;
	s29 =	sshra.s32 s0, $0x2;
	[sflag:s17] =	ssyncset.done $0x0  }
.Ltmp9:
0xf6: {  	_ = 	snop;
	(pc) =	sbr.rel .LBB2_5-.Ltmp9, $1  }
0xf7: {  	_ =	sdelay $0x3  }
.LBB2_12:
0xf8: {  	_ =	sfence.sel $0x180000  }
0xf9: {  	[bflag:$0x0] =	sbarrier.arrive $0xFFFF  }
0xfa: {  	_ =	strace $0x90000047  }
0xfb: {  	s0 =	stileid.u32;
	[bflag:$0x2] =	sbarrier.arrive $0xFFFF  }
0xfc: {  	p0 =	sne.s32 s0, $0x0;
	s0 =	rddreg [dreg:$0x2]  }
0xfd: {  	s0 =	sadd.s32 @!p0 $0x100000, s0  }
0xfe: {  	[sflag:s0] =	ssyncadd.tile.s32 @!p0 $0x1;
	_ =	shalt  }
.Lfunc_end2:
_tile_overlayer_lowered:
.L_overlay_start_2:
0xff: {  	(tag) =	ssettag $0x2  }
0x100: {  	s0 =	rddreg [dreg:$0x0];
	s2 =	stileid.u32  }
0x101: {  	s1 =	rddreg [dreg:$0x1];
	p0 =	sne.s32 s2, $0x0  }
0x102: {  	s3 =	rddreg [dreg:$0x2];
	[bflag:$0x3] =	sbarrier.arrive $0xFFFF;
	s2 =	simm.s32 @!p0 $0x1C04  }
0x103: {  	[timem:s3], [sflag:s2] =	dma.local @!p0 [hbm:s0], s1  }
0x104: {  	s0 =	simm.s32 @!p0 $0x4  }
0x105: {  	_ =	swait.ge @!p0 [sflag:s0], s1  }
0x106: {  	s1 =	ssub.s32 @!p0 $0x0, s1;
	[sflag:s0] =	ssyncset.done @!p0 $0x0  }
0x107: {  	[sflag:s0] =	ssyncadd.s32 @!p0 s1  }
0x108: {  	[bflag:$0x3] =	sbarrier.arrive $0xFFFF  }
0x109: {  	_ =	shalt  }

// kernel: kernel.13.cloned.1.call-start
scs
__scs_entry_jumppad:
0x0: {  	(pc) =	sbr.rel $0x88, $3  }
0x1: {  	(tag) =	ssettag $0x0;
	lr =	simm.s32 $0x1  }
0x2: {  	[smem:$0x3F94] =	sst lr;
	_ =	strace $0xD0000000  }
0x3: {  	_ = 	snop  }
0x4: {  	_ = 	snop  }
0x5: {  	_ = 	snop  }
0x6: {  	_ = 	snop  }
0x7: {  	_ = 	snop  }
__scs_overlays_trampoline_lowered:
0x8: {  	[smem:$0x3FA3] =	sst s0  }
0x9: {  	[smem:$0x3FA4] =	sst s1  }
0xa: {  	[smem:$0x3FA5] =	sst s2  }
0xb: {  	[smem:$0x3FA6] =	sst s3  }
0xc: {  	[smem:$0x3FA7] =	sst s4  }
0xd: {  	[smem:$0x3FA8] =	sst s5  }
0xe: {  	[smem:$0x3FA9] =	sst s6  }
0xf: {  	[smem:$0x3FAA] =	sst s7  }
0x10: {  	[smem:$0x3FAB] =	sst s8  }
0x11: {  	[smem:$0x3FAC] =	sst s9;
	s0 =	simm.s32 @!p0 $0x0  }
0x12: {  	s1 =	sld [smem:$0x3F92];
	s0 =	simm.s32 @p0 $0x1  }
0x13: {  	[smem:$0x3FAD] =	sst s0;
	s0 =	simm.s32 @!p1 $0x0  }
0x14: {  	s2 =	sld [smem:$0x3F91];
	s0 =	simm.s32 @p1 $0x1  }
0x15: {  	[smem:$0x3FAE] =	sst s0;
	s0 =	simm.s32 @!p2 $0x0  }
0x16: {  	s3 =	sld [smem:$0x3FDB];
	s0 =	simm.s32 @p2 $0x1  }
0x17: {  	s4 =	simm.s32 $0x1BF5;
	[smem:$0x3FB0] =	sst s0  }
0x18: {  	s0 =	sld [smem:$0x3F93];
	_ =	swait.ge [sflag:s4], $0x0  }
0x19: {  	s7 =	sld [smem:$0x3F94]  }
0x1a: {  	s8 =	sadd.s32 $0xFFFFE003, lr  }
0x1b: {  	s9 =	sadd.s32 $0xFFFFFEF7, lr;
	s5 =	simm.s32 $0xFFFFFFFF;
	p2 =	slt.u32 s8, $0xFFFFF086  }
0x1c: {  	p1 =	slt.u32 s9, $0xF7A;
	s5 =	simm.s32 @!p2 $0x0  }
0x1d: {  	s5 =	simm.s32 @p1 $0x1;
	p0 =	seq.s32 s7, s2  }
0x1e: {  	s7 =	smul.u32 @!p0 $0xF7A, s2;
	p2 =	seq.s32 @!p0 s5, $0x0  }
0x1f: {  	s9 =	smul.u32 $0xF7A, s1;
	s8 =	simm.s32 @!p0 $0x1BF5;
	p2 =	por !p2, p0  }
0x20: {  	[sflag:s8] =	ssyncset.s32 @!p0 $0xFFFFF086;
	s6 =	sadd.s32 @!p0 s3, s7;
	s7 =	simm.s32 @!p0 $0x108  }
0x21: {  	s3 =	sadd.s32 s3, s9;
	s6 =	sadd.s32 @!p0 $0x88, s6;
	s7 =	simm.s32 @p2 $0x1082  }
0x22: {  	[simem:s7], [sflag:s8] =	dma.local @!p0 [hbm:s6], $0xF7A  }
0x23: {  	s9 =	sor.u32 $0xD0000000, s2;
	s6 =	simm.s32 $0x108;
	_ =	swait.ge @!p0 [sflag:s8], $0x0  }
0x24: {  	s3 =	sadd.s32 $0x88, s3;
	s6 =	simm.s32 @!p1 $0x1082;
	[sflag:s4] =	ssyncset.s32 $0xFFFFF086  }
0x25: {  	[simem:s6], [sflag:s4] =	dma.local [hbm:s3], $0xF7A  }
0x26: {  	[smem:$0x3F94] =	sst s1;
	(tag) =	ssettag s2;
	_ =	strace s9  }
0x27: {  	s1 =	sld [smem:$0x3FA4]  }
0x28: {  	s2 =	sld [smem:$0x3FA5]  }
0x29: {  	s4 =	sld [smem:$0x3FA7]  }
0x2a: {  	p0 =	seq.s32 s5, $0x0;
	s5 =	sld [smem:$0x3FA8]  }
0x2b: {  	s6 =	sld [smem:$0x3FA9]  }
0x2c: {  	s7 =	sld [smem:$0x3FAA]  }
0x2d: {  	s3 =	simm.s32 $0x108;
	s8 =	sld [smem:$0x3FAB]  }
0x2e: {  	s3 =	simm.s32 @!p0 $0x1082;
	s9 =	sld [smem:$0x3FAC]  }
0x2f: {  	lr =	sadd.s32 s0, s3;
	s0 =	sld [smem:$0x3FA3]  }
0x30: {  	s3 =	sld [smem:$0x3FA6]  }
0x31: {  	[smem:$0x3FAF] =	sst s10  }
0x32: {  	s10 =	sld [smem:$0x3FAD];
	_ =	sdelay $0x3  }
0x33: {  	p0 =	seq.s32 s10, $0x1;
	s10 =	sld [smem:$0x3FAF];
	_ =	sdelay $0x3  }
0x34: {  	[smem:$0x3FAF] =	sst s10  }
0x35: {  	s10 =	sld [smem:$0x3FAE];
	_ =	sdelay $0x3  }
0x36: {  	p1 =	seq.s32 s10, $0x1;
	s10 =	sld [smem:$0x3FAF];
	_ =	sdelay $0x3  }
0x37: {  	[smem:$0x3FAF] =	sst s10  }
0x38: {  	s10 =	sld [smem:$0x3FB0]  }
0x39: {  	_ = 	snop;
	(pc) =	sbr.ind lr, $3  }
0x3a: {  	_ = 	snop  }
0x3b: {  	_ = 	snop  }
0x3c: {  	p2 =	seq.s32 s10, $0x1;
	s10 =	sld [smem:$0x3FAF]  }
0x3d: {  	_ =	shalt  }
0x3e: {  	_ =	shalt  }
0x3f: {  	_ =	shalt  }
0x40: {  	_ =	shalt  }
0x41: {  	_ =	shalt  }
0x42: {  	_ =	shalt  }
0x43: {  	_ =	shalt  }
0x44: {  	_ =	shalt  }
0x45: {  	_ =	shalt  }
0x46: {  	_ =	shalt  }
0x47: {  	_ =	shalt  }
0x48: {  	_ =	shalt  }
0x49: {  	_ =	shalt  }
0x4a: {  	_ =	shalt  }
0x4b: {  	_ =	shalt  }
0x4c: {  	_ =	shalt  }
0x4d: {  	_ =	shalt  }
0x4e: {  	_ =	shalt  }
0x4f: {  	_ =	shalt  }
0x50: {  	_ =	shalt  }
0x51: {  	_ =	shalt  }
0x52: {  	_ =	shalt  }
0x53: {  	_ =	shalt  }
0x54: {  	_ =	shalt  }
0x55: {  	_ =	shalt  }
0x56: {  	_ =	shalt  }
0x57: {  	_ =	shalt  }
0x58: {  	_ =	shalt  }
0x59: {  	_ =	shalt  }
0x5a: {  	_ =	shalt  }
0x5b: {  	_ =	shalt  }
0x5c: {  	_ =	shalt  }
0x5d: {  	_ =	shalt  }
0x5e: {  	_ =	shalt  }
0x5f: {  	_ =	shalt  }
0x60: {  	_ =	shalt  }
0x61: {  	_ =	shalt  }
0x62: {  	_ =	shalt  }
0x63: {  	_ =	shalt  }
0x64: {  	_ =	shalt  }
0x65: {  	_ =	shalt  }
0x66: {  	_ =	shalt  }
0x67: {  	_ =	shalt  }
0x68: {  	_ =	shalt  }
0x69: {  	_ =	shalt  }
0x6a: {  	_ =	shalt  }
0x6b: {  	_ =	shalt  }
0x6c: {  	_ =	shalt  }
0x6d: {  	_ =	shalt  }
0x6e: {  	_ =	shalt  }
0x6f: {  	_ =	shalt  }
0x70: {  	_ =	shalt  }
0x71: {  	_ =	shalt  }
0x72: {  	_ =	shalt  }
0x73: {  	_ =	shalt  }
0x74: {  	_ =	shalt  }
0x75: {  	_ =	shalt  }
0x76: {  	_ =	shalt  }
0x77: {  	_ =	shalt  }
0x78: {  	_ =	shalt  }
0x79: {  	_ =	shalt  }
0x7a: {  	_ =	shalt  }
0x7b: {  	_ =	shalt  }
0x7c: {  	_ =	shalt  }
0x7d: {  	_ =	shalt  }
0x7e: {  	_ =	shalt  }
0x7f: {  	_ =	shalt  }
0x80: {  	_ =	shalt  }
0x81: {  	_ =	shalt  }
0x82: {  	_ =	shalt  }
0x83: {  	_ =	shalt  }
0x84: {  	_ =	shalt  }
0x85: {  	_ =	shalt  }
0x86: {  	_ =	shalt  }
0x87: {  	_ =	shalt  }
.Lfunc_end0:
.L_simem_size_0:
called_computation.1_lowered:
.L_overlay_start_0:
0x88: {  	s2 =	sld [smem:$0x3FD9]  }
0x89: {  	s3 =	sld [smem:$0x3FFE];
	_ =	sdelay $0x1  }
0x8a: {  	s1 =	srdreg.scid  }
0x8b: {  	s0 =	sand.u32 $0x1, s1  }
0x8c: {  	s16 =	sshll.u32 s0, $0xA;
	s2 =	sadd.s32 s3, s2  }
0x8d: {  	s2 =	sadd.s32 s2, s16  }
0x8e: {  	[smem:$0x3FBB] =	sst s2  }
0x8f: {  	_ = 	snop  }
0x90: {  	(tm) =	ssettm $0x1  }
0x91: {  	s17 =	sld [smem:$0x3FFB];
	_ =	sdelay $0x3  }
0x92: {  	_ =	strace s17  }
0x93: {  	s2 =	sld [smem:$0x3FFC];
	_ =	sdelay $0x3  }
0x94: {  	_ =	strace s2  }
0x95: {  	s2 =	sld [smem:$0x3FFD];
	_ =	sdelay $0x3  }
0x96: {  	_ =	strace s2  }
0x97: {  	_ =	strace $0x8FFFFFFF  }
0x98: {  	s18 =	sld [smem:$0x3FDB];
	_ =	sdelay $0x1  }
0x99: {  	s19 =	simm.s32 $_scs_section_size  }
0x9a: {  	s4 =	simm.s32 $_size__tile_overlayer_lowered;
	s5 =	simm.s32 $_tile_overlayer_lowered  }
0x9b: {  	s22 =	simm.s32 $0x1BFF;
	s21 =	sshll.u32 s5, $0x1;
	s2 =	sadd.s32 s19, s18  }
0x9c: {  	s6 =	simm.s32 $0x0;
	s20 =	sshll.u32 s4, $0x1;
	s4 =	sadd.s32 s21, s2  }
0x9d: {  	[timem:s6], [sflag:s22] =	dma.local [hbm:s4], s20  }
0x9e: {  	_ =	swait.ge [sflag:s22], s20  }
0x9f: {  	s3 =	ssub.s32 $0x0, s20;
	[sflag:s22] =	ssyncset.done $0x0  }
0xa0: {  	[sflag:s22] =	ssyncadd.s32 s3;
	_ =	sdelay $0x1  }
0xa1: {  	s23 =	simm.s32 $0x1B8B  }
0xa2: {  	_ =	swait.ge [sflag:s23], $0x1  }
0xa3: {  	[sflag:s23] =	ssyncset.done $0x0  }
0xa4: {  	s25 =	simm.s32 $0x1B8E;
	s24 =	sld [smem:$0x3FFE];
	[sflag:s23] =	ssyncadd.s32 $0xFFFFFFFF  }
0xa5: {  	s26 =	simm.s32 $execute0_lowered;
	[smem:$0x3FD2] =	sst s25  }
0xa6: {  	s4 =	sshll.u32 s26, $0x1;
	_ =	strace $0x80000049;
	[dreg:$0x1] =	wrdreg $0xFFFFFFFF  }
0xa7: {  	s28 =	simm.s32 $_size_execute0_lowered;
	s2 =	sadd.s32 s2, s4;
	[dreg:$0x0] =	wrdreg $0x0  }
0xa8: {  	s4 =	sshll.u32 s28, $0x1;
	[dreg:$0x2] =	wrdreg s2  }
0xa9: {  	[dreg:$0x3] =	wrdreg s4  }
0xaa: {  	[dreg:$0x4] =	wrdreg $0xC0  }
0xab: {  	_ =	task [dreg:s6], $0x5FFFF  }
0xac: {  	[dreg:$0x1] =	wrdreg $0xFFFFFFFF  }
0xad: {  	[dreg:$0x0] =	wrdreg $0x60  }
0xae: {  	[dreg:$0x2] =	wrdreg s24  }
0xaf: {  	[dreg:$0x3] =	wrdreg $0xC0000  }
0xb0: {  	[dreg:$0x4] =	wrdreg $0x9  }
0xb1: {  	_ =	task.clear_ibuf [dreg:s6], $0x5FFFF;
	_ =	strace $0x90000049  }
0xb2: {  	s29 =	simm.s32 $0x9;
	_ =	strace $0x8000004B  }
0xb3: {  	_ =	swait.ge [sflag:s29], $0x1  }
0xb4: {  	[sflag:s29] =	ssyncadd.s32 $0xFFFFFFFF  }
0xb5: {  	_ =	strace $0x9000004B  }
0xb6: {  	_ =	sfence  }
0xb7: {  	s30 =	sld [smem:$0x0];
	_ =	sdelay $0x2  }
0xb8: {  	s31 =	sshll.u32 s1, $0xD;
	s1 =	sshrl.u32 s1, $0x2  }
0xb9: {  	s3 =	sand.u32 $0x4000, s31;
	s1 =	sadd.s32 s1, s30  }
0xba: {  	s0 =	sor.u32 s3, s0;
	s1 =	sshll.u32 s1, $0x11  }
0xbb: {  	s0 =	sor.u32 s1, s0  }
0xbc: {  	s0 =	sadd.s32 $0x8F2B, s0  }
0xbd: {  	[sflag:s0] =	ssyncadd.remote.s32 $0x1  }
0xbe: {  	_ =	sfence.sel $0xFFFF  }
0xbf: {  	[dreg:$0x0] =	wrdreg $0xFFFFFFFF;
	(pc) =	sbr.abs _section_cstart, $3  }
0xc0: {  	[dreg:$0x1] =	wrdreg $0xFFFFFFFF  }
0xc1: {  	_ =	task.clear_ibuf [dreg:s6], $0x2FFFF;
	_ =	strace $0x9FFFFFFF  }
0xc2: {  	(tm) =	ssettm $0x7FFFFFFF  }
0xc3: {  	_ =	shalt  }
tec
execute0_lowered:
.L_overlay_start_1:
0x0: {  	(tag) =	ssettag $0x1  }
0x1: {  	s5 =	rddreg [dreg:$0x0]  }
0x2: {  	s2 =	rddreg [dreg:$0x1];
	s0 =	stileid.u32  }
0x3: {  	s4 =	srdreg.scid;
	s3 =	simm.s32 $0x0;
	s17 =	simm.s32 $0x4  }
0x4: {  	s18 =	simm.s32 $0x2000;
	s19 =	simm.s32 $0x3;
	s6 =	smul.u32 $0x2780, s0  }
0x5: {  	s20 =	simm.s32 $0x80;
	s21 =	simm.s32 $0x4000;
	s9 =	smul.u32 $0x13C00, s0  }
0x6: {  	s22 =	simm.s32 $0x8000;
	s23 =	simm.s32 $0x1;
	s13 =	smul.u32 $0x4F000, s0  }
0x7: {  	s28 =	simm.s32 $0x3B80;
	s7 =	sand.u32 $0x1, s4;
	s25 =	smul.u32 $0x5000, s0  }
0x8: {  	[smem:$0x7FF] =	sst s3;
	s4 =	sadd.s32 $0x17400, s5;
	s29 =	smul.u32 $0xA00, s0  }
0x9: {  	s10 =	sadd.s32 $0x3400, s5;
	s11 =	sadd.s32 $0xD400, s5;
	s8 =	smul.u32 $0x13C000, s7  }
0xa: {  	_ =	strace $0x8000004A;
	s24 =	ssub.s32 $0x2, s7;
	p0 =	seq.s32 s7, $0x1  }
0xb: {  	s6 =	sadd.s32 s6, s5;
	s12 =	sshrl.u32 s24, $0x1;
	s26 =	sshrl.u32 s13, $0x2  }
0xc: {  	s30 =	sshrl.u32 s25, $0x3;
	s7 =	sadd.s32 s11, s29;
	s25 =	simm.s32 $0x1B80  }
0xd: {  	s8 =	sadd.s32 s9, s8;
	s15 =	ssub.s32 s24, s12;
	s16 =	sadd.s32 s26, s2  }
0xe: {  	s31 =	sadd.s32 $0x280, s30;
	s12 =	sadd.s32 $0x600, s30;
	s24 =	simm.s32 $0x2  }
.Ltmp0:
0xf: {  	s26 =	simm.s32 $0x3B00;
	s8 =	sshrl.u32 s8, $0x3;
	(pc) =	sbr.rel .LBB2_1-.Ltmp0, $4  }
0x10: {  	s9 =	sadd.s32 s11, s31;
	s11 =	sadd.s32 s11, s12;
	s16 =	sshrl.u32 s16, $0x3  }
0x11: {  	s14 =	sadd.s32 s8, s5;
	s5 =	sadd.s32 $0x3E600, s6;
	s6 =	sadd.s32 s10, s29  }
0x12: {  	s8 =	sadd.s32 s10, s31;
	s10 =	sadd.s32 s10, s12;
	s12 =	sshll.u32 s0, $0x6  }
0x13: {  	s13 =	sadd.s32 $0x65E00, s14;
	s14 =	smax.u32 s15, $0x1;
	s15 =	sor.u32 $0x1C03, s12  }
.LBB2_5:
0x14: {  	s0 =	sadd.s32 $0x80, s29;
	[sflag:s17] =	ssyncadd.s32 @p1 $0xFFFFC000  }
0x15: {  	[tilespmem:s22], [sflag:$0x2] =	stream.indirect.gather [hbm4b:s4+s20], $0x80, s0, s20, $0xb8;
	[tilespmem:$0x1FC00] =	vst v63  }
0x16: {  	_ =	swait.ge [sflag:s23], $0x4000  }
0x17: {  	[sflag:s23] =	ssyncset.done $0x0  }
0x18: {  	s1 =	sadd.s32 $0x2000, s29;
	[sflag:s23] =	ssyncadd.s32 $0xFFFFC000  }
0x19: {  	[spmem:s2] =	stream.indirect.scatter.add.f32 [tilespmem:s21], [sflag:$0x4], $0x80, s1, s20, $0xb8;
	[tilespmem:$0x1FC00] =	vst v63  }
0x1a: {  	_ =	swait.ge [sflag:s17], $0x4000  }
0x1b: {  	[sflag:s17] =	ssyncset.done $0x0  }
0x1c: {  	s1 =	sadd.s32 $0x100, s29;
	[sflag:s17] =	ssyncadd.s32 $0xFFFFC000  }
0x1d: {  	[tilespmem:s21], [sflag:$0x1] =	stream.indirect.gather [hbm4b:s4+s20], $0x80, s1, s20, $0xb8;
	[tilespmem:$0x1FC00] =	vst v63  }
0x1e: {  	_ =	swait.ge [sflag:s24], $0x4000  }
0x1f: {  	[sflag:s24] =	ssyncset.done $0x0  }
0x20: {  	s1 =	sadd.s32 $0x2080, s29;
	[sflag:s24] =	ssyncadd.s32 $0xFFFFC000  }
0x21: {  	[spmem:s2] =	stream.indirect.scatter.add.f32 [tilespmem:s22], [sflag:$0x4], $0x80, s1, s20, $0xb8;
	[tilespmem:$0x1FC00] =	vst v63  }
0x22: {  	_ =	swait.ge [sflag:s17], $0x4000  }
0x23: {  	s30 =	simm.s32 $0x3300;
	[sflag:s17] =	ssyncset.done $0x0  }
0x24: {  	s31 =	simm.s32 $0x1380;
	s29 =	simm.s32 $0x3380;
	[sflag:s17] =	ssyncadd.s32 $0xFFFFC000  }
.LBB2_11:
0x25: {  	[tilespmem:s22], [sflag:$0x2] =	stream.indirect.gather [hbm4b:s4+s20], $0x80, s31, s20, $0xb8;
	[tilespmem:$0x1FC00] =	vst v63  }
0x26: {  	_ =	swait.ge [sflag:s23], $0x4000  }
0x27: {  	[sflag:s23] =	ssyncset.done $0x0  }
0x28: {  	[sflag:s23] =	ssyncadd.s32 $0xFFFFC000  }
0x29: {  	[spmem:s2] =	stream.indirect.scatter.add.f32 [tilespmem:s21], [sflag:$0x4], $0x80, s30, s20, $0xb8;
	[tilespmem:$0x1FC00] =	vst v63  }
0x2a: {  	_ =	swait.ge [sflag:s17], $0x4000  }
0x2b: {  	[sflag:s17] =	ssyncset.done $0x0  }
0x2c: {  	[sflag:s17] =	ssyncadd.s32 $0xFFFFC000  }
0x2d: {  	_ =	swait.ge [sflag:s24], $0x4000  }
0x2e: {  	[sflag:s24] =	ssyncset.done $0x0  }
0x2f: {  	[sflag:s24] =	ssyncadd.s32 $0xFFFFC000  }
0x30: {  	[spmem:s2] =	stream.indirect.scatter.add.f32 [tilespmem:s22], [sflag:$0x4], $0x80, s29, s20, $0xb8;
	[tilespmem:$0x1FC00] =	vst v63  }
0x31: {  	_ =	swait.ge [sflag:s17], $0x4000  }
0x32: {  	s3 =	sadd.s32 $0x1, s3;
	[sflag:s17] =	ssyncset.done $0x0  }
0x33: {  	p1 =	sne.s32 s3, s14;
	[sflag:s17] =	ssyncadd.s32 $0xFFFFC000  }
.Ltmp1:
0x34: {  	s0 =	sor.u32 $0x1C04, s12;
	[bflag:$0x0] =	sbarrier.arrive $0xFFFF;
	(pc) =	sbr.rel @!p1 .LBB2_12-.Ltmp1, $4  }
0x35: {  	[hbm:s13], [sflag:s0] =	dma.local [spmem:s16], $0x2780  }
0x36: {  	_ =	swait.ge [sflag:s17], $0x2780  }
0x37: {  	[sflag:s17] =	ssyncset.done $0x0  }
0x38: {  	[sflag:s17] =	ssyncadd.s32 $0xFFFFD880  }
.LBB2_1:
.Ltmp2:
0x39: {  	(pc) =	sbr.rel @!p0 .LBB2_2-.Ltmp2, $2  }
0x3a: {  	_ =	sdelay $0x2  }
0x3b: {  	[spmem:s16], [sflag:s15] =	dma.local [hbm:s5], $0x2780  }
0x3c: {  	s0 =	simm.s32 $0x0  }
0x3d: {  	[tilespmem:s0], [sflag:$0x4] =	stream.linear.gather [hbm4b:s8+s0], $0x1C00, $0x38;
	[tilespmem:$0x1FC00] =	vst v63  }
0x3e: {  	_ =	swait.ge [sflag:s17], $0x1C00  }
0x3f: {  	[sflag:s17] =	ssyncset.done $0x0  }
0x40: {  	[sflag:s17] =	ssyncadd.s32 $0xFFFFE400  }
0x41: {  	[tilespmem:s18], [sflag:$0x4] =	stream.linear.gather [hbm4b:s9+s0], $0x1C00, $0x38;
	[tilespmem:$0x1FC00] =	vst v63  }
0x42: {  	_ =	swait.ge [sflag:s17], $0x1C00  }
0x43: {  	[sflag:s17] =	ssyncset.done $0x0  }
0x44: {  	[sflag:s17] =	ssyncadd.s32 $0xFFFFE400  }
0x45: {  	_ =	swait.ge [sflag:s19], $0x2780  }
0x46: {  	[sflag:s19] =	ssyncset.done $0x0  }
0x47: {  	[sflag:s19] =	ssyncadd.s32 $0xFFFFD880  }
0x48: {  	[bflag:$0x0] =	sbarrier.arrive $0xFFFF  }
0x49: {  	[tilespmem:s21], [sflag:$0x1] =	stream.indirect.gather [hbm4b:s4+s20], $0x80, s0, s20, $0xb8;
	[tilespmem:$0x1FC00] =	vst v63  }
0x4a: {  	s1 =	simm.s32 $0x80  }
0x4b: {  	[tilespmem:s22], [sflag:$0x2] =	stream.indirect.gather [hbm4b:s4+s20], $0x80, s1, s20, $0xb8;
	[tilespmem:$0x1FC00] =	vst v63  }
0x4c: {  	_ =	swait.ge [sflag:s23], $0x4000  }
0x4d: {  	[sflag:s23] =	ssyncset.done $0x0  }
0x4e: {  	s31 =	simm.s32 $0x2000;
	[sflag:s23] =	ssyncadd.s32 $0xFFFFC000  }
0x4f: {  	[spmem:s2] =	stream.indirect.scatter.add.f32 [tilespmem:s21], [sflag:$0x4], $0x80, s31, s20, $0xb8;
	[tilespmem:$0x1FC00] =	vst v63  }
0x50: {  	_ =	swait.ge [sflag:s17], $0x4000  }
0x51: {  	[sflag:s17] =	ssyncset.done $0x0  }
0x52: {  	s1 =	simm.s32 $0x100;
	[sflag:s17] =	ssyncadd.s32 $0xFFFFC000  }
0x53: {  	[tilespmem:s21], [sflag:$0x1] =	stream.indirect.gather [hbm4b:s4+s20], $0x80, s1, s20, $0xb8;
	[tilespmem:$0x1FC00] =	vst v63  }
0x54: {  	_ =	swait.ge [sflag:s24], $0x4000  }
0x55: {  	[sflag:s24] =	ssyncset.done $0x0  }
0x56: {  	s31 =	simm.s32 $0x2080;
	[sflag:s24] =	ssyncadd.s32 $0xFFFFC000  }
0x57: {  	[spmem:s2] =	stream.indirect.scatter.add.f32 [tilespmem:s22], [sflag:$0x4], $0x80, s31, s20, $0xb8;
	[tilespmem:$0x1FC00] =	vst v63  }
0x58: {  	_ =	swait.ge [sflag:s17], $0x4000  }
0x59: {  	s30 =	simm.s32 $0x800;
	s29 =	simm.s32 $0x100;
	[sflag:s17] =	ssyncset.done $0x0  }
.LBB2_7:
0x5a: {  	s0 =	sadd.s32 $0x80, s29  }
0x5b: {  	[sflag:s17] =	ssyncadd.s32 $0xFFFFC000;
	s1 =	smov.u32 s30;
	s31 =	sadd.s32 $0x400, s30  }
0x5c: {  	[tilespmem:s22], [sflag:$0x2] =	stream.indirect.gather [hbm4b:s4+s20], $0x80, s0, s20, $0xb8;
	[tilespmem:$0x1FC00] =	vst v63  }
0x5d: {  	p1 =	sne.s32 s30, $0x6800;
	_ =	swait.ge [sflag:s23], $0x4000  }
0x5e: {  	[sflag:s23] =	ssyncset.done $0x0  }
0x5f: {  	s0 =	sadd.s32 $0x2000, s29;
	[sflag:s23] =	ssyncadd.s32 $0xFFFFC000  }
0x60: {  	[spmem:s2] =	stream.indirect.scatter.add.f32 [tilespmem:s21], [sflag:$0x4], $0x80, s0, s20, $0xb8;
	[tilespmem:$0x1FC00] =	vst v63  }
0x61: {  	_ =	swait.ge [sflag:s17], $0x4000  }
0x62: {  	[sflag:s17] =	ssyncset.done $0x0  }
0x63: {  	s0 =	sadd.s32 $0x100, s29;
	[sflag:s17] =	ssyncadd.s32 $0xFFFFC000  }
0x64: {  	[tilespmem:s21], [sflag:$0x1] =	stream.indirect.gather [hbm4b:s4+s20], $0x80, s0, s20, $0xb8;
	[tilespmem:$0x1FC00] =	vst v63  }
0x65: {  	_ =	swait.ge [sflag:s24], $0x4000  }
.Ltmp3:
0x66: {  	[sflag:s24] =	ssyncset.done $0x0;
	(pc) =	sbr.rel @p1 .LBB2_7-.Ltmp3, $4  }
0x67: {  	s0 =	sadd.s32 $0x2080, s29;
	[sflag:s24] =	ssyncadd.s32 $0xFFFFC000  }
0x68: {  	[spmem:s2] =	stream.indirect.scatter.add.f32 [tilespmem:s22], [sflag:$0x4], $0x80, s0, s20, $0xb8;
	[tilespmem:$0x1FC00] =	vst v63  }
0x69: {  	_ =	swait.ge [sflag:s17], $0x4000  }
0x6a: {  	s30 =	smov.u32 s31;
	s29 =	sshra.s32 s1, $0x2;
	[sflag:s17] =	ssyncset.done $0x0  }
0x6b: {  	s0 =	sadd.s32 $0x80, s29;
	[sflag:s17] =	ssyncadd.s32 $0xFFFFC000  }
0x6c: {  	[tilespmem:s22], [sflag:$0x2] =	stream.indirect.gather [hbm4b:s4+s20], $0x80, s0, s20, $0xb8;
	[tilespmem:$0x1FC00] =	vst v63  }
0x6d: {  	_ =	swait.ge [sflag:s23], $0x4000  }
0x6e: {  	[sflag:s23] =	ssyncset.done $0x0  }
0x6f: {  	s1 =	sadd.s32 $0x2000, s29;
	[sflag:s23] =	ssyncadd.s32 $0xFFFFC000  }
0x70: {  	[spmem:s2] =	stream.indirect.scatter.add.f32 [tilespmem:s21], [sflag:$0x4], $0x80, s1, s20, $0xb8;
	[tilespmem:$0x1FC00] =	vst v63  }
0x71: {  	_ =	swait.ge [sflag:s17], $0x4000  }
0x72: {  	[sflag:s17] =	ssyncset.done $0x0  }
0x73: {  	s31 =	sadd.s32 $0x100, s29;
	[sflag:s17] =	ssyncadd.s32 $0xFFFFC000  }
0x74: {  	[tilespmem:s21], [sflag:$0x1] =	stream.indirect.gather [hbm4b:s4+s20], $0x80, s31, s20, $0xb8;
	[tilespmem:$0x1FC00] =	vst v63  }
0x75: {  	_ =	swait.ge [sflag:s24], $0x4000  }
0x76: {  	[sflag:s24] =	ssyncset.done $0x0  }
0x77: {  	s1 =	sadd.s32 $0x2080, s29;
	[sflag:s24] =	ssyncadd.s32 $0xFFFFC000  }
0x78: {  	[spmem:s2] =	stream.indirect.scatter.add.f32 [tilespmem:s22], [sflag:$0x4], $0x80, s1, s20, $0xb8;
	[tilespmem:$0x1FC00] =	vst v63  }
0x79: {  	_ =	swait.ge [sflag:s17], $0x4000  }
0x7a: {  	[sflag:s17] =	ssyncset.done $0x0  }
0x7b: {  	[sflag:s17] =	ssyncadd.s32 $0xFFFFC000  }
0x7c: {  	[tilespmem:s22], [sflag:$0x2] =	stream.indirect.gather [hbm4b:s4+s20], $0x80, s25, s20, $0xb8;
	[tilespmem:$0x1FC00] =	vst v63  }
0x7d: {  	_ =	swait.ge [sflag:s23], $0x4000  }
0x7e: {  	[sflag:s23] =	ssyncset.done $0x0  }
0x7f: {  	[sflag:s23] =	ssyncadd.s32 $0xFFFFC000  }
0x80: {  	[spmem:s2] =	stream.indirect.scatter.add.f32 [tilespmem:s21], [sflag:$0x4], $0x80, s26, s20, $0xb8;
	[tilespmem:$0x1FC00] =	vst v63  }
0x81: {  	_ =	swait.ge [sflag:s17], $0x4000  }
0x82: {  	[sflag:s17] =	ssyncset.done $0x0  }
0x83: {  	[sflag:s17] =	ssyncadd.s32 $0xFFFFC000  }
0x84: {  	_ =	swait.ge [sflag:s24], $0x4000  }
0x85: {  	[sflag:s24] =	ssyncset.done $0x0  }
0x86: {  	[sflag:s24] =	ssyncadd.s32 $0xFFFFC000  }
0x87: {  	[spmem:s2] =	stream.indirect.scatter.add.f32 [tilespmem:s22], [sflag:$0x4], $0x80, s28, s20, $0xb8;
	[tilespmem:$0x1FC00] =	vst v63  }
0x88: {  	_ =	swait.ge [sflag:s17], $0x4000  }
0x89: {  	[sflag:s17] =	ssyncset.done $0x0  }
0x8a: {  	s31 =	simm.s32 $0x0;
	[sflag:s17] =	ssyncadd.s32 $0xFFFFC000  }
0x8b: {  	[tilespmem:s31], [sflag:$0x4] =	stream.linear.gather [hbm4b:s10+s31], $0x2000, $0x38;
	[tilespmem:$0x1FC00] =	vst v63  }
0x8c: {  	_ =	swait.ge [sflag:s17], $0x2000  }
0x8d: {  	[sflag:s17] =	ssyncset.done $0x0  }
0x8e: {  	[sflag:s17] =	ssyncadd.s32 $0xFFFFE000  }
0x8f: {  	[tilespmem:s18], [sflag:$0x4] =	stream.linear.gather [hbm4b:s11+s31], $0x2000, $0x38;
	[tilespmem:$0x1FC00] =	vst v63  }
0x90: {  	_ =	swait.ge [sflag:s17], $0x2000  }
0x91: {  	[sflag:s17] =	ssyncset.done $0x0  }
0x92: {  	[sflag:s17] =	ssyncadd.s32 $0xFFFFE000  }
0x93: {  	[tilespmem:s21], [sflag:$0x1] =	stream.indirect.gather [hbm4b:s4+s20], $0x80, s31, s20, $0xb8;
	[tilespmem:$0x1FC00] =	vst v63  }
0x94: {  	s1 =	simm.s32 $0x80  }
0x95: {  	[tilespmem:s22], [sflag:$0x2] =	stream.indirect.gather [hbm4b:s4+s20], $0x80, s1, s20, $0xb8;
	[tilespmem:$0x1FC00] =	vst v63  }
0x96: {  	_ =	swait.ge [sflag:s23], $0x4000  }
0x97: {  	[sflag:s23] =	ssyncset.done $0x0  }
0x98: {  	s31 =	simm.s32 $0x2000;
	[sflag:s23] =	ssyncadd.s32 $0xFFFFC000  }
0x99: {  	[spmem:s2] =	stream.indirect.scatter.add.f32 [tilespmem:s21], [sflag:$0x4], $0x80, s31, s20, $0xb8;
	[tilespmem:$0x1FC00] =	vst v63  }
0x9a: {  	_ =	swait.ge [sflag:s17], $0x4000  }
0x9b: {  	[sflag:s17] =	ssyncset.done $0x0  }
0x9c: {  	s1 =	simm.s32 $0x100;
	[sflag:s17] =	ssyncadd.s32 $0xFFFFC000  }
0x9d: {  	[tilespmem:s21], [sflag:$0x1] =	stream.indirect.gather [hbm4b:s4+s20], $0x80, s1, s20, $0xb8;
	[tilespmem:$0x1FC00] =	vst v63  }
0x9e: {  	_ =	swait.ge [sflag:s24], $0x4000  }
0x9f: {  	[sflag:s24] =	ssyncset.done $0x0  }
0xa0: {  	s31 =	simm.s32 $0x2080;
	[sflag:s24] =	ssyncadd.s32 $0xFFFFC000  }
0xa1: {  	[spmem:s2] =	stream.indirect.scatter.add.f32 [tilespmem:s22], [sflag:$0x4], $0x80, s31, s20, $0xb8;
	[tilespmem:$0x1FC00] =	vst v63  }
0xa2: {  	_ =	swait.ge [sflag:s17], $0x4000  }
0xa3: {  	s30 =	simm.s32 $0x800;
	s29 =	simm.s32 $0x100;
	[sflag:s17] =	ssyncset.done $0x0  }
.LBB2_9:
0xa4: {  	s0 =	sadd.s32 $0x80, s29  }
0xa5: {  	[sflag:s17] =	ssyncadd.s32 $0xFFFFC000;
	s1 =	smov.u32 s30;
	s31 =	sadd.s32 $0x400, s30  }
0xa6: {  	[tilespmem:s22], [sflag:$0x2] =	stream.indirect.gather [hbm4b:s4+s20], $0x80, s0, s20, $0xb8;
	[tilespmem:$0x1FC00] =	vst v63  }
0xa7: {  	p1 =	sne.s32 s30, $0x7800;
	_ =	swait.ge [sflag:s23], $0x4000  }
0xa8: {  	[sflag:s23] =	ssyncset.done $0x0  }
0xa9: {  	s0 =	sadd.s32 $0x2000, s29;
	[sflag:s23] =	ssyncadd.s32 $0xFFFFC000  }
0xaa: {  	[spmem:s2] =	stream.indirect.scatter.add.f32 [tilespmem:s21], [sflag:$0x4], $0x80, s0, s20, $0xb8;
	[tilespmem:$0x1FC00] =	vst v63  }
0xab: {  	_ =	swait.ge [sflag:s17], $0x4000  }
0xac: {  	[sflag:s17] =	ssyncset.done $0x0  }
0xad: {  	s0 =	sadd.s32 $0x100, s29;
	[sflag:s17] =	ssyncadd.s32 $0xFFFFC000  }
0xae: {  	[tilespmem:s21], [sflag:$0x1] =	stream.indirect.gather [hbm4b:s4+s20], $0x80, s0, s20, $0xb8;
	[tilespmem:$0x1FC00] =	vst v63  }
0xaf: {  	_ =	swait.ge [sflag:s24], $0x4000  }
.Ltmp4:
0xb0: {  	[sflag:s24] =	ssyncset.done $0x0;
	(pc) =	sbr.rel @p1 .LBB2_9-.Ltmp4, $4  }
0xb1: {  	s0 =	sadd.s32 $0x2080, s29;
	[sflag:s24] =	ssyncadd.s32 $0xFFFFC000  }
0xb2: {  	[spmem:s2] =	stream.indirect.scatter.add.f32 [tilespmem:s22], [sflag:$0x4], $0x80, s0, s20, $0xb8;
	[tilespmem:$0x1FC00] =	vst v63  }
0xb3: {  	_ =	swait.ge [sflag:s17], $0x4000  }
0xb4: {  	s30 =	smov.u32 s31;
	s29 =	sshra.s32 s1, $0x2;
	[sflag:s17] =	ssyncset.done $0x0  }
0xb5: {  	s0 =	sadd.s32 $0x80, s29;
	[sflag:s17] =	ssyncadd.s32 $0xFFFFC000  }
0xb6: {  	[tilespmem:s22], [sflag:$0x2] =	stream.indirect.gather [hbm4b:s4+s20], $0x80, s0, s20, $0xb8;
	[tilespmem:$0x1FC00] =	vst v63  }
0xb7: {  	_ =	swait.ge [sflag:s23], $0x4000  }
0xb8: {  	[sflag:s23] =	ssyncset.done $0x0  }
0xb9: {  	s1 =	sadd.s32 $0x2000, s29;
	[sflag:s23] =	ssyncadd.s32 $0xFFFFC000  }
0xba: {  	[spmem:s2] =	stream.indirect.scatter.add.f32 [tilespmem:s21], [sflag:$0x4], $0x80, s1, s20, $0xb8;
	[tilespmem:$0x1FC00] =	vst v63  }
0xbb: {  	_ =	swait.ge [sflag:s17], $0x4000  }
0xbc: {  	[sflag:s17] =	ssyncset.done $0x0  }
0xbd: {  	s1 =	sadd.s32 $0x100, s29;
	[sflag:s17] =	ssyncadd.s32 $0xFFFFC000  }
0xbe: {  	[tilespmem:s21], [sflag:$0x1] =	stream.indirect.gather [hbm4b:s4+s20], $0x80, s1, s20, $0xb8;
	[tilespmem:$0x1FC00] =	vst v63  }
0xbf: {  	_ =	swait.ge [sflag:s24], $0x4000  }
0xc0: {  	[sflag:s24] =	ssyncset.done $0x0  }
.Ltmp5:
0xc1: {  	s1 =	sadd.s32 $0x2080, s29;
	[sflag:s24] =	ssyncadd.s32 $0xFFFFC000;
	(pc) =	sbr.rel .LBB2_11-.Ltmp5, $4  }
0xc2: {  	[spmem:s2] =	stream.indirect.scatter.add.f32 [tilespmem:s22], [sflag:$0x4], $0x80, s1, s20, $0xb8;
	[tilespmem:$0x1FC00] =	vst v63  }
0xc3: {  	_ =	swait.ge [sflag:s17], $0x4000  }
0xc4: {  	s30 =	simm.s32 $0x3F00;
	[sflag:s17] =	ssyncset.done $0x0  }
0xc5: {  	s31 =	simm.s32 $0x1F80;
	s29 =	simm.s32 $0x3F80;
	[sflag:s17] =	ssyncadd.s32 $0xFFFFC000  }
.LBB2_2:
0xc6: {  	s29 =	simm.s32 $0x0  }
0xc7: {  	[tilespmem:s29], [sflag:$0x4] =	stream.linear.gather [hbm4b:s6+s29], $0x1400, $0x38;
	[tilespmem:$0x1FC00] =	vst v63  }
0xc8: {  	_ =	swait.ge [sflag:s17], $0x1400  }
0xc9: {  	[sflag:s17] =	ssyncset.done $0x0  }
0xca: {  	[sflag:s17] =	ssyncadd.s32 $0xFFFFEC00  }
0xcb: {  	[tilespmem:s18], [sflag:$0x4] =	stream.linear.gather [hbm4b:s7+s29], $0x1400, $0x38;
	[tilespmem:$0x1FC00] =	vst v63  }
0xcc: {  	_ =	swait.ge [sflag:s17], $0x1400  }
0xcd: {  	[sflag:s17] =	ssyncset.done $0x0  }
0xce: {  	[sflag:s17] =	ssyncadd.s32 $0xFFFFEC00  }
0xcf: {  	p2 =	por $0x0, $0x0;
	_ =	swait.ge [sflag:s19], $0x2780  }
.Ltmp6:
0xd0: {  	[sflag:s19] =	ssyncset.done $0x0;
	(pc) =	sbr.rel @p2 .LBB2_5-.Ltmp6, $4  }
0xd1: {  	[sflag:s19] =	ssyncadd.s32 $0xFFFFD880  }
0xd2: {  	[bflag:$0x0] =	sbarrier.arrive $0xFFFF  }
0xd3: {  	[tilespmem:s21], [sflag:$0x1] =	stream.indirect.gather [hbm4b:s4+s20], $0x80, s29, s20, $0xb8;
	[tilespmem:$0x1FC00] =	vst v63  }
0xd4: {  	p1 =	por $0x0, $0x0;
	s29 =	simm.s32 $0x0  }
0xd5: {  	s29 =	simm.s32 $0x80  }
0xd6: {  	[tilespmem:s22], [sflag:$0x2] =	stream.indirect.gather [hbm4b:s4+s20], $0x80, s29, s20, $0xb8;
	[tilespmem:$0x1FC00] =	vst v63  }
0xd7: {  	_ =	swait.ge [sflag:s23], $0x4000  }
0xd8: {  	[sflag:s23] =	ssyncset.done $0x0  }
0xd9: {  	s29 =	simm.s32 $0x2000;
	[sflag:s23] =	ssyncadd.s32 $0xFFFFC000  }
0xda: {  	[spmem:s2] =	stream.indirect.scatter.add.f32 [tilespmem:s21], [sflag:$0x4], $0x80, s29, s20, $0xb8;
	[tilespmem:$0x1FC00] =	vst v63  }
0xdb: {  	_ =	swait.ge [sflag:s17], $0x4000  }
0xdc: {  	[sflag:s17] =	ssyncset.done $0x0  }
0xdd: {  	s29 =	simm.s32 $0x100;
	[sflag:s17] =	ssyncadd.s32 $0xFFFFC000  }
0xde: {  	[tilespmem:s21], [sflag:$0x1] =	stream.indirect.gather [hbm4b:s4+s20], $0x80, s29, s20, $0xb8;
	[tilespmem:$0x1FC00] =	vst v63  }
0xdf: {  	p2 =	por $0x0, $0x0;
	_ =	swait.ge [sflag:s24], $0x4000  }
.Ltmp7:
0xe0: {  	[sflag:s24] =	ssyncset.done $0x0;
	(pc) =	sbr.rel @p2 .LBB2_5-.Ltmp7, $4  }
0xe1: {  	s29 =	simm.s32 $0x2080;
	[sflag:s24] =	ssyncadd.s32 $0xFFFFC000  }
0xe2: {  	[spmem:s2] =	stream.indirect.scatter.add.f32 [tilespmem:s22], [sflag:$0x4], $0x80, s29, s20, $0xb8;
	[tilespmem:$0x1FC00] =	vst v63  }
0xe3: {  	s30 =	simm.s32 $0x800;
	_ =	swait.ge [sflag:s17], $0x4000  }
0xe4: {  	p1 =	por $0x1, $0x1;
	s29 =	simm.s32 $0x100;
	[sflag:s17] =	ssyncset.done $0x0  }
.LBB2_4:
0xe5: {  	s31 =	sadd.s32 $0x80, s29  }
0xe6: {  	[sflag:s17] =	ssyncadd.s32 $0xFFFFC000;
	s0 =	smov.u32 s30;
	s1 =	sadd.s32 $0x400, s30  }
0xe7: {  	[tilespmem:s22], [sflag:$0x2] =	stream.indirect.gather [hbm4b:s4+s20], $0x80, s31, s20, $0xb8;
	[tilespmem:$0x1FC00] =	vst v63  }
0xe8: {  	p2 =	seq.s32 s30, $0x4800;
	_ =	swait.ge [sflag:s23], $0x4000  }
0xe9: {  	[sflag:s23] =	ssyncset.done $0x0  }
0xea: {  	s30 =	sadd.s32 $0x2000, s29;
	[sflag:s23] =	ssyncadd.s32 $0xFFFFC000  }
0xeb: {  	[spmem:s2] =	stream.indirect.scatter.add.f32 [tilespmem:s21], [sflag:$0x4], $0x80, s30, s20, $0xb8;
	[tilespmem:$0x1FC00] =	vst v63  }
0xec: {  	_ =	swait.ge [sflag:s17], $0x4000  }
0xed: {  	[sflag:s17] =	ssyncset.done $0x0  }
0xee: {  	s30 =	sadd.s32 $0x100, s29;
	[sflag:s17] =	ssyncadd.s32 $0xFFFFC000  }
0xef: {  	[tilespmem:s21], [sflag:$0x1] =	stream.indirect.gather [hbm4b:s4+s20], $0x80, s30, s20, $0xb8;
	[tilespmem:$0x1FC00] =	vst v63  }
0xf0: {  	_ =	swait.ge [sflag:s24], $0x4000  }
.Ltmp8:
0xf1: {  	[sflag:s24] =	ssyncset.done $0x0;
	(pc) =	sbr.rel @!p2 .LBB2_4-.Ltmp8, $4  }
0xf2: {  	s29 =	sadd.s32 $0x2080, s29;
	[sflag:s24] =	ssyncadd.s32 $0xFFFFC000  }
0xf3: {  	[spmem:s2] =	stream.indirect.scatter.add.f32 [tilespmem:s22], [sflag:$0x4], $0x80, s29, s20, $0xb8;
	[tilespmem:$0x1FC00] =	vst v63  }
0xf4: {  	_ =	swait.ge [sflag:s17], $0x4000  }
0xf5: {  	s30 =	smov.u32 s1;
	s29 =	sshra.s32 s0, $0x2;
	[sflag:s17] =	ssyncset.done $0x0  }
.Ltmp9:
0xf6: {  	_ = 	snop;
	(pc) =	sbr.rel .LBB2_5-.Ltmp9, $1  }
0xf7: {  	_ =	sdelay $0x3  }
.LBB2_12:
0xf8: {  	_ =	sfence.sel $0x180000  }
0xf9: {  	[bflag:$0x0] =	sbarrier.arrive $0xFFFF  }
0xfa: {  	_ =	strace $0x9000004A  }
0xfb: {  	s0 =	stileid.u32;
	[bflag:$0x2] =	sbarrier.arrive $0xFFFF  }
0xfc: {  	p0 =	sne.s32 s0, $0x0;
	s0 =	rddreg [dreg:$0x2]  }
0xfd: {  	s0 =	sadd.s32 @!p0 $0x100000, s0  }
0xfe: {  	[sflag:s0] =	ssyncadd.tile.s32 @!p0 $0x1;
	_ =	shalt  }
.Lfunc_end2:
_tile_overlayer_lowered:
.L_overlay_start_2:
0xff: {  	(tag) =	ssettag $0x2  }
0x100: {  	s0 =	rddreg [dreg:$0x0];
	s2 =	stileid.u32  }
0x101: {  	s1 =	rddreg [dreg:$0x1];
	p0 =	sne.s32 s2, $0x0  }
0x102: {  	s3 =	rddreg [dreg:$0x2];
	[bflag:$0x3] =	sbarrier.arrive $0xFFFF;
	s2 =	simm.s32 @!p0 $0x1C04  }
0x103: {  	[timem:s3], [sflag:s2] =	dma.local @!p0 [hbm:s0], s1  }
0x104: {  	s0 =	simm.s32 @!p0 $0x4  }
0x105: {  	_ =	swait.ge @!p0 [sflag:s0], s1  }
0x106: {  	s1 =	ssub.s32 @!p0 $0x0, s1;
	[sflag:s0] =	ssyncset.done @!p0 $0x0  }
0x107: {  	[sflag:s0] =	ssyncadd.s32 @!p0 s1  }
0x108: {  	[bflag:$0x3] =	sbarrier.arrive $0xFFFF  }
0x109: {  	_ =	shalt  }

// kernel: kernel.16.cloned.1.call-start
scs
__scs_entry_jumppad:
0x0: {  	(pc) =	sbr.rel $0x88, $3  }
0x1: {  	(tag) =	ssettag $0x0;
	lr =	simm.s32 $0x1  }
0x2: {  	[smem:$0x3F94] =	sst lr;
	_ =	strace $0xD0000000  }
0x3: {  	_ = 	snop  }
0x4: {  	_ = 	snop  }
0x5: {  	_ = 	snop  }
0x6: {  	_ = 	snop  }
0x7: {  	_ = 	snop  }
__scs_overlays_trampoline_lowered:
0x8: {  	[smem:$0x3FA3] =	sst s0  }
0x9: {  	[smem:$0x3FA4] =	sst s1  }
0xa: {  	[smem:$0x3FA5] =	sst s2  }
0xb: {  	[smem:$0x3FA6] =	sst s3  }
0xc: {  	[smem:$0x3FA7] =	sst s4  }
0xd: {  	[smem:$0x3FA8] =	sst s5  }
0xe: {  	[smem:$0x3FA9] =	sst s6  }
0xf: {  	[smem:$0x3FAA] =	sst s7  }
0x10: {  	[smem:$0x3FAB] =	sst s8  }
0x11: {  	[smem:$0x3FAC] =	sst s9;
	s0 =	simm.s32 @!p0 $0x0  }
0x12: {  	s1 =	sld [smem:$0x3F92];
	s0 =	simm.s32 @p0 $0x1  }
0x13: {  	[smem:$0x3FAD] =	sst s0;
	s0 =	simm.s32 @!p1 $0x0  }
0x14: {  	s2 =	sld [smem:$0x3F91];
	s0 =	simm.s32 @p1 $0x1  }
0x15: {  	[smem:$0x3FAE] =	sst s0;
	s0 =	simm.s32 @!p2 $0x0  }
0x16: {  	s3 =	sld [smem:$0x3FDB];
	s0 =	simm.s32 @p2 $0x1  }
0x17: {  	s4 =	simm.s32 $0x1BF5;
	[smem:$0x3FB0] =	sst s0  }
0x18: {  	s0 =	sld [smem:$0x3F93];
	_ =	swait.ge [sflag:s4], $0x0  }
0x19: {  	s7 =	sld [smem:$0x3F94]  }
0x1a: {  	s8 =	sadd.s32 $0xFFFFE003, lr  }
0x1b: {  	s9 =	sadd.s32 $0xFFFFFEF7, lr;
	s5 =	simm.s32 $0xFFFFFFFF;
	p2 =	slt.u32 s8, $0xFFFFF086  }
0x1c: {  	p1 =	slt.u32 s9, $0xF7A;
	s5 =	simm.s32 @!p2 $0x0  }
0x1d: {  	s5 =	simm.s32 @p1 $0x1;
	p0 =	seq.s32 s7, s2  }
0x1e: {  	s7 =	smul.u32 @!p0 $0xF7A, s2;
	p2 =	seq.s32 @!p0 s5, $0x0  }
0x1f: {  	s9 =	smul.u32 $0xF7A, s1;
	s8 =	simm.s32 @!p0 $0x1BF5;
	p2 =	por !p2, p0  }
0x20: {  	[sflag:s8] =	ssyncset.s32 @!p0 $0xFFFFF086;
	s6 =	sadd.s32 @!p0 s3, s7;
	s7 =	simm.s32 @!p0 $0x108  }
0x21: {  	s3 =	sadd.s32 s3, s9;
	s6 =	sadd.s32 @!p0 $0x88, s6;
	s7 =	simm.s32 @p2 $0x1082  }
0x22: {  	[simem:s7], [sflag:s8] =	dma.local @!p0 [hbm:s6], $0xF7A  }
0x23: {  	s9 =	sor.u32 $0xD0000000, s2;
	s6 =	simm.s32 $0x108;
	_ =	swait.ge @!p0 [sflag:s8], $0x0  }
0x24: {  	s3 =	sadd.s32 $0x88, s3;
	s6 =	simm.s32 @!p1 $0x1082;
	[sflag:s4] =	ssyncset.s32 $0xFFFFF086  }
0x25: {  	[simem:s6], [sflag:s4] =	dma.local [hbm:s3], $0xF7A  }
0x26: {  	[smem:$0x3F94] =	sst s1;
	(tag) =	ssettag s2;
	_ =	strace s9  }
0x27: {  	s1 =	sld [smem:$0x3FA4]  }
0x28: {  	s2 =	sld [smem:$0x3FA5]  }
0x29: {  	s4 =	sld [smem:$0x3FA7]  }
0x2a: {  	p0 =	seq.s32 s5, $0x0;
	s5 =	sld [smem:$0x3FA8]  }
0x2b: {  	s6 =	sld [smem:$0x3FA9]  }
0x2c: {  	s7 =	sld [smem:$0x3FAA]  }
0x2d: {  	s3 =	simm.s32 $0x108;
	s8 =	sld [smem:$0x3FAB]  }
0x2e: {  	s3 =	simm.s32 @!p0 $0x1082;
	s9 =	sld [smem:$0x3FAC]  }
0x2f: {  	lr =	sadd.s32 s0, s3;
	s0 =	sld [smem:$0x3FA3]  }
0x30: {  	s3 =	sld [smem:$0x3FA6]  }
0x31: {  	[smem:$0x3FAF] =	sst s10  }
0x32: {  	s10 =	sld [smem:$0x3FAD];
	_ =	sdelay $0x3  }
0x33: {  	p0 =	seq.s32 s10, $0x1;
	s10 =	sld [smem:$0x3FAF];
	_ =	sdelay $0x3  }
0x34: {  	[smem:$0x3FAF] =	sst s10  }
0x35: {  	s10 =	sld [smem:$0x3FAE];
	_ =	sdelay $0x3  }
0x36: {  	p1 =	seq.s32 s10, $0x1;
	s10 =	sld [smem:$0x3FAF];
	_ =	sdelay $0x3  }
0x37: {  	[smem:$0x3FAF] =	sst s10  }
0x38: {  	s10 =	sld [smem:$0x3FB0]  }
0x39: {  	_ = 	snop;
	(pc) =	sbr.ind lr, $3  }
0x3a: {  	_ = 	snop  }
0x3b: {  	_ = 	snop  }
0x3c: {  	p2 =	seq.s32 s10, $0x1;
	s10 =	sld [smem:$0x3FAF]  }
0x3d: {  	_ =	shalt  }
0x3e: {  	_ =	shalt  }
0x3f: {  	_ =	shalt  }
0x40: {  	_ =	shalt  }
0x41: {  	_ =	shalt  }
0x42: {  	_ =	shalt  }
0x43: {  	_ =	shalt  }
0x44: {  	_ =	shalt  }
0x45: {  	_ =	shalt  }
0x46: {  	_ =	shalt  }
0x47: {  	_ =	shalt  }
0x48: {  	_ =	shalt  }
0x49: {  	_ =	shalt  }
0x4a: {  	_ =	shalt  }
0x4b: {  	_ =	shalt  }
0x4c: {  	_ =	shalt  }
0x4d: {  	_ =	shalt  }
0x4e: {  	_ =	shalt  }
0x4f: {  	_ =	shalt  }
0x50: {  	_ =	shalt  }
0x51: {  	_ =	shalt  }
0x52: {  	_ =	shalt  }
0x53: {  	_ =	shalt  }
0x54: {  	_ =	shalt  }
0x55: {  	_ =	shalt  }
0x56: {  	_ =	shalt  }
0x57: {  	_ =	shalt  }
0x58: {  	_ =	shalt  }
0x59: {  	_ =	shalt  }
0x5a: {  	_ =	shalt  }
0x5b: {  	_ =	shalt  }
0x5c: {  	_ =	shalt  }
0x5d: {  	_ =	shalt  }
0x5e: {  	_ =	shalt  }
0x5f: {  	_ =	shalt  }
0x60: {  	_ =	shalt  }
0x61: {  	_ =	shalt  }
0x62: {  	_ =	shalt  }
0x63: {  	_ =	shalt  }
0x64: {  	_ =	shalt  }
0x65: {  	_ =	shalt  }
0x66: {  	_ =	shalt  }
0x67: {  	_ =	shalt  }
0x68: {  	_ =	shalt  }
0x69: {  	_ =	shalt  }
0x6a: {  	_ =	shalt  }
0x6b: {  	_ =	shalt  }
0x6c: {  	_ =	shalt  }
0x6d: {  	_ =	shalt  }
0x6e: {  	_ =	shalt  }
0x6f: {  	_ =	shalt  }
0x70: {  	_ =	shalt  }
0x71: {  	_ =	shalt  }
0x72: {  	_ =	shalt  }
0x73: {  	_ =	shalt  }
0x74: {  	_ =	shalt  }
0x75: {  	_ =	shalt  }
0x76: {  	_ =	shalt  }
0x77: {  	_ =	shalt  }
0x78: {  	_ =	shalt  }
0x79: {  	_ =	shalt  }
0x7a: {  	_ =	shalt  }
0x7b: {  	_ =	shalt  }
0x7c: {  	_ =	shalt  }
0x7d: {  	_ =	shalt  }
0x7e: {  	_ =	shalt  }
0x7f: {  	_ =	shalt  }
0x80: {  	_ =	shalt  }
0x81: {  	_ =	shalt  }
0x82: {  	_ =	shalt  }
0x83: {  	_ =	shalt  }
0x84: {  	_ =	shalt  }
0x85: {  	_ =	shalt  }
0x86: {  	_ =	shalt  }
0x87: {  	_ =	shalt  }
.Lfunc_end0:
.L_simem_size_0:
called_computation.2_lowered:
.L_overlay_start_0:
0x88: {  	s2 =	sld [smem:$0x3FD9]  }
0x89: {  	s3 =	sld [smem:$0x3FFE];
	_ =	sdelay $0x1  }
0x8a: {  	s1 =	srdreg.scid  }
0x8b: {  	s0 =	sand.u32 $0x1, s1  }
0x8c: {  	s16 =	sshll.u32 s0, $0xA;
	s2 =	sadd.s32 s3, s2  }
0x8d: {  	s2 =	sadd.s32 s2, s16  }
0x8e: {  	[smem:$0x3FBB] =	sst s2  }
0x8f: {  	_ = 	snop  }
0x90: {  	(tm) =	ssettm $0x1  }
0x91: {  	s17 =	sld [smem:$0x3FFB];
	_ =	sdelay $0x3  }
0x92: {  	_ =	strace s17  }
0x93: {  	s2 =	sld [smem:$0x3FFC];
	_ =	sdelay $0x3  }
0x94: {  	_ =	strace s2  }
0x95: {  	s2 =	sld [smem:$0x3FFD];
	_ =	sdelay $0x3  }
0x96: {  	_ =	strace s2  }
0x97: {  	_ =	strace $0x8FFFFFFF  }
0x98: {  	s18 =	sld [smem:$0x3FDB];
	_ =	sdelay $0x1  }
0x99: {  	s19 =	simm.s32 $_scs_section_size  }
0x9a: {  	s4 =	simm.s32 $_size__tile_overlayer_lowered;
	s5 =	simm.s32 $_tile_overlayer_lowered  }
0x9b: {  	s22 =	simm.s32 $0x1BFF;
	s21 =	sshll.u32 s5, $0x1;
	s2 =	sadd.s32 s19, s18  }
0x9c: {  	s6 =	simm.s32 $0x0;
	s20 =	sshll.u32 s4, $0x1;
	s4 =	sadd.s32 s21, s2  }
0x9d: {  	[timem:s6], [sflag:s22] =	dma.local [hbm:s4], s20  }
0x9e: {  	_ =	swait.ge [sflag:s22], s20  }
0x9f: {  	s3 =	ssub.s32 $0x0, s20;
	[sflag:s22] =	ssyncset.done $0x0  }
0xa0: {  	[sflag:s22] =	ssyncadd.s32 s3;
	_ =	sdelay $0x1  }
0xa1: {  	s23 =	simm.s32 $0x1B8B  }
0xa2: {  	_ =	swait.ge [sflag:s23], $0x1  }
0xa3: {  	[sflag:s23] =	ssyncset.done $0x0  }
0xa4: {  	s25 =	simm.s32 $0x1B8E;
	s24 =	sld [smem:$0x3FFE];
	[sflag:s23] =	ssyncadd.s32 $0xFFFFFFFF  }
0xa5: {  	s26 =	simm.s32 $execute0_lowered;
	[smem:$0x3FD2] =	sst s25  }
0xa6: {  	s4 =	sshll.u32 s26, $0x1;
	_ =	strace $0x8000004C;
	[dreg:$0x1] =	wrdreg $0xFFFFFFFF  }
0xa7: {  	s28 =	simm.s32 $_size_execute0_lowered;
	s2 =	sadd.s32 s2, s4;
	[dreg:$0x0] =	wrdreg $0x0  }
0xa8: {  	s4 =	sshll.u32 s28, $0x1;
	[dreg:$0x2] =	wrdreg s2  }
0xa9: {  	[dreg:$0x3] =	wrdreg s4  }
0xaa: {  	[dreg:$0x4] =	wrdreg $0xC0  }
0xab: {  	_ =	task [dreg:s6], $0x5FFFF  }
0xac: {  	[dreg:$0x1] =	wrdreg $0xFFFFFFFF  }
0xad: {  	[dreg:$0x0] =	wrdreg $0x60  }
0xae: {  	[dreg:$0x2] =	wrdreg s24  }
0xaf: {  	[dreg:$0x3] =	wrdreg $0xC0000  }
0xb0: {  	[dreg:$0x4] =	wrdreg $0x9  }
0xb1: {  	_ =	task.clear_ibuf [dreg:s6], $0x5FFFF;
	_ =	strace $0x9000004C  }
0xb2: {  	s29 =	simm.s32 $0x9;
	_ =	strace $0x8000004E  }
0xb3: {  	_ =	swait.ge [sflag:s29], $0x1  }
0xb4: {  	[sflag:s29] =	ssyncadd.s32 $0xFFFFFFFF  }
0xb5: {  	_ =	strace $0x9000004E  }
0xb6: {  	_ =	sfence  }
0xb7: {  	s30 =	sld [smem:$0x0];
	_ =	sdelay $0x2  }
0xb8: {  	s31 =	sshll.u32 s1, $0xD;
	s1 =	sshrl.u32 s1, $0x2  }
0xb9: {  	s3 =	sand.u32 $0x4000, s31;
	s1 =	sadd.s32 s1, s30  }
0xba: {  	s0 =	sor.u32 s3, s0;
	s1 =	sshll.u32 s1, $0x11  }
0xbb: {  	s0 =	sor.u32 s1, s0  }
0xbc: {  	s0 =	sadd.s32 $0x8F2B, s0  }
0xbd: {  	[sflag:s0] =	ssyncadd.remote.s32 $0x1  }
0xbe: {  	_ =	sfence.sel $0xFFFF  }
0xbf: {  	[dreg:$0x0] =	wrdreg $0xFFFFFFFF;
	(pc) =	sbr.abs _section_cstart, $3  }
0xc0: {  	[dreg:$0x1] =	wrdreg $0xFFFFFFFF  }
0xc1: {  	_ =	task.clear_ibuf [dreg:s6], $0x2FFFF;
	_ =	strace $0x9FFFFFFF  }
0xc2: {  	(tm) =	ssettm $0x7FFFFFFF  }
0xc3: {  	_ =	shalt  }
tec
execute0_lowered:
.L_overlay_start_1:
0x0: {  	(tag) =	ssettag $0x1  }
0x1: {  	s5 =	rddreg [dreg:$0x0]  }
0x2: {  	s2 =	rddreg [dreg:$0x1];
	s0 =	stileid.u32  }
0x3: {  	s4 =	srdreg.scid;
	s3 =	simm.s32 $0x0;
	s17 =	simm.s32 $0x4  }
0x4: {  	s18 =	simm.s32 $0x2000;
	s19 =	simm.s32 $0x3;
	s6 =	smul.u32 $0x2780, s0  }
0x5: {  	s20 =	simm.s32 $0x80;
	s21 =	simm.s32 $0x4000;
	s9 =	smul.u32 $0x13C00, s0  }
0x6: {  	s22 =	simm.s32 $0x8000;
	s23 =	simm.s32 $0x1;
	s13 =	smul.u32 $0x4F000, s0  }
0x7: {  	s28 =	simm.s32 $0x3B80;
	s7 =	sand.u32 $0x1, s4;
	s25 =	smul.u32 $0x5000, s0  }
0x8: {  	[smem:$0x7FF] =	sst s3;
	s4 =	sadd.s32 $0x17400, s5;
	s29 =	smul.u32 $0xA00, s0  }
0x9: {  	s10 =	sadd.s32 $0x3400, s5;
	s11 =	sadd.s32 $0xD400, s5;
	s8 =	smul.u32 $0x13C000, s7  }
0xa: {  	_ =	strace $0x8000004D;
	s24 =	ssub.s32 $0x2, s7;
	p0 =	seq.s32 s7, $0x1  }
0xb: {  	s6 =	sadd.s32 s6, s5;
	s12 =	sshrl.u32 s24, $0x1;
	s26 =	sshrl.u32 s13, $0x2  }
0xc: {  	s30 =	sshrl.u32 s25, $0x3;
	s7 =	sadd.s32 s11, s29;
	s25 =	simm.s32 $0x1B80  }
0xd: {  	s8 =	sadd.s32 s9, s8;
	s15 =	ssub.s32 s24, s12;
	s16 =	sadd.s32 s26, s2  }
0xe: {  	s31 =	sadd.s32 $0x280, s30;
	s12 =	sadd.s32 $0x600, s30;
	s24 =	simm.s32 $0x2  }
.Ltmp0:
0xf: {  	s26 =	simm.s32 $0x3B00;
	s8 =	sshrl.u32 s8, $0x3;
	(pc) =	sbr.rel .LBB2_1-.Ltmp0, $4  }
0x10: {  	s9 =	sadd.s32 s11, s31;
	s11 =	sadd.s32 s11, s12;
	s16 =	sshrl.u32 s16, $0x3  }
0x11: {  	s14 =	sadd.s32 s8, s5;
	s5 =	sadd.s32 $0x3E600, s6;
	s6 =	sadd.s32 s10, s29  }
0x12: {  	s8 =	sadd.s32 s10, s31;
	s10 =	sadd.s32 s10, s12;
	s12 =	sshll.u32 s0, $0x6  }
0x13: {  	s13 =	sadd.s32 $0x65E00, s14;
	s14 =	smax.u32 s15, $0x1;
	s15 =	sor.u32 $0x1C03, s12  }
.LBB2_5:
0x14: {  	s0 =	sadd.s32 $0x80, s29;
	[sflag:s17] =	ssyncadd.s32 @p1 $0xFFFFC000  }
0x15: {  	[tilespmem:s22], [sflag:$0x2] =	stream.indirect.gather [hbm4b:s4+s20], $0x80, s0, s20, $0xb8;
	[tilespmem:$0x1FC00] =	vst v63  }
0x16: {  	_ =	swait.ge [sflag:s23], $0x4000  }
0x17: {  	[sflag:s23] =	ssyncset.done $0x0  }
0x18: {  	s1 =	sadd.s32 $0x2000, s29;
	[sflag:s23] =	ssyncadd.s32 $0xFFFFC000  }
0x19: {  	[spmem:s2] =	stream.indirect.scatter.add.f32 [tilespmem:s21], [sflag:$0x4], $0x80, s1, s20, $0xb8;
	[tilespmem:$0x1FC00] =	vst v63  }
0x1a: {  	_ =	swait.ge [sflag:s17], $0x4000  }
0x1b: {  	[sflag:s17] =	ssyncset.done $0x0  }
0x1c: {  	s1 =	sadd.s32 $0x100, s29;
	[sflag:s17] =	ssyncadd.s32 $0xFFFFC000  }
0x1d: {  	[tilespmem:s21], [sflag:$0x1] =	stream.indirect.gather [hbm4b:s4+s20], $0x80, s1, s20, $0xb8;
	[tilespmem:$0x1FC00] =	vst v63  }
0x1e: {  	_ =	swait.ge [sflag:s24], $0x4000  }
0x1f: {  	[sflag:s24] =	ssyncset.done $0x0  }
0x20: {  	s1 =	sadd.s32 $0x2080, s29;
	[sflag:s24] =	ssyncadd.s32 $0xFFFFC000  }
0x21: {  	[spmem:s2] =	stream.indirect.scatter.add.f32 [tilespmem:s22], [sflag:$0x4], $0x80, s1, s20, $0xb8;
	[tilespmem:$0x1FC00] =	vst v63  }
0x22: {  	_ =	swait.ge [sflag:s17], $0x4000  }
0x23: {  	s30 =	simm.s32 $0x3300;
	[sflag:s17] =	ssyncset.done $0x0  }
0x24: {  	s31 =	simm.s32 $0x1380;
	s29 =	simm.s32 $0x3380;
	[sflag:s17] =	ssyncadd.s32 $0xFFFFC000  }
.LBB2_11:
0x25: {  	[tilespmem:s22], [sflag:$0x2] =	stream.indirect.gather [hbm4b:s4+s20], $0x80, s31, s20, $0xb8;
	[tilespmem:$0x1FC00] =	vst v63  }
0x26: {  	_ =	swait.ge [sflag:s23], $0x4000  }
0x27: {  	[sflag:s23] =	ssyncset.done $0x0  }
0x28: {  	[sflag:s23] =	ssyncadd.s32 $0xFFFFC000  }
0x29: {  	[spmem:s2] =	stream.indirect.scatter.add.f32 [tilespmem:s21], [sflag:$0x4], $0x80, s30, s20, $0xb8;
	[tilespmem:$0x1FC00] =	vst v63  }
0x2a: {  	_ =	swait.ge [sflag:s17], $0x4000  }
0x2b: {  	[sflag:s17] =	ssyncset.done $0x0  }
0x2c: {  	[sflag:s17] =	ssyncadd.s32 $0xFFFFC000  }
0x2d: {  	_ =	swait.ge [sflag:s24], $0x4000  }
0x2e: {  	[sflag:s24] =	ssyncset.done $0x0  }
0x2f: {  	[sflag:s24] =	ssyncadd.s32 $0xFFFFC000  }
0x30: {  	[spmem:s2] =	stream.indirect.scatter.add.f32 [tilespmem:s22], [sflag:$0x4], $0x80, s29, s20, $0xb8;
	[tilespmem:$0x1FC00] =	vst v63  }
0x31: {  	_ =	swait.ge [sflag:s17], $0x4000  }
0x32: {  	s3 =	sadd.s32 $0x1, s3;
	[sflag:s17] =	ssyncset.done $0x0  }
0x33: {  	p1 =	sne.s32 s3, s14;
	[sflag:s17] =	ssyncadd.s32 $0xFFFFC000  }
.Ltmp1:
0x34: {  	s0 =	sor.u32 $0x1C04, s12;
	[bflag:$0x0] =	sbarrier.arrive $0xFFFF;
	(pc) =	sbr.rel @!p1 .LBB2_12-.Ltmp1, $4  }
0x35: {  	[hbm:s13], [sflag:s0] =	dma.local [spmem:s16], $0x2780  }
0x36: {  	_ =	swait.ge [sflag:s17], $0x2780  }
0x37: {  	[sflag:s17] =	ssyncset.done $0x0  }
0x38: {  	[sflag:s17] =	ssyncadd.s32 $0xFFFFD880  }
.LBB2_1:
.Ltmp2:
0x39: {  	(pc) =	sbr.rel @!p0 .LBB2_2-.Ltmp2, $2  }
0x3a: {  	_ =	sdelay $0x2  }
0x3b: {  	[spmem:s16], [sflag:s15] =	dma.local [hbm:s5], $0x2780  }
0x3c: {  	s0 =	simm.s32 $0x0  }
0x3d: {  	[tilespmem:s0], [sflag:$0x4] =	stream.linear.gather [hbm4b:s8+s0], $0x1C00, $0x38;
	[tilespmem:$0x1FC00] =	vst v63  }
0x3e: {  	_ =	swait.ge [sflag:s17], $0x1C00  }
0x3f: {  	[sflag:s17] =	ssyncset.done $0x0  }
0x40: {  	[sflag:s17] =	ssyncadd.s32 $0xFFFFE400  }
0x41: {  	[tilespmem:s18], [sflag:$0x4] =	stream.linear.gather [hbm4b:s9+s0], $0x1C00, $0x38;
	[tilespmem:$0x1FC00] =	vst v63  }
0x42: {  	_ =	swait.ge [sflag:s17], $0x1C00  }
0x43: {  	[sflag:s17] =	ssyncset.done $0x0  }
0x44: {  	[sflag:s17] =	ssyncadd.s32 $0xFFFFE400  }
0x45: {  	_ =	swait.ge [sflag:s19], $0x2780  }
0x46: {  	[sflag:s19] =	ssyncset.done $0x0  }
0x47: {  	[sflag:s19] =	ssyncadd.s32 $0xFFFFD880  }
0x48: {  	[bflag:$0x0] =	sbarrier.arrive $0xFFFF  }
0x49: {  	[tilespmem:s21], [sflag:$0x1] =	stream.indirect.gather [hbm4b:s4+s20], $0x80, s0, s20, $0xb8;
	[tilespmem:$0x1FC00] =	vst v63  }
0x4a: {  	s1 =	simm.s32 $0x80  }
0x4b: {  	[tilespmem:s22], [sflag:$0x2] =	stream.indirect.gather [hbm4b:s4+s20], $0x80, s1, s20, $0xb8;
	[tilespmem:$0x1FC00] =	vst v63  }
0x4c: {  	_ =	swait.ge [sflag:s23], $0x4000  }
0x4d: {  	[sflag:s23] =	ssyncset.done $0x0  }
0x4e: {  	s31 =	simm.s32 $0x2000;
	[sflag:s23] =	ssyncadd.s32 $0xFFFFC000  }
0x4f: {  	[spmem:s2] =	stream.indirect.scatter.add.f32 [tilespmem:s21], [sflag:$0x4], $0x80, s31, s20, $0xb8;
	[tilespmem:$0x1FC00] =	vst v63  }
0x50: {  	_ =	swait.ge [sflag:s17], $0x4000  }
0x51: {  	[sflag:s17] =	ssyncset.done $0x0  }
0x52: {  	s1 =	simm.s32 $0x100;
	[sflag:s17] =	ssyncadd.s32 $0xFFFFC000  }
0x53: {  	[tilespmem:s21], [sflag:$0x1] =	stream.indirect.gather [hbm4b:s4+s20], $0x80, s1, s20, $0xb8;
	[tilespmem:$0x1FC00] =	vst v63  }
0x54: {  	_ =	swait.ge [sflag:s24], $0x4000  }
0x55: {  	[sflag:s24] =	ssyncset.done $0x0  }
0x56: {  	s31 =	simm.s32 $0x2080;
	[sflag:s24] =	ssyncadd.s32 $0xFFFFC000  }
0x57: {  	[spmem:s2] =	stream.indirect.scatter.add.f32 [tilespmem:s22], [sflag:$0x4], $0x80, s31, s20, $0xb8;
	[tilespmem:$0x1FC00] =	vst v63  }
0x58: {  	_ =	swait.ge [sflag:s17], $0x4000  }
0x59: {  	s30 =	simm.s32 $0x800;
	s29 =	simm.s32 $0x100;
	[sflag:s17] =	ssyncset.done $0x0  }
.LBB2_7:
0x5a: {  	s0 =	sadd.s32 $0x80, s29  }
0x5b: {  	[sflag:s17] =	ssyncadd.s32 $0xFFFFC000;
	s1 =	smov.u32 s30;
	s31 =	sadd.s32 $0x400, s30  }
0x5c: {  	[tilespmem:s22], [sflag:$0x2] =	stream.indirect.gather [hbm4b:s4+s20], $0x80, s0, s20, $0xb8;
	[tilespmem:$0x1FC00] =	vst v63  }
0x5d: {  	p1 =	sne.s32 s30, $0x6800;
	_ =	swait.ge [sflag:s23], $0x4000  }
0x5e: {  	[sflag:s23] =	ssyncset.done $0x0  }
0x5f: {  	s0 =	sadd.s32 $0x2000, s29;
	[sflag:s23] =	ssyncadd.s32 $0xFFFFC000  }
0x60: {  	[spmem:s2] =	stream.indirect.scatter.add.f32 [tilespmem:s21], [sflag:$0x4], $0x80, s0, s20, $0xb8;
	[tilespmem:$0x1FC00] =	vst v63  }
0x61: {  	_ =	swait.ge [sflag:s17], $0x4000  }
0x62: {  	[sflag:s17] =	ssyncset.done $0x0  }
0x63: {  	s0 =	sadd.s32 $0x100, s29;
	[sflag:s17] =	ssyncadd.s32 $0xFFFFC000  }
0x64: {  	[tilespmem:s21], [sflag:$0x1] =	stream.indirect.gather [hbm4b:s4+s20], $0x80, s0, s20, $0xb8;
	[tilespmem:$0x1FC00] =	vst v63  }
0x65: {  	_ =	swait.ge [sflag:s24], $0x4000  }
.Ltmp3:
0x66: {  	[sflag:s24] =	ssyncset.done $0x0;
	(pc) =	sbr.rel @p1 .LBB2_7-.Ltmp3, $4  }
0x67: {  	s0 =	sadd.s32 $0x2080, s29;
	[sflag:s24] =	ssyncadd.s32 $0xFFFFC000  }
0x68: {  	[spmem:s2] =	stream.indirect.scatter.add.f32 [tilespmem:s22], [sflag:$0x4], $0x80, s0, s20, $0xb8;
	[tilespmem:$0x1FC00] =	vst v63  }
0x69: {  	_ =	swait.ge [sflag:s17], $0x4000  }
0x6a: {  	s30 =	smov.u32 s31;
	s29 =	sshra.s32 s1, $0x2;
	[sflag:s17] =	ssyncset.done $0x0  }
0x6b: {  	s0 =	sadd.s32 $0x80, s29;
	[sflag:s17] =	ssyncadd.s32 $0xFFFFC000  }
0x6c: {  	[tilespmem:s22], [sflag:$0x2] =	stream.indirect.gather [hbm4b:s4+s20], $0x80, s0, s20, $0xb8;
	[tilespmem:$0x1FC00] =	vst v63  }
0x6d: {  	_ =	swait.ge [sflag:s23], $0x4000  }
0x6e: {  	[sflag:s23] =	ssyncset.done $0x0  }
0x6f: {  	s1 =	sadd.s32 $0x2000, s29;
	[sflag:s23] =	ssyncadd.s32 $0xFFFFC000  }
0x70: {  	[spmem:s2] =	stream.indirect.scatter.add.f32 [tilespmem:s21], [sflag:$0x4], $0x80, s1, s20, $0xb8;
	[tilespmem:$0x1FC00] =	vst v63  }
0x71: {  	_ =	swait.ge [sflag:s17], $0x4000  }
0x72: {  	[sflag:s17] =	ssyncset.done $0x0  }
0x73: {  	s31 =	sadd.s32 $0x100, s29;
	[sflag:s17] =	ssyncadd.s32 $0xFFFFC000  }
0x74: {  	[tilespmem:s21], [sflag:$0x1] =	stream.indirect.gather [hbm4b:s4+s20], $0x80, s31, s20, $0xb8;
	[tilespmem:$0x1FC00] =	vst v63  }
0x75: {  	_ =	swait.ge [sflag:s24], $0x4000  }
0x76: {  	[sflag:s24] =	ssyncset.done $0x0  }
0x77: {  	s1 =	sadd.s32 $0x2080, s29;
	[sflag:s24] =	ssyncadd.s32 $0xFFFFC000  }
0x78: {  	[spmem:s2] =	stream.indirect.scatter.add.f32 [tilespmem:s22], [sflag:$0x4], $0x80, s1, s20, $0xb8;
	[tilespmem:$0x1FC00] =	vst v63  }
0x79: {  	_ =	swait.ge [sflag:s17], $0x4000  }
0x7a: {  	[sflag:s17] =	ssyncset.done $0x0  }
0x7b: {  	[sflag:s17] =	ssyncadd.s32 $0xFFFFC000  }
0x7c: {  	[tilespmem:s22], [sflag:$0x2] =	stream.indirect.gather [hbm4b:s4+s20], $0x80, s25, s20, $0xb8;
	[tilespmem:$0x1FC00] =	vst v63  }
0x7d: {  	_ =	swait.ge [sflag:s23], $0x4000  }
0x7e: {  	[sflag:s23] =	ssyncset.done $0x0  }
0x7f: {  	[sflag:s23] =	ssyncadd.s32 $0xFFFFC000  }
0x80: {  	[spmem:s2] =	stream.indirect.scatter.add.f32 [tilespmem:s21], [sflag:$0x4], $0x80, s26, s20, $0xb8;
	[tilespmem:$0x1FC00] =	vst v63  }
0x81: {  	_ =	swait.ge [sflag:s17], $0x4000  }
0x82: {  	[sflag:s17] =	ssyncset.done $0x0  }
0x83: {  	[sflag:s17] =	ssyncadd.s32 $0xFFFFC000  }
0x84: {  	_ =	swait.ge [sflag:s24], $0x4000  }
0x85: {  	[sflag:s24] =	ssyncset.done $0x0  }
0x86: {  	[sflag:s24] =	ssyncadd.s32 $0xFFFFC000  }
0x87: {  	[spmem:s2] =	stream.indirect.scatter.add.f32 [tilespmem:s22], [sflag:$0x4], $0x80, s28, s20, $0xb8;
	[tilespmem:$0x1FC00] =	vst v63  }
0x88: {  	_ =	swait.ge [sflag:s17], $0x4000  }
0x89: {  	[sflag:s17] =	ssyncset.done $0x0  }
0x8a: {  	s31 =	simm.s32 $0x0;
	[sflag:s17] =	ssyncadd.s32 $0xFFFFC000  }
0x8b: {  	[tilespmem:s31], [sflag:$0x4] =	stream.linear.gather [hbm4b:s10+s31], $0x2000, $0x38;
	[tilespmem:$0x1FC00] =	vst v63  }
0x8c: {  	_ =	swait.ge [sflag:s17], $0x2000  }
0x8d: {  	[sflag:s17] =	ssyncset.done $0x0  }
0x8e: {  	[sflag:s17] =	ssyncadd.s32 $0xFFFFE000  }
0x8f: {  	[tilespmem:s18], [sflag:$0x4] =	stream.linear.gather [hbm4b:s11+s31], $0x2000, $0x38;
	[tilespmem:$0x1FC00] =	vst v63  }
0x90: {  	_ =	swait.ge [sflag:s17], $0x2000  }
0x91: {  	[sflag:s17] =	ssyncset.done $0x0  }
0x92: {  	[sflag:s17] =	ssyncadd.s32 $0xFFFFE000  }
0x93: {  	[tilespmem:s21], [sflag:$0x1] =	stream.indirect.gather [hbm4b:s4+s20], $0x80, s31, s20, $0xb8;
	[tilespmem:$0x1FC00] =	vst v63  }
0x94: {  	s1 =	simm.s32 $0x80  }
0x95: {  	[tilespmem:s22], [sflag:$0x2] =	stream.indirect.gather [hbm4b:s4+s20], $0x80, s1, s20, $0xb8;
	[tilespmem:$0x1FC00] =	vst v63  }
0x96: {  	_ =	swait.ge [sflag:s23], $0x4000  }
0x97: {  	[sflag:s23] =	ssyncset.done $0x0  }
0x98: {  	s31 =	simm.s32 $0x2000;
	[sflag:s23] =	ssyncadd.s32 $0xFFFFC000  }
0x99: {  	[spmem:s2] =	stream.indirect.scatter.add.f32 [tilespmem:s21], [sflag:$0x4], $0x80, s31, s20, $0xb8;
	[tilespmem:$0x1FC00] =	vst v63  }
0x9a: {  	_ =	swait.ge [sflag:s17], $0x4000  }
0x9b: {  	[sflag:s17] =	ssyncset.done $0x0  }
0x9c: {  	s1 =	simm.s32 $0x100;
	[sflag:s17] =	ssyncadd.s32 $0xFFFFC000  }
0x9d: {  	[tilespmem:s21], [sflag:$0x1] =	stream.indirect.gather [hbm4b:s4+s20], $0x80, s1, s20, $0xb8;
	[tilespmem:$0x1FC00] =	vst v63  }
0x9e: {  	_ =	swait.ge [sflag:s24], $0x4000  }
0x9f: {  	[sflag:s24] =	ssyncset.done $0x0  }
0xa0: {  	s31 =	simm.s32 $0x2080;
	[sflag:s24] =	ssyncadd.s32 $0xFFFFC000  }
0xa1: {  	[spmem:s2] =	stream.indirect.scatter.add.f32 [tilespmem:s22], [sflag:$0x4], $0x80, s31, s20, $0xb8;
	[tilespmem:$0x1FC00] =	vst v63  }
0xa2: {  	_ =	swait.ge [sflag:s17], $0x4000  }
0xa3: {  	s30 =	simm.s32 $0x800;
	s29 =	simm.s32 $0x100;
	[sflag:s17] =	ssyncset.done $0x0  }
.LBB2_9:
0xa4: {  	s0 =	sadd.s32 $0x80, s29  }
0xa5: {  	[sflag:s17] =	ssyncadd.s32 $0xFFFFC000;
	s1 =	smov.u32 s30;
	s31 =	sadd.s32 $0x400, s30  }
0xa6: {  	[tilespmem:s22], [sflag:$0x2] =	stream.indirect.gather [hbm4b:s4+s20], $0x80, s0, s20, $0xb8;
	[tilespmem:$0x1FC00] =	vst v63  }
0xa7: {  	p1 =	sne.s32 s30, $0x7800;
	_ =	swait.ge [sflag:s23], $0x4000  }
0xa8: {  	[sflag:s23] =	ssyncset.done $0x0  }
0xa9: {  	s0 =	sadd.s32 $0x2000, s29;
	[sflag:s23] =	ssyncadd.s32 $0xFFFFC000  }
0xaa: {  	[spmem:s2] =	stream.indirect.scatter.add.f32 [tilespmem:s21], [sflag:$0x4], $0x80, s0, s20, $0xb8;
	[tilespmem:$0x1FC00] =	vst v63  }
0xab: {  	_ =	swait.ge [sflag:s17], $0x4000  }
0xac: {  	[sflag:s17] =	ssyncset.done $0x0  }
0xad: {  	s0 =	sadd.s32 $0x100, s29;
	[sflag:s17] =	ssyncadd.s32 $0xFFFFC000  }
0xae: {  	[tilespmem:s21], [sflag:$0x1] =	stream.indirect.gather [hbm4b:s4+s20], $0x80, s0, s20, $0xb8;
	[tilespmem:$0x1FC00] =	vst v63  }
0xaf: {  	_ =	swait.ge [sflag:s24], $0x4000  }
.Ltmp4:
0xb0: {  	[sflag:s24] =	ssyncset.done $0x0;
	(pc) =	sbr.rel @p1 .LBB2_9-.Ltmp4, $4  }
0xb1: {  	s0 =	sadd.s32 $0x2080, s29;
	[sflag:s24] =	ssyncadd.s32 $0xFFFFC000  }
0xb2: {  	[spmem:s2] =	stream.indirect.scatter.add.f32 [tilespmem:s22], [sflag:$0x4], $0x80, s0, s20, $0xb8;
	[tilespmem:$0x1FC00] =	vst v63  }
0xb3: {  	_ =	swait.ge [sflag:s17], $0x4000  }
0xb4: {  	s30 =	smov.u32 s31;
	s29 =	sshra.s32 s1, $0x2;
	[sflag:s17] =	ssyncset.done $0x0  }
0xb5: {  	s0 =	sadd.s32 $0x80, s29;
	[sflag:s17] =	ssyncadd.s32 $0xFFFFC000  }
0xb6: {  	[tilespmem:s22], [sflag:$0x2] =	stream.indirect.gather [hbm4b:s4+s20], $0x80, s0, s20, $0xb8;
	[tilespmem:$0x1FC00] =	vst v63  }
0xb7: {  	_ =	swait.ge [sflag:s23], $0x4000  }
0xb8: {  	[sflag:s23] =	ssyncset.done $0x0  }
0xb9: {  	s1 =	sadd.s32 $0x2000, s29;
	[sflag:s23] =	ssyncadd.s32 $0xFFFFC000  }
0xba: {  	[spmem:s2] =	stream.indirect.scatter.add.f32 [tilespmem:s21], [sflag:$0x4], $0x80, s1, s20, $0xb8;
	[tilespmem:$0x1FC00] =	vst v63  }
0xbb: {  	_ =	swait.ge [sflag:s17], $0x4000  }
0xbc: {  	[sflag:s17] =	ssyncset.done $0x0  }
0xbd: {  	s1 =	sadd.s32 $0x100, s29;
	[sflag:s17] =	ssyncadd.s32 $0xFFFFC000  }
0xbe: {  	[tilespmem:s21], [sflag:$0x1] =	stream.indirect.gather [hbm4b:s4+s20], $0x80, s1, s20, $0xb8;
	[tilespmem:$0x1FC00] =	vst v63  }
0xbf: {  	_ =	swait.ge [sflag:s24], $0x4000  }
0xc0: {  	[sflag:s24] =	ssyncset.done $0x0  }
.Ltmp5:
0xc1: {  	s1 =	sadd.s32 $0x2080, s29;
	[sflag:s24] =	ssyncadd.s32 $0xFFFFC000;
	(pc) =	sbr.rel .LBB2_11-.Ltmp5, $4  }
0xc2: {  	[spmem:s2] =	stream.indirect.scatter.add.f32 [tilespmem:s22], [sflag:$0x4], $0x80, s1, s20, $0xb8;
	[tilespmem:$0x1FC00] =	vst v63  }
0xc3: {  	_ =	swait.ge [sflag:s17], $0x4000  }
0xc4: {  	s30 =	simm.s32 $0x3F00;
	[sflag:s17] =	ssyncset.done $0x0  }
0xc5: {  	s31 =	simm.s32 $0x1F80;
	s29 =	simm.s32 $0x3F80;
	[sflag:s17] =	ssyncadd.s32 $0xFFFFC000  }
.LBB2_2:
0xc6: {  	s29 =	simm.s32 $0x0  }
0xc7: {  	[tilespmem:s29], [sflag:$0x4] =	stream.linear.gather [hbm4b:s6+s29], $0x1400, $0x38;
	[tilespmem:$0x1FC00] =	vst v63  }
0xc8: {  	_ =	swait.ge [sflag:s17], $0x1400  }
0xc9: {  	[sflag:s17] =	ssyncset.done $0x0  }
0xca: {  	[sflag:s17] =	ssyncadd.s32 $0xFFFFEC00  }
0xcb: {  	[tilespmem:s18], [sflag:$0x4] =	stream.linear.gather [hbm4b:s7+s29], $0x1400, $0x38;
	[tilespmem:$0x1FC00] =	vst v63  }
0xcc: {  	_ =	swait.ge [sflag:s17], $0x1400  }
0xcd: {  	[sflag:s17] =	ssyncset.done $0x0  }
0xce: {  	[sflag:s17] =	ssyncadd.s32 $0xFFFFEC00  }
0xcf: {  	p2 =	por $0x0, $0x0;
	_ =	swait.ge [sflag:s19], $0x2780  }
.Ltmp6:
0xd0: {  	[sflag:s19] =	ssyncset.done $0x0;
	(pc) =	sbr.rel @p2 .LBB2_5-.Ltmp6, $4  }
0xd1: {  	[sflag:s19] =	ssyncadd.s32 $0xFFFFD880  }
0xd2: {  	[bflag:$0x0] =	sbarrier.arrive $0xFFFF  }
0xd3: {  	[tilespmem:s21], [sflag:$0x1] =	stream.indirect.gather [hbm4b:s4+s20], $0x80, s29, s20, $0xb8;
	[tilespmem:$0x1FC00] =	vst v63  }
0xd4: {  	p1 =	por $0x0, $0x0;
	s29 =	simm.s32 $0x0  }
0xd5: {  	s29 =	simm.s32 $0x80  }
0xd6: {  	[tilespmem:s22], [sflag:$0x2] =	stream.indirect.gather [hbm4b:s4+s20], $0x80, s29, s20, $0xb8;
	[tilespmem:$0x1FC00] =	vst v63  }
0xd7: {  	_ =	swait.ge [sflag:s23], $0x4000  }
0xd8: {  	[sflag:s23] =	ssyncset.done $0x0  }
0xd9: {  	s29 =	simm.s32 $0x2000;
	[sflag:s23] =	ssyncadd.s32 $0xFFFFC000  }
0xda: {  	[spmem:s2] =	stream.indirect.scatter.add.f32 [tilespmem:s21], [sflag:$0x4], $0x80, s29, s20, $0xb8;
	[tilespmem:$0x1FC00] =	vst v63  }
0xdb: {  	_ =	swait.ge [sflag:s17], $0x4000  }
0xdc: {  	[sflag:s17] =	ssyncset.done $0x0  }
0xdd: {  	s29 =	simm.s32 $0x100;
	[sflag:s17] =	ssyncadd.s32 $0xFFFFC000  }
0xde: {  	[tilespmem:s21], [sflag:$0x1] =	stream.indirect.gather [hbm4b:s4+s20], $0x80, s29, s20, $0xb8;
	[tilespmem:$0x1FC00] =	vst v63  }
0xdf: {  	p2 =	por $0x0, $0x0;
	_ =	swait.ge [sflag:s24], $0x4000  }
.Ltmp7:
0xe0: {  	[sflag:s24] =	ssyncset.done $0x0;
	(pc) =	sbr.rel @p2 .LBB2_5-.Ltmp7, $4  }
0xe1: {  	s29 =	simm.s32 $0x2080;
	[sflag:s24] =	ssyncadd.s32 $0xFFFFC000  }
0xe2: {  	[spmem:s2] =	stream.indirect.scatter.add.f32 [tilespmem:s22], [sflag:$0x4], $0x80, s29, s20, $0xb8;
	[tilespmem:$0x1FC00] =	vst v63  }
0xe3: {  	s30 =	simm.s32 $0x800;
	_ =	swait.ge [sflag:s17], $0x4000  }
0xe4: {  	p1 =	por $0x1, $0x1;
	s29 =	simm.s32 $0x100;
	[sflag:s17] =	ssyncset.done $0x0  }
.LBB2_4:
0xe5: {  	s31 =	sadd.s32 $0x80, s29  }
0xe6: {  	[sflag:s17] =	ssyncadd.s32 $0xFFFFC000;
	s0 =	smov.u32 s30;
	s1 =	sadd.s32 $0x400, s30  }
0xe7: {  	[tilespmem:s22], [sflag:$0x2] =	stream.indirect.gather [hbm4b:s4+s20], $0x80, s31, s20, $0xb8;
	[tilespmem:$0x1FC00] =	vst v63  }
0xe8: {  	p2 =	seq.s32 s30, $0x4800;
	_ =	swait.ge [sflag:s23], $0x4000  }
0xe9: {  	[sflag:s23] =	ssyncset.done $0x0  }
0xea: {  	s30 =	sadd.s32 $0x2000, s29;
	[sflag:s23] =	ssyncadd.s32 $0xFFFFC000  }
0xeb: {  	[spmem:s2] =	stream.indirect.scatter.add.f32 [tilespmem:s21], [sflag:$0x4], $0x80, s30, s20, $0xb8;
	[tilespmem:$0x1FC00] =	vst v63  }
0xec: {  	_ =	swait.ge [sflag:s17], $0x4000  }
0xed: {  	[sflag:s17] =	ssyncset.done $0x0  }
0xee: {  	s30 =	sadd.s32 $0x100, s29;
	[sflag:s17] =	ssyncadd.s32 $0xFFFFC000  }
0xef: {  	[tilespmem:s21], [sflag:$0x1] =	stream.indirect.gather [hbm4b:s4+s20], $0x80, s30, s20, $0xb8;
	[tilespmem:$0x1FC00] =	vst v63  }
0xf0: {  	_ =	swait.ge [sflag:s24], $0x4000  }
.Ltmp8:
0xf1: {  	[sflag:s24] =	ssyncset.done $0x0;
	(pc) =	sbr.rel @!p2 .LBB2_4-.Ltmp8, $4  }
0xf2: {  	s29 =	sadd.s32 $0x2080, s29;
	[sflag:s24] =	ssyncadd.s32 $0xFFFFC000  }
0xf3: {  	[spmem:s2] =	stream.indirect.scatter.add.f32 [tilespmem:s22], [sflag:$0x4], $0x80, s29, s20, $0xb8;
	[tilespmem:$0x1FC00] =	vst v63  }
0xf4: {  	_ =	swait.ge [sflag:s17], $0x4000  }
0xf5: {  	s30 =	smov.u32 s1;
	s29 =	sshra.s32 s0, $0x2;
	[sflag:s17] =	ssyncset.done $0x0  }
.Ltmp9:
0xf6: {  	_ = 	snop;
	(pc) =	sbr.rel .LBB2_5-.Ltmp9, $1  }
0xf7: {  	_ =	sdelay $0x3  }
.LBB2_12:
0xf8: {  	_ =	sfence.sel $0x180000  }
0xf9: {  	[bflag:$0x0] =	sbarrier.arrive $0xFFFF  }
0xfa: {  	_ =	strace $0x9000004D  }
0xfb: {  	s0 =	stileid.u32;
	[bflag:$0x2] =	sbarrier.arrive $0xFFFF  }
0xfc: {  	p0 =	sne.s32 s0, $0x0;
	s0 =	rddreg [dreg:$0x2]  }
0xfd: {  	s0 =	sadd.s32 @!p0 $0x100000, s0  }
0xfe: {  	[sflag:s0] =	ssyncadd.tile.s32 @!p0 $0x1;
	_ =	shalt  }
.Lfunc_end2:
_tile_overlayer_lowered:
.L_overlay_start_2:
0xff: {  	(tag) =	ssettag $0x2  }
0x100: {  	s0 =	rddreg [dreg:$0x0];
	s2 =	stileid.u32  }
0x101: {  	s1 =	rddreg [dreg:$0x1];
	p0 =	sne.s32 s2, $0x0  }
0x102: {  	s3 =	rddreg [dreg:$0x2];
	[bflag:$0x3] =	sbarrier.arrive $0xFFFF;
	s2 =	simm.s32 @!p0 $0x1C04  }
0x103: {  	[timem:s3], [sflag:s2] =	dma.local @!p0 [hbm:s0], s1  }
0x104: {  	s0 =	simm.s32 @!p0 $0x4  }
0x105: {  	_ =	swait.ge @!p0 [sflag:s0], s1  }
0x106: {  	s1 =	ssub.s32 @!p0 $0x0, s1;
	[sflag:s0] =	ssyncset.done @!p0 $0x0  }
0x107: {  	[sflag:s0] =	ssyncadd.s32 @!p0 s1  }
0x108: {  	[bflag:$0x3] =	sbarrier.arrive $0xFFFF  }
0x109: {  	_ =	shalt  }

</sc_bundles>
